<compile_context>
chip_gen: v7x
topology: tpu7x:2x2x1
jax: 0.10.2.dev20260603
libtpu: 0.0.44.dev20260713+nightly
codegen_flags: <defaults>
</compile_context>

<pallas_src>
import jax
import jax.numpy as jnp
from jax import lax
from jax.experimental import pallas as pl
from jax.experimental.pallas import tpu as pltpu
from jax.experimental.pallas import tpu_sc as plsc

_T, _B, _N = 512, 1024, 64
_NC, _NS = 2, 16
_NW = _NC * _NS
_CB = _B // _NW
_E = _T * _CB
_CHUNK = 512
_NCH = _E // _CHUNK
_TPC = _CHUNK // _CB
_APC = 8


def _retrace_body(qv_hbm, rat_hbm, act_hbm, rew_hbm, wts_hbm, vp_hbm, gam_hbm,
                  out_hbm,
                  act_v, idx_v, qg_v, rg_v, rew_v, wts_v, vp_v, gam_v,
                  sem_a, sem, sem_q, sem_r):
    wid = lax.axis_index("s") * _NC + lax.axis_index("c")
    base = wid * _CB
    grp = wid >> 2
    off = (wid & 3) * _CB
    lanes = lax.broadcasted_iota(jnp.int32, (16,), 0)

    def act_fire(k, carry):
        p = _APC - 1 - k
        pltpu.async_copy(act_hbm.at[pl.ds(8 * p, 8), grp, :, pl.ds(off, _CB)],
                         act_v.at[pl.ds(8 * p, 8)], sem_a)
        return carry
    lax.fori_loop(0, _APC, act_fire, 0)
    pltpu.async_copy(rew_hbm.at[:, grp, :, pl.ds(off, _CB)], rew_v, sem)
    pltpu.async_copy(wts_hbm.at[:, grp, :, pl.ds(off, _CB)], wts_v, sem)
    pltpu.async_copy(vp_hbm.at[:, pl.ds(base, _CB)], vp_v, sem)
    pltpu.async_copy(gam_hbm, gam_v, sem)

    bq0 = ((base + lanes) >> 7) * 1024 + ((base + lanes) & 127)
    bq1 = ((base + 16 + lanes) >> 7) * 1024 + ((base + 16 + lanes) & 127)

    def fire_body(i, carry):
        c = _NCH - 1 - i

        @pl.when(c % (_NCH // _APC) == _NCH // _APC - 1)
        def _wait_act_slab():
            p = c // (_NCH // _APC)
            pltpu.make_async_copy(
                act_hbm.at[pl.ds(8 * p, 8), grp, :, pl.ds(off, _CB)],
                act_v.at[pl.ds(8 * p, 8)], sem_a).wait()

        for j in range(_TPC):
            t = c * _TPC + j
            tb = t * (_B * _N)
            a0 = act_v[t >> 3, t & 7, pl.ds(0, 16)]
            a1 = act_v[t >> 3, t & 7, pl.ds(16, 16)]
            f0 = tb + (a0 >> 3) * (8 * _B) + (a0 & 7) * 128 + bq0
            f1 = tb + (a1 >> 3) * (8 * _B) + (a1 & 7) * 128 + bq1
            idx_v[c, pl.ds(j * _CB, 16)] = f0
            idx_v[c, pl.ds(j * _CB + 16, 16)] = f1
        pltpu.async_copy(qv_hbm.at[idx_v.at[c]], qg_v.at[c], sem_q)
        pltpu.async_copy(rat_hbm.at[idx_v.at[c]], rg_v.at[c], sem_r)
        return carry
    lax.fori_loop(0, _NCH, fire_body, 0)

    pltpu.make_async_copy(rew_hbm.at[:, grp, :, pl.ds(off, _CB)],
                          rew_v, sem).wait()
    pltpu.make_async_copy(wts_hbm.at[:, grp, :, pl.ds(off, _CB)],
                          wts_v, sem).wait()
    pltpu.make_async_copy(vp_hbm.at[:, pl.ds(base, _CB)], vp_v, sem).wait()
    pltpu.make_async_copy(gam_hbm, gam_v, sem).wait()

    g = gam_v[...]
    one = jnp.full((16,), 1.0, jnp.float32)

    def scan_chunk(i, carry):
        c = _NCH - 1 - i
        pltpu.make_async_copy(qv_hbm.at[idx_v.at[c]], qg_v.at[c], sem_q).wait()
        pltpu.make_async_copy(rat_hbm.at[idx_v.at[c]], rg_v.at[c], sem_r).wait()
        t0, t1 = carry
        for j in reversed(range(_TPC)):
            t = c * _TPC + j
            th = t >> 3
            tl = t & 7
            col = j * _CB
            r0 = rew_v[th, tl, pl.ds(0, 16)]
            r1 = rew_v[th, tl, pl.ds(16, 16)]
            w0 = wts_v[th, tl, pl.ds(0, 16)]
            w1 = wts_v[th, tl, pl.ds(16, 16)]
            rg0 = rg_v[c, pl.ds(col, 16)]
            rg1 = rg_v[c, pl.ds(col + 16, 16)]
            qg0 = qg_v[c, pl.ds(col, 16)]
            qg1 = qg_v[c, pl.ds(col + 16, 16)]
            v0 = vp_v[t, pl.ds(0, 16)]
            v1 = vp_v[t, pl.ds(16, 16)]
            qr0 = r0 + g * w0 * t0
            qr1 = r1 + g * w1 * t1
            t0 = jnp.minimum(rg0, one) * (qr0 - qg0) + v0
            t1 = jnp.minimum(rg1, one) * (qr1 - qg1) + v1
            rew_v[th, tl, pl.ds(0, 16)] = qr0
            rew_v[th, tl, pl.ds(16, 16)] = qr1
        return (t0, t1)

    tmp0 = vp_v[_T, pl.ds(0, 16)]
    tmp1 = vp_v[_T, pl.ds(16, 16)]
    lax.fori_loop(0, _NCH, scan_chunk, (tmp0, tmp1))

    def out_fire(th, carry):
        pltpu.async_copy(rew_v.at[th],
                         out_hbm.at[pl.ds(8 * th, 8), pl.ds(base, _CB)], sem_a)
        return carry
    lax.fori_loop(0, _T // 8, out_fire, 0)
    pltpu.async_copy(vp_v.at[pl.ds(_T, 1)],
                     out_hbm.at[pl.ds(_T, 1), pl.ds(base, _CB)], sem_a)

    def out_drain(th, carry):
        pltpu.make_async_copy(rew_v.at[th],
                              out_hbm.at[pl.ds(8 * th, 8), pl.ds(base, _CB)],
                              sem_a).wait()
        return carry
    lax.fori_loop(0, _T // 8, out_drain, 0)
    pltpu.make_async_copy(vp_v.at[pl.ds(_T, 1)],
                          out_hbm.at[pl.ds(_T, 1), pl.ds(base, _CB)],
                          sem_a).wait()


def _tile_order_flat(x):
    tp = x.shape[0]
    xt = jnp.transpose(x, (0, 2, 1))
    x5 = xt.reshape(tp, _N // 8, 8, _B // 128, 128)
    x5 = jnp.transpose(x5, (0, 1, 3, 2, 4))
    return x5.reshape(-1)


def _tile_order_4d(x):
    x4 = x.reshape(_T // 8, 8, _B // 128, 128)
    return jnp.transpose(x4, (0, 2, 1, 3))


def kernel(q_values, v_pred, rewards, actions, weights, ratio, gamma):
    qv_flat = _tile_order_flat(q_values)
    rat_flat = _tile_order_flat(ratio)
    act4 = _tile_order_4d(actions.astype(jnp.int32))
    rew4 = _tile_order_4d(rewards)
    wts4 = _tile_order_4d(weights)
    vp = v_pred.reshape(_T + 1, _B)
    gam = jnp.full((16,), gamma, jnp.float32)

    run = pl.kernel(
        _retrace_body,
        out_type=jax.ShapeDtypeStruct((_T + 1, _B), jnp.float32),
        mesh=plsc.VectorSubcoreMesh(core_axis_name="c", subcore_axis_name="s"),
        compiler_params=pltpu.CompilerParams(use_tc_tiling_on_sc=False),
        scratch_types=[
            pltpu.VMEM((_T // 8, 8, _CB), jnp.int32),
            pltpu.VMEM((_NCH, _CHUNK), jnp.int32),
            pltpu.VMEM((_NCH, _CHUNK), jnp.float32),
            pltpu.VMEM((_NCH, _CHUNK), jnp.float32),
            pltpu.VMEM((_T // 8, 8, _CB), jnp.float32),
            pltpu.VMEM((_T // 8, 8, _CB), jnp.float32),
            pltpu.VMEM((_T + 1, _CB), jnp.float32),
            pltpu.VMEM((16,), jnp.float32),
            pltpu.SemaphoreType.DMA,
            pltpu.SemaphoreType.DMA,
            pltpu.SemaphoreType.DMA,
            pltpu.SemaphoreType.DMA,
        ],
    )
    out = run(qv_flat, rat_flat, act4, rew4, wts4, vp, gam)
    return out.reshape(_T + 1, _B, 1)

# --- scband reference (transcript-rebuilt; emitter-appended) ---
"""Pipeline reference for scband-retrace-24919400251630 (READ-ONLY COPY).

The authoritative reference and input builder live on the scoring server;
editing this copy changes nothing except your own understanding.
"""

import jax, jax.numpy as jnp
import numpy as np

T, B, N = 512, 1024, 64

def setup_inputs(seed: int = 0) -> dict:
    key = jax.random.key(seed)
    k1, k2, k3, k4, k5, k6 = jax.random.split(key, 6)
    q_values = jax.random.normal(k1, (T + 1, B, N), dtype=jnp.float32)
    v_pred = jax.random.normal(k2, (T + 1, B, 1), dtype=jnp.float32)
    rewards = jax.random.normal(k3, (T, B), dtype=jnp.float32)
    actions = jax.random.randint(k4, (T, B), 0, N)
    weights = jax.random.uniform(k5, (T, B), dtype=jnp.float32)
    ratio = jax.random.uniform(k6, (T, B, N), dtype=jnp.float32) * 2.0
    gamma = jnp.float32(0.99)
    return {"q_values": q_values, "v_pred": v_pred, "rewards": rewards,
            "actions": actions, "weights": weights, "ratio": ratio,
            "gamma": gamma}

def reference(q_values, v_pred, rewards, actions, weights, ratio, gamma=0.99):
    # Retrace(lambda=1) recursion, matching DI-engine compute_q_retraces / hpc RetraceForward
    rewards_e = rewards[..., None]            # (T, B, 1)
    weights_e = weights[..., None]            # (T, B, 1)
    actions_e = actions[..., None]            # (T, B, 1)
    q_gather = jnp.take_along_axis(q_values[:-1], actions_e, axis=-1)   # (T, B, 1)
    ratio_gather = jnp.take_along_axis(ratio, actions_e, axis=-1)       # (T, B, 1)

    def step(tmp_retraces, xs):
        r_t, w_t, rg_t, qg_t, v_t = xs
        q_ret_t = r_t + gamma * w_t * tmp_retraces
        new_tmp = jnp.minimum(rg_t, 1.0) * (q_ret_t - qg_t) + v_t
        return new_tmp, q_ret_t

    xs = (rewards_e, weights_e, ratio_gather, q_gather, v_pred[:-1])
    tmp0 = v_pred[-1]                         # (B, 1)
    _, q_ret = jax.lax.scan(step, tmp0, xs, reverse=True)   # (T, B, 1)
    q_retraces = jnp.concatenate([q_ret, v_pred[-1:]], axis=0)  # (T+1, B, 1)
    return q_retraces

if __name__ == "__main__":
    import jax
    _d = setup_inputs()
    print(jax.jit(kernel)(*tuple(_d.values())))

</pallas_src>

<mosaic_0001>
#map = affine_map<(d0, d1) -> (0)>
#map1 = affine_map<(d0, d1) -> (0, 0, 0, 0)>
#map2 = affine_map<(d0, d1) -> (0, 0)>
module attributes {stable_mosaic.version = 14 : i64} {
  func.func @_retrace_body(%arg0: i32, %arg1: i32, %arg2: memref<33619968xf32, #tpu.memory_space<hbm>>, %arg3: memref<33554432xf32, #tpu.memory_space<hbm>>, %arg4: memref<64x8x8x128xi32, #tpu.memory_space<hbm>>, %arg5: memref<64x8x8x128xf32, #tpu.memory_space<hbm>>, %arg6: memref<64x8x8x128xf32, #tpu.memory_space<hbm>>, %arg7: memref<513x1024xf32, #tpu.memory_space<hbm>>, %arg8: memref<16xf32, #tpu.memory_space<hbm>>, %arg9: memref<513x1024xf32, #tpu.memory_space<hbm>>, %arg10: memref<64x8x32xi32, #tpu.memory_space<vmem>>, %arg11: memref<32x512xi32, #tpu.memory_space<vmem>>, %arg12: memref<32x512xf32, #tpu.memory_space<vmem>>, %arg13: memref<32x512xf32, #tpu.memory_space<vmem>>, %arg14: memref<64x8x32xf32, #tpu.memory_space<vmem>>, %arg15: memref<64x8x32xf32, #tpu.memory_space<vmem>>, %arg16: memref<513x32xf32, #tpu.memory_space<vmem>>, %arg17: memref<16xf32, #tpu.memory_space<vmem>>, %arg18: memref<!tpu.dma_semaphore, #tpu.memory_space<semaphore_mem>>, %arg19: memref<!tpu.dma_semaphore, #tpu.memory_space<semaphore_mem>>, %arg20: memref<!tpu.dma_semaphore, #tpu.memory_space<semaphore_mem>>, %arg21: memref<!tpu.dma_semaphore, #tpu.memory_space<semaphore_mem>>) attributes {dimension_semantics = [#tpu.dimension_semantics<core_parallel>, #tpu.dimension_semantics<subcore_parallel>], iteration_bounds = array<i64: 2, 16>, scalar_prefetch = 0 : i64, scratch_operands = 12 : i64, tpu.core_type = #tpu.core_type<sc_vector_subcore>, window_params = [{transform_indices = #map}, {transform_indices = #map}, {transform_indices = #map1}, {transform_indices = #map1}, {transform_indices = #map1}, {transform_indices = #map2}, {transform_indices = #map}, {transform_indices = #map2}]} {
    %mul3A = arith.constant 2 : i32
    %mul3A_0 = arith.muli %arg1, %mul3A : i32
    %add3A = arith.addi %mul3A_0, %arg0 : i32
    %mul3A_1 = arith.constant 32 : i32
    %mul3A_2 = arith.muli %add3A, %mul3A_1 : i32
    %shift_right_arithmetic3A = arith.constant 2 : i32
    %shift_right_arithmetic3A_3 = arith.shrsi %add3A, %shift_right_arithmetic3A : i32
    %and3A = arith.constant 3 : i32
    %and3A_4 = arith.andi %add3A, %and3A : i32
    %mul3A_5 = arith.constant 32 : i32
    %mul3A_6 = arith.muli %and3A_4, %mul3A_5 : i32
    %iota3A = tpu.iota {dimensions = array<i32: 0>} : vector<16xi32>
    %scan3A = arith.constant 0 : i32
    %scan3A_7 = arith.constant 0 : i32
    %scan3A_8 = arith.constant 8 : i32
    %scan3A_9 = arith.addi %scan3A_7, %scan3A_8 : i32
    %scan3A_10 = arith.constant 1 : i32
    scf.for %scan3A_139 = %scan3A_7 to %scan3A_9 step %scan3A_10  : i32 {
      %sub3A = arith.constant 7 : i32
      %sub3A_140 = arith.subi %sub3A, %scan3A_139 : i32
      %mul3A_141 = arith.constant 8 : i32
      %mul3A_142 = arith.muli %mul3A_141, %sub3A_140 : i32
      %mul3A_143 = arith.constant 8 : i32
      %mul3A_144 = arith.muli %mul3A_143, %sub3A_140 : i32
      %dma_start3A_145 = arith.constant 0 : i32
      %dma_start3A_146 = arith.constant 0 : i32
      %dma_start3A_147 = tpu.memref_slice %arg10[%mul3A_144, %dma_start3A_145, %dma_start3A_146] : memref<64x8x32xi32, #tpu.memory_space<vmem>> -> memref<8x8x32xi32, #tpu.memory_space<vmem>>
      %dma_start3A_148 = arith.constant 0 : i32
      %dma_start3A_149 = tpu.memref_slice %arg4[%mul3A_142, %shift_right_arithmetic3A_3, %dma_start3A_148, %mul3A_6] : memref<64x8x8x128xi32, #tpu.memory_space<hbm>> -> memref<8x1x8x32xi32, #tpu.memory_space<hbm>>
      %dma_start3A_150 = tpu.memref_squeeze %dma_start3A_149 : memref<8x1x8x32xi32, #tpu.memory_space<hbm>> -> memref<8x8x32xi32, #tpu.memory_space<hbm>>
      %dma_start3A_151 = arith.constant 0 : i32
      %dma_start3A_152 = arith.constant 0 : i32
      %dma_start3A_153 = tpu.memref_slice %arg10[%mul3A_144, %dma_start3A_151, %dma_start3A_152] : memref<64x8x32xi32, #tpu.memory_space<vmem>> -> memref<8x8x32xi32, #tpu.memory_space<vmem>>
      %dma_start3A_154 = arith.constant 0 : i32
      %dma_start3A_155 = tpu.memref_slice %arg4[%mul3A_142, %shift_right_arithmetic3A_3, %dma_start3A_154, %mul3A_6] : memref<64x8x8x128xi32, #tpu.memory_space<hbm>> -> memref<8x1x8x32xi32, #tpu.memory_space<hbm>>
      %dma_start3A_156 = tpu.memref_squeeze %dma_start3A_155 : memref<8x1x8x32xi32, #tpu.memory_space<hbm>> -> memref<8x8x32xi32, #tpu.memory_space<hbm>>
      tpu.enqueue_dma source(%dma_start3A_156 : memref<8x8x32xi32, #tpu.memory_space<hbm>>) target(%dma_start3A_153 : memref<8x8x32xi32, #tpu.memory_space<vmem>>) target_semaphore(%arg18 : memref<!tpu.dma_semaphore, #tpu.memory_space<semaphore_mem>>)
    }
    %scan3A_11 = arith.constant 8 : i32
    %dma_start3A = arith.constant 0 : i32
    %dma_start3A_12 = arith.constant 0 : i32
    %dma_start3A_13 = tpu.memref_slice %arg5[%dma_start3A, %shift_right_arithmetic3A_3, %dma_start3A_12, %mul3A_6] : memref<64x8x8x128xf32, #tpu.memory_space<hbm>> -> memref<64x1x8x32xf32, #tpu.memory_space<hbm>>
    %dma_start3A_14 = tpu.memref_squeeze %dma_start3A_13 : memref<64x1x8x32xf32, #tpu.memory_space<hbm>> -> memref<64x8x32xf32, #tpu.memory_space<hbm>>
    %dma_start3A_15 = arith.constant 0 : i32
    %dma_start3A_16 = arith.constant 0 : i32
    %dma_start3A_17 = tpu.memref_slice %arg5[%dma_start3A_15, %shift_right_arithmetic3A_3, %dma_start3A_16, %mul3A_6] : memref<64x8x8x128xf32, #tpu.memory_space<hbm>> -> memref<64x1x8x32xf32, #tpu.memory_space<hbm>>
    %dma_start3A_18 = tpu.memref_squeeze %dma_start3A_17 : memref<64x1x8x32xf32, #tpu.memory_space<hbm>> -> memref<64x8x32xf32, #tpu.memory_space<hbm>>
    tpu.enqueue_dma source(%dma_start3A_18 : memref<64x8x32xf32, #tpu.memory_space<hbm>>) target(%arg14 : memref<64x8x32xf32, #tpu.memory_space<vmem>>) target_semaphore(%arg19 : memref<!tpu.dma_semaphore, #tpu.memory_space<semaphore_mem>>)
    %dma_start3A_19 = arith.constant 0 : i32
    %dma_start3A_20 = arith.constant 0 : i32
    %dma_start3A_21 = tpu.memref_slice %arg6[%dma_start3A_19, %shift_right_arithmetic3A_3, %dma_start3A_20, %mul3A_6] : memref<64x8x8x128xf32, #tpu.memory_space<hbm>> -> memref<64x1x8x32xf32, #tpu.memory_space<hbm>>
    %dma_start3A_22 = tpu.memref_squeeze %dma_start3A_21 : memref<64x1x8x32xf32, #tpu.memory_space<hbm>> -> memref<64x8x32xf32, #tpu.memory_space<hbm>>
    %dma_start3A_23 = arith.constant 0 : i32
    %dma_start3A_24 = arith.constant 0 : i32
    %dma_start3A_25 = tpu.memref_slice %arg6[%dma_start3A_23, %shift_right_arithmetic3A_3, %dma_start3A_24, %mul3A_6] : memref<64x8x8x128xf32, #tpu.memory_space<hbm>> -> memref<64x1x8x32xf32, #tpu.memory_space<hbm>>
    %dma_start3A_26 = tpu.memref_squeeze %dma_start3A_25 : memref<64x1x8x32xf32, #tpu.memory_space<hbm>> -> memref<64x8x32xf32, #tpu.memory_space<hbm>>
    tpu.enqueue_dma source(%dma_start3A_26 : memref<64x8x32xf32, #tpu.memory_space<hbm>>) target(%arg15 : memref<64x8x32xf32, #tpu.memory_space<vmem>>) target_semaphore(%arg19 : memref<!tpu.dma_semaphore, #tpu.memory_space<semaphore_mem>>)
    %dma_start3A_27 = arith.constant 0 : i32
    %dma_start3A_28 = tpu.memref_slice %arg7[%dma_start3A_27, %mul3A_2] : memref<513x1024xf32, #tpu.memory_space<hbm>> -> memref<513x32xf32, #tpu.memory_space<hbm>>
    %dma_start3A_29 = arith.constant 0 : i32
    %dma_start3A_30 = tpu.memref_slice %arg7[%dma_start3A_29, %mul3A_2] : memref<513x1024xf32, #tpu.memory_space<hbm>> -> memref<513x32xf32, #tpu.memory_space<hbm>>
    tpu.enqueue_dma source(%dma_start3A_30 : memref<513x32xf32, #tpu.memory_space<hbm>>) target(%arg16 : memref<513x32xf32, #tpu.memory_space<vmem>>) target_semaphore(%arg19 : memref<!tpu.dma_semaphore, #tpu.memory_space<semaphore_mem>>)
    tpu.enqueue_dma source(%arg8 : memref<16xf32, #tpu.memory_space<hbm>>) target(%arg17 : memref<16xf32, #tpu.memory_space<vmem>>) target_semaphore(%arg19 : memref<!tpu.dma_semaphore, #tpu.memory_space<semaphore_mem>>)
    %add3A_31 = vector.broadcast %mul3A_2 : i32 to vector<16xi32>
    %add3A_32 = arith.addi %add3A_31, %iota3A : vector<16xi32>
    %shift_right_arithmetic3A_33 = arith.constant 7 : i32
    %shift_right_arithmetic3A_34 = vector.broadcast %shift_right_arithmetic3A_33 : i32 to vector<16xi32>
    %shift_right_arithmetic3A_35 = arith.shrsi %add3A_32, %shift_right_arithmetic3A_34 : vector<16xi32>
    %mul3A_36 = arith.constant 1024 : i32
    %mul3A_37 = vector.broadcast %mul3A_36 : i32 to vector<16xi32>
    %mul3A_38 = arith.muli %shift_right_arithmetic3A_35, %mul3A_37 : vector<16xi32>
    %add3A_39 = vector.broadcast %mul3A_2 : i32 to vector<16xi32>
    %add3A_40 = arith.addi %add3A_39, %iota3A : vector<16xi32>
    %and3A_41 = arith.constant 127 : i32
    %and3A_42 = vector.broadcast %and3A_41 : i32 to vector<16xi32>
    %and3A_43 = arith.andi %add3A_40, %and3A_42 : vector<16xi32>
    %add3A_44 = arith.addi %mul3A_38, %and3A_43 : vector<16xi32>
    %add3A_45 = arith.constant 16 : i32
    %add3A_46 = arith.addi %mul3A_2, %add3A_45 : i32
    %add3A_47 = vector.broadcast %add3A_46 : i32 to vector<16xi32>
    %add3A_48 = arith.addi %add3A_47, %iota3A : vector<16xi32>
    %shift_right_arithmetic3A_49 = arith.constant 7 : i32
    %shift_right_arithmetic3A_50 = vector.broadcast %shift_right_arithmetic3A_49 : i32 to vector<16xi32>
    %shift_right_arithmetic3A_51 = arith.shrsi %add3A_48, %shift_right_arithmetic3A_50 : vector<16xi32>
    %mul3A_52 = arith.constant 1024 : i32
    %mul3A_53 = vector.broadcast %mul3A_52 : i32 to vector<16xi32>
    %mul3A_54 = arith.muli %shift_right_arithmetic3A_51, %mul3A_53 : vector<16xi32>
    %add3A_55 = arith.constant 16 : i32
    %add3A_56 = arith.addi %mul3A_2, %add3A_55 : i32
    %add3A_57 = vector.broadcast %add3A_56 : i32 to vector<16xi32>
    %add3A_58 = arith.addi %add3A_57, %iota3A : vector<16xi32>
    %and3A_59 = arith.constant 127 : i32
    %and3A_60 = vector.broadcast %and3A_59 : i32 to vector<16xi32>
    %and3A_61 = arith.andi %add3A_58, %and3A_60 : vector<16xi32>
    %add3A_62 = arith.addi %mul3A_54, %and3A_61 : vector<16xi32>
    %scan3A_63 = arith.constant 0 : i32
    %scan3A_64 = arith.constant 0 : i32
    %scan3A_65 = arith.constant 32 : i32
    %scan3A_66 = arith.addi %scan3A_64, %scan3A_65 : i32
    %scan3A_67 = arith.constant 1 : i32
    scf.for %scan3A_139 = %scan3A_64 to %scan3A_66 step %scan3A_67  : i32 {
      %sub3A = arith.constant 31 : i32
      %sub3A_140 = arith.subi %sub3A, %scan3A_139 : i32
      %jit3A = arith.constant 4 : i32
      %eq3A = arith.constant 0 : i32
      %eq3A_141 = arith.cmpi eq, %jit3A, %eq3A : i32
      %jit3A_142 = arith.constant 1 : i32
      %select_n3A = arith.select %eq3A_141, %jit3A_142, %jit3A : i32
      %rem3A = arith.remsi %sub3A_140, %select_n3A : i32
      %ne3A = arith.constant 0 : i32
      %ne3A_143 = arith.cmpi ne, %rem3A, %ne3A : i32
      %lt3A = arith.constant 0 : i32
      %lt3A_144 = arith.cmpi slt, %rem3A, %lt3A : i32
      %lt3A_145 = arith.constant 0 : i32
      %lt3A_146 = arith.cmpi slt, %select_n3A, %lt3A_145 : i32
      %ne3A_147 = arith.xori %lt3A_144, %lt3A_146 : i1
      %and3A_148 = arith.andi %ne3A_147, %ne3A_143 : i1
      %add3A_149 = arith.addi %rem3A, %select_n3A : i32
      %select_n3A_150 = arith.select %and3A_148, %add3A_149, %rem3A : i32
      %eq3A_151 = arith.constant 3 : i32
      %eq3A_152 = arith.cmpi eq, %select_n3A_150, %eq3A_151 : i32
      %convert_element_type3A = arith.extui %eq3A_152 : i1 to i32
      %cond3A = arith.constant 0 : i32
      %cond3A_153 = arith.cmpi ne, %convert_element_type3A, %cond3A : i32
      scf.if %cond3A_153 {
        %jit3A_1225 = arith.constant 4 : i32
        %div3A = arith.divsi %sub3A_140, %jit3A_1225 : i32
        %sign3A = arith.constant 0 : i32
        %sign3A_1226 = arith.cmpi sgt, %sub3A_140, %sign3A : i32
        %sign3A_1227 = arith.extui %sign3A_1226 : i1 to i32
        %sign3A_1228 = arith.constant 0 : i32
        %sign3A_1229 = arith.cmpi slt, %sub3A_140, %sign3A_1228 : i32
        %sign3A_1230 = arith.extui %sign3A_1229 : i1 to i32
        %sign3A_1231 = arith.subi %sign3A_1227, %sign3A_1230 : i32
        %sign3A_1232 = arith.constant 0 : i32
        %sign3A_1233 = arith.cmpi sgt, %jit3A_1225, %sign3A_1232 : i32
        %sign3A_1234 = arith.extui %sign3A_1233 : i1 to i32
        %sign3A_1235 = arith.constant 0 : i32
        %sign3A_1236 = arith.cmpi slt, %jit3A_1225, %sign3A_1235 : i32
        %sign3A_1237 = arith.extui %sign3A_1236 : i1 to i32
        %sign3A_1238 = arith.subi %sign3A_1234, %sign3A_1237 : i32
        %ne3A_1239 = arith.cmpi ne, %sign3A_1231, %sign3A_1238 : i32
        %rem3A_1240 = arith.remsi %sub3A_140, %jit3A_1225 : i32
        %ne3A_1241 = arith.constant 0 : i32
        %ne3A_1242 = arith.cmpi ne, %rem3A_1240, %ne3A_1241 : i32
        %and3A_1243 = arith.andi %ne3A_1239, %ne3A_1242 : i1
        %sub3A_1244 = arith.constant 1 : i32
        %sub3A_1245 = arith.subi %div3A, %sub3A_1244 : i32
        %select_n3A_1246 = arith.select %and3A_1243, %sub3A_1245, %div3A : i32
        %mul3A_1247 = arith.constant 8 : i32
        %mul3A_1248 = arith.muli %mul3A_1247, %select_n3A_1246 : i32
        %mul3A_1249 = arith.constant 8 : i32
        %mul3A_1250 = arith.muli %mul3A_1249, %select_n3A_1246 : i32
        %dma_wait3A_1251 = arith.constant 0 : i32
        %dma_wait3A_1252 = arith.constant 0 : i32
        %dma_wait3A_1253 = tpu.memref_slice %arg10[%mul3A_1250, %dma_wait3A_1251, %dma_wait3A_1252] : memref<64x8x32xi32, #tpu.memory_space<vmem>> -> memref<8x8x32xi32, #tpu.memory_space<vmem>>
        %dma_wait3A_1254 = arith.constant 0 : i32
        %dma_wait3A_1255 = tpu.memref_slice %arg4[%mul3A_1248, %shift_right_arithmetic3A_3, %dma_wait3A_1254, %mul3A_6] : memref<64x8x8x128xi32, #tpu.memory_space<hbm>> -> memref<8x1x8x32xi32, #tpu.memory_space<hbm>>
        %dma_wait3A_1256 = tpu.memref_squeeze %dma_wait3A_1255 : memref<8x1x8x32xi32, #tpu.memory_space<hbm>> -> memref<8x8x32xi32, #tpu.memory_space<hbm>>
        %dma_wait3A_1257 = arith.constant 0 : i32
        %dma_wait3A_1258 = arith.constant 0 : i32
        %dma_wait3A_1259 = tpu.memref_slice %arg10[%mul3A_1250, %dma_wait3A_1257, %dma_wait3A_1258] : memref<64x8x32xi32, #tpu.memory_space<vmem>> -> memref<8x8x32xi32, #tpu.memory_space<vmem>>
        %dma_wait3A_1260 = arith.constant 0 : i32
        %dma_wait3A_1261 = tpu.memref_slice %arg4[%mul3A_1248, %shift_right_arithmetic3A_3, %dma_wait3A_1260, %mul3A_6] : memref<64x8x8x128xi32, #tpu.memory_space<hbm>> -> memref<8x1x8x32xi32, #tpu.memory_space<hbm>>
        %dma_wait3A_1262 = tpu.memref_squeeze %dma_wait3A_1261 : memref<8x1x8x32xi32, #tpu.memory_space<hbm>> -> memref<8x8x32xi32, #tpu.memory_space<hbm>>
        tpu.wait_dma2 semaphore(%arg18 : memref<!tpu.dma_semaphore, #tpu.memory_space<semaphore_mem>>) src(%dma_wait3A_1262 : memref<8x8x32xi32, #tpu.memory_space<hbm>>) dst(%dma_wait3A_1259 : memref<8x8x32xi32, #tpu.memory_space<vmem>>)
      } else {
      }
      %mul3A_154 = arith.constant 16 : i32
      %mul3A_155 = arith.muli %sub3A_140, %mul3A_154 : i32
      %add3A_156 = arith.constant 0 : i32
      %add3A_157 = arith.addi %mul3A_155, %add3A_156 : i32
      %mul3A_158 = arith.constant 65536 : i32
      %mul3A_159 = arith.muli %add3A_157, %mul3A_158 : i32
      %shift_right_arithmetic3A_160 = arith.constant 3 : i32
      %shift_right_arithmetic3A_161 = arith.shrsi %add3A_157, %shift_right_arithmetic3A_160 : i32
      %and3A_162 = arith.constant 7 : i32
      %and3A_163 = arith.andi %add3A_157, %and3A_162 : i32
      %get3A_164 = arith.index_cast %shift_right_arithmetic3A_161 : i32 to index
      %get3A_165 = arith.index_cast %and3A_163 : i32 to index
      %get3A_166 = arith.constant 0 : index
      %get3A_167 = tpu.vector_load %arg10[%get3A_164, %get3A_165, %get3A_166] {strides = array<i32>} : memref<64x8x32xi32, #tpu.memory_space<vmem>>, vector<1x1x16xi32>,
      %get3A_168 = vector.shape_cast %get3A_167 : vector<1x1x16xi32> to vector<16xi32>
      %shift_right_arithmetic3A_169 = arith.constant 3 : i32
      %shift_right_arithmetic3A_170 = arith.shrsi %add3A_157, %shift_right_arithmetic3A_169 : i32
      %and3A_171 = arith.constant 7 : i32
      %and3A_172 = arith.andi %add3A_157, %and3A_171 : i32
      %get3A_173 = arith.index_cast %shift_right_arithmetic3A_170 : i32 to index
      %get3A_174 = arith.index_cast %and3A_172 : i32 to index
      %get3A_175 = arith.constant 16 : index
      %get3A_176 = tpu.vector_load %arg10[%get3A_173, %get3A_174, %get3A_175] {strides = array<i32>} : memref<64x8x32xi32, #tpu.memory_space<vmem>>, vector<1x1x16xi32>,
      %get3A_177 = vector.shape_cast %get3A_176 : vector<1x1x16xi32> to vector<16xi32>
      %shift_right_arithmetic3A_178 = arith.constant 3 : i32
      %shift_right_arithmetic3A_179 = vector.broadcast %shift_right_arithmetic3A_178 : i32 to vector<16xi32>
      %shift_right_arithmetic3A_180 = arith.shrsi %get3A_168, %shift_right_arithmetic3A_179 : vector<16xi32>
      %mul3A_181 = arith.constant 8192 : i32
      %mul3A_182 = vector.broadcast %mul3A_181 : i32 to vector<16xi32>
      %mul3A_183 = arith.muli %shift_right_arithmetic3A_180, %mul3A_182 : vector<16xi32>
      %add3A_184 = vector.broadcast %mul3A_159 : i32 to vector<16xi32>
      %add3A_185 = arith.addi %add3A_184, %mul3A_183 : vector<16xi32>
      %and3A_186 = arith.constant 7 : i32
      %and3A_187 = vector.broadcast %and3A_186 : i32 to vector<16xi32>
      %and3A_188 = arith.andi %get3A_168, %and3A_187 : vector<16xi32>
      %mul3A_189 = arith.constant 128 : i32
      %mul3A_190 = vector.broadcast %mul3A_189 : i32 to vector<16xi32>
      %mul3A_191 = arith.muli %and3A_188, %mul3A_190 : vector<16xi32>
      %add3A_192 = arith.addi %add3A_185, %mul3A_191 : vector<16xi32>
      %add3A_193 = arith.addi %add3A_192, %add3A_44 : vector<16xi32>
      %shift_right_arithmetic3A_194 = arith.constant 3 : i32
      %shift_right_arithmetic3A_195 = vector.broadcast %shift_right_arithmetic3A_194 : i32 to vector<16xi32>
      %shift_right_arithmetic3A_196 = arith.shrsi %get3A_177, %shift_right_arithmetic3A_195 : vector<16xi32>
      %mul3A_197 = arith.constant 8192 : i32
      %mul3A_198 = vector.broadcast %mul3A_197 : i32 to vector<16xi32>
      %mul3A_199 = arith.muli %shift_right_arithmetic3A_196, %mul3A_198 : vector<16xi32>
      %add3A_200 = vector.broadcast %mul3A_159 : i32 to vector<16xi32>
      %add3A_201 = arith.addi %add3A_200, %mul3A_199 : vector<16xi32>
      %and3A_202 = arith.constant 7 : i32
      %and3A_203 = vector.broadcast %and3A_202 : i32 to vector<16xi32>
      %and3A_204 = arith.andi %get3A_177, %and3A_203 : vector<16xi32>
      %mul3A_205 = arith.constant 128 : i32
      %mul3A_206 = vector.broadcast %mul3A_205 : i32 to vector<16xi32>
      %mul3A_207 = arith.muli %and3A_204, %mul3A_206 : vector<16xi32>
      %add3A_208 = arith.addi %add3A_201, %mul3A_207 : vector<16xi32>
      %add3A_209 = arith.addi %add3A_208, %add3A_62 : vector<16xi32>
      %swap3A = arith.index_cast %sub3A_140 : i32 to index
      %swap3A_210 = arith.constant 0 : index
      %swap3A_211 = tpu.vector_load %arg11[%swap3A, %swap3A_210] {strides = array<i32>} : memref<32x512xi32, #tpu.memory_space<vmem>>, vector<1x16xi32>,
      %swap3A_212 = vector.shape_cast %swap3A_211 : vector<1x16xi32> to vector<16xi32>
      %swap3A_213 = vector.shape_cast %add3A_193 : vector<16xi32> to vector<1x16xi32>
      tpu.vector_store %arg11[%swap3A, %swap3A_210], %swap3A_213 {strides = array<i32>} : memref<32x512xi32, #tpu.memory_space<vmem>>, vector<1x16xi32>,
      %swap3A_214 = arith.index_cast %sub3A_140 : i32 to index
      %swap3A_215 = arith.constant 16 : index
      %swap3A_216 = tpu.vector_load %arg11[%swap3A_214, %swap3A_215] {strides = array<i32>} : memref<32x512xi32, #tpu.memory_space<vmem>>, vector<1x16xi32>,
      %swap3A_217 = vector.shape_cast %swap3A_216 : vector<1x16xi32> to vector<16xi32>
      %swap3A_218 = vector.shape_cast %add3A_209 : vector<16xi32> to vector<1x16xi32>
      tpu.vector_store %arg11[%swap3A_214, %swap3A_215], %swap3A_218 {strides = array<i32>} : memref<32x512xi32, #tpu.memory_space<vmem>>, vector<1x16xi32>,
      %mul3A_219 = arith.constant 16 : i32
      %mul3A_220 = arith.muli %sub3A_140, %mul3A_219 : i32
      %add3A_221 = arith.constant 1 : i32
      %add3A_222 = arith.addi %mul3A_220, %add3A_221 : i32
      %mul3A_223 = arith.constant 65536 : i32
      %mul3A_224 = arith.muli %add3A_222, %mul3A_223 : i32
      %shift_right_arithmetic3A_225 = arith.constant 3 : i32
      %shift_right_arithmetic3A_226 = arith.shrsi %add3A_222, %shift_right_arithmetic3A_225 : i32
      %and3A_227 = arith.constant 7 : i32
      %and3A_228 = arith.andi %add3A_222, %and3A_227 : i32
      %get3A_229 = arith.index_cast %shift_right_arithmetic3A_226 : i32 to index
      %get3A_230 = arith.index_cast %and3A_228 : i32 to index
      %get3A_231 = arith.constant 0 : index
      %get3A_232 = tpu.vector_load %arg10[%get3A_229, %get3A_230, %get3A_231] {strides = array<i32>} : memref<64x8x32xi32, #tpu.memory_space<vmem>>, vector<1x1x16xi32>,
      %get3A_233 = vector.shape_cast %get3A_232 : vector<1x1x16xi32> to vector<16xi32>
      %shift_right_arithmetic3A_234 = arith.constant 3 : i32
      %shift_right_arithmetic3A_235 = arith.shrsi %add3A_222, %shift_right_arithmetic3A_234 : i32
      %and3A_236 = arith.constant 7 : i32
      %and3A_237 = arith.andi %add3A_222, %and3A_236 : i32
      %get3A_238 = arith.index_cast %shift_right_arithmetic3A_235 : i32 to index
      %get3A_239 = arith.index_cast %and3A_237 : i32 to index
      %get3A_240 = arith.constant 16 : index
      %get3A_241 = tpu.vector_load %arg10[%get3A_238, %get3A_239, %get3A_240] {strides = array<i32>} : memref<64x8x32xi32, #tpu.memory_space<vmem>>, vector<1x1x16xi32>,
      %get3A_242 = vector.shape_cast %get3A_241 : vector<1x1x16xi32> to vector<16xi32>
      %shift_right_arithmetic3A_243 = arith.constant 3 : i32
      %shift_right_arithmetic3A_244 = vector.broadcast %shift_right_arithmetic3A_243 : i32 to vector<16xi32>
      %shift_right_arithmetic3A_245 = arith.shrsi %get3A_233, %shift_right_arithmetic3A_244 : vector<16xi32>
      %mul3A_246 = arith.constant 8192 : i32
      %mul3A_247 = vector.broadcast %mul3A_246 : i32 to vector<16xi32>
      %mul3A_248 = arith.muli %shift_right_arithmetic3A_245, %mul3A_247 : vector<16xi32>
      %add3A_249 = vector.broadcast %mul3A_224 : i32 to vector<16xi32>
      %add3A_250 = arith.addi %add3A_249, %mul3A_248 : vector<16xi32>
      %and3A_251 = arith.constant 7 : i32
      %and3A_252 = vector.broadcast %and3A_251 : i32 to vector<16xi32>
      %and3A_253 = arith.andi %get3A_233, %and3A_252 : vector<16xi32>
      %mul3A_254 = arith.constant 128 : i32
      %mul3A_255 = vector.broadcast %mul3A_254 : i32 to vector<16xi32>
      %mul3A_256 = arith.muli %and3A_253, %mul3A_255 : vector<16xi32>
      %add3A_257 = arith.addi %add3A_250, %mul3A_256 : vector<16xi32>
      %add3A_258 = arith.addi %add3A_257, %add3A_44 : vector<16xi32>
      %shift_right_arithmetic3A_259 = arith.constant 3 : i32
      %shift_right_arithmetic3A_260 = vector.broadcast %shift_right_arithmetic3A_259 : i32 to vector<16xi32>
      %shift_right_arithmetic3A_261 = arith.shrsi %get3A_242, %shift_right_arithmetic3A_260 : vector<16xi32>
      %mul3A_262 = arith.constant 8192 : i32
      %mul3A_263 = vector.broadcast %mul3A_262 : i32 to vector<16xi32>
      %mul3A_264 = arith.muli %shift_right_arithmetic3A_261, %mul3A_263 : vector<16xi32>
      %add3A_265 = vector.broadcast %mul3A_224 : i32 to vector<16xi32>
      %add3A_266 = arith.addi %add3A_265, %mul3A_264 : vector<16xi32>
      %and3A_267 = arith.constant 7 : i32
      %and3A_268 = vector.broadcast %and3A_267 : i32 to vector<16xi32>
      %and3A_269 = arith.andi %get3A_242, %and3A_268 : vector<16xi32>
      %mul3A_270 = arith.constant 128 : i32
      %mul3A_271 = vector.broadcast %mul3A_270 : i32 to vector<16xi32>
      %mul3A_272 = arith.muli %and3A_269, %mul3A_271 : vector<16xi32>
      %add3A_273 = arith.addi %add3A_266, %mul3A_272 : vector<16xi32>
      %add3A_274 = arith.addi %add3A_273, %add3A_62 : vector<16xi32>
      %swap3A_275 = arith.index_cast %sub3A_140 : i32 to index
      %swap3A_276 = arith.constant 32 : index
      %swap3A_277 = tpu.vector_load %arg11[%swap3A_275, %swap3A_276] {strides = array<i32>} : memref<32x512xi32, #tpu.memory_space<vmem>>, vector<1x16xi32>,
      %swap3A_278 = vector.shape_cast %swap3A_277 : vector<1x16xi32> to vector<16xi32>
      %swap3A_279 = vector.shape_cast %add3A_258 : vector<16xi32> to vector<1x16xi32>
      tpu.vector_store %arg11[%swap3A_275, %swap3A_276], %swap3A_279 {strides = array<i32>} : memref<32x512xi32, #tpu.memory_space<vmem>>, vector<1x16xi32>,
      %swap3A_280 = arith.index_cast %sub3A_140 : i32 to index
      %swap3A_281 = arith.constant 48 : index
      %swap3A_282 = tpu.vector_load %arg11[%swap3A_280, %swap3A_281] {strides = array<i32>} : memref<32x512xi32, #tpu.memory_space<vmem>>, vector<1x16xi32>,
      %swap3A_283 = vector.shape_cast %swap3A_282 : vector<1x16xi32> to vector<16xi32>
      %swap3A_284 = vector.shape_cast %add3A_274 : vector<16xi32> to vector<1x16xi32>
      tpu.vector_store %arg11[%swap3A_280, %swap3A_281], %swap3A_284 {strides = array<i32>} : memref<32x512xi32, #tpu.memory_space<vmem>>, vector<1x16xi32>,
      %mul3A_285 = arith.constant 16 : i32
      %mul3A_286 = arith.muli %sub3A_140, %mul3A_285 : i32
      %add3A_287 = arith.constant 2 : i32
      %add3A_288 = arith.addi %mul3A_286, %add3A_287 : i32
      %mul3A_289 = arith.constant 65536 : i32
      %mul3A_290 = arith.muli %add3A_288, %mul3A_289 : i32
      %shift_right_arithmetic3A_291 = arith.constant 3 : i32
      %shift_right_arithmetic3A_292 = arith.shrsi %add3A_288, %shift_right_arithmetic3A_291 : i32
      %and3A_293 = arith.constant 7 : i32
      %and3A_294 = arith.andi %add3A_288, %and3A_293 : i32
      %get3A_295 = arith.index_cast %shift_right_arithmetic3A_292 : i32 to index
      %get3A_296 = arith.index_cast %and3A_294 : i32 to index
      %get3A_297 = arith.constant 0 : index
      %get3A_298 = tpu.vector_load %arg10[%get3A_295, %get3A_296, %get3A_297] {strides = array<i32>} : memref<64x8x32xi32, #tpu.memory_space<vmem>>, vector<1x1x16xi32>,
      %get3A_299 = vector.shape_cast %get3A_298 : vector<1x1x16xi32> to vector<16xi32>
      %shift_right_arithmetic3A_300 = arith.constant 3 : i32
      %shift_right_arithmetic3A_301 = arith.shrsi %add3A_288, %shift_right_arithmetic3A_300 : i32
      %and3A_302 = arith.constant 7 : i32
      %and3A_303 = arith.andi %add3A_288, %and3A_302 : i32
      %get3A_304 = arith.index_cast %shift_right_arithmetic3A_301 : i32 to index
      %get3A_305 = arith.index_cast %and3A_303 : i32 to index
      %get3A_306 = arith.constant 16 : index
      %get3A_307 = tpu.vector_load %arg10[%get3A_304, %get3A_305, %get3A_306] {strides = array<i32>} : memref<64x8x32xi32, #tpu.memory_space<vmem>>, vector<1x1x16xi32>,
      %get3A_308 = vector.shape_cast %get3A_307 : vector<1x1x16xi32> to vector<16xi32>
      %shift_right_arithmetic3A_309 = arith.constant 3 : i32
      %shift_right_arithmetic3A_310 = vector.broadcast %shift_right_arithmetic3A_309 : i32 to vector<16xi32>
      %shift_right_arithmetic3A_311 = arith.shrsi %get3A_299, %shift_right_arithmetic3A_310 : vector<16xi32>
      %mul3A_312 = arith.constant 8192 : i32
      %mul3A_313 = vector.broadcast %mul3A_312 : i32 to vector<16xi32>
      %mul3A_314 = arith.muli %shift_right_arithmetic3A_311, %mul3A_313 : vector<16xi32>
      %add3A_315 = vector.broadcast %mul3A_290 : i32 to vector<16xi32>
      %add3A_316 = arith.addi %add3A_315, %mul3A_314 : vector<16xi32>
      %and3A_317 = arith.constant 7 : i32
      %and3A_318 = vector.broadcast %and3A_317 : i32 to vector<16xi32>
      %and3A_319 = arith.andi %get3A_299, %and3A_318 : vector<16xi32>
      %mul3A_320 = arith.constant 128 : i32
      %mul3A_321 = vector.broadcast %mul3A_320 : i32 to vector<16xi32>
      %mul3A_322 = arith.muli %and3A_319, %mul3A_321 : vector<16xi32>
      %add3A_323 = arith.addi %add3A_316, %mul3A_322 : vector<16xi32>
      %add3A_324 = arith.addi %add3A_323, %add3A_44 : vector<16xi32>
      %shift_right_arithmetic3A_325 = arith.constant 3 : i32
      %shift_right_arithmetic3A_326 = vector.broadcast %shift_right_arithmetic3A_325 : i32 to vector<16xi32>
      %shift_right_arithmetic3A_327 = arith.shrsi %get3A_308, %shift_right_arithmetic3A_326 : vector<16xi32>
      %mul3A_328 = arith.constant 8192 : i32
      %mul3A_329 = vector.broadcast %mul3A_328 : i32 to vector<16xi32>
      %mul3A_330 = arith.muli %shift_right_arithmetic3A_327, %mul3A_329 : vector<16xi32>
      %add3A_331 = vector.broadcast %mul3A_290 : i32 to vector<16xi32>
      %add3A_332 = arith.addi %add3A_331, %mul3A_330 : vector<16xi32>
      %and3A_333 = arith.constant 7 : i32
      %and3A_334 = vector.broadcast %and3A_333 : i32 to vector<16xi32>
      %and3A_335 = arith.andi %get3A_308, %and3A_334 : vector<16xi32>
      %mul3A_336 = arith.constant 128 : i32
      %mul3A_337 = vector.broadcast %mul3A_336 : i32 to vector<16xi32>
      %mul3A_338 = arith.muli %and3A_335, %mul3A_337 : vector<16xi32>
      %add3A_339 = arith.addi %add3A_332, %mul3A_338 : vector<16xi32>
      %add3A_340 = arith.addi %add3A_339, %add3A_62 : vector<16xi32>
      %swap3A_341 = arith.index_cast %sub3A_140 : i32 to index
      %swap3A_342 = arith.constant 64 : index
      %swap3A_343 = tpu.vector_load %arg11[%swap3A_341, %swap3A_342] {strides = array<i32>} : memref<32x512xi32, #tpu.memory_space<vmem>>, vector<1x16xi32>,
      %swap3A_344 = vector.shape_cast %swap3A_343 : vector<1x16xi32> to vector<16xi32>
      %swap3A_345 = vector.shape_cast %add3A_324 : vector<16xi32> to vector<1x16xi32>
      tpu.vector_store %arg11[%swap3A_341, %swap3A_342], %swap3A_345 {strides = array<i32>} : memref<32x512xi32, #tpu.memory_space<vmem>>, vector<1x16xi32>,
      %swap3A_346 = arith.index_cast %sub3A_140 : i32 to index
      %swap3A_347 = arith.constant 80 : index
      %swap3A_348 = tpu.vector_load %arg11[%swap3A_346, %swap3A_347] {strides = array<i32>} : memref<32x512xi32, #tpu.memory_space<vmem>>, vector<1x16xi32>,
      %swap3A_349 = vector.shape_cast %swap3A_348 : vector<1x16xi32> to vector<16xi32>
      %swap3A_350 = vector.shape_cast %add3A_340 : vector<16xi32> to vector<1x16xi32>
      tpu.vector_store %arg11[%swap3A_346, %swap3A_347], %swap3A_350 {strides = array<i32>} : memref<32x512xi32, #tpu.memory_space<vmem>>, vector<1x16xi32>,
      %mul3A_351 = arith.constant 16 : i32
      %mul3A_352 = arith.muli %sub3A_140, %mul3A_351 : i32
      %add3A_353 = arith.constant 3 : i32
      %add3A_354 = arith.addi %mul3A_352, %add3A_353 : i32
      %mul3A_355 = arith.constant 65536 : i32
      %mul3A_356 = arith.muli %add3A_354, %mul3A_355 : i32
      %shift_right_arithmetic3A_357 = arith.constant 3 : i32
      %shift_right_arithmetic3A_358 = arith.shrsi %add3A_354, %shift_right_arithmetic3A_357 : i32
      %and3A_359 = arith.constant 7 : i32
      %and3A_360 = arith.andi %add3A_354, %and3A_359 : i32
      %get3A_361 = arith.index_cast %shift_right_arithmetic3A_358 : i32 to index
      %get3A_362 = arith.index_cast %and3A_360 : i32 to index
      %get3A_363 = arith.constant 0 : index
      %get3A_364 = tpu.vector_load %arg10[%get3A_361, %get3A_362, %get3A_363] {strides = array<i32>} : memref<64x8x32xi32, #tpu.memory_space<vmem>>, vector<1x1x16xi32>,
      %get3A_365 = vector.shape_cast %get3A_364 : vector<1x1x16xi32> to vector<16xi32>
      %shift_right_arithmetic3A_366 = arith.constant 3 : i32
      %shift_right_arithmetic3A_367 = arith.shrsi %add3A_354, %shift_right_arithmetic3A_366 : i32
      %and3A_368 = arith.constant 7 : i32
      %and3A_369 = arith.andi %add3A_354, %and3A_368 : i32
      %get3A_370 = arith.index_cast %shift_right_arithmetic3A_367 : i32 to index
      %get3A_371 = arith.index_cast %and3A_369 : i32 to index
      %get3A_372 = arith.constant 16 : index
      %get3A_373 = tpu.vector_load %arg10[%get3A_370, %get3A_371, %get3A_372] {strides = array<i32>} : memref<64x8x32xi32, #tpu.memory_space<vmem>>, vector<1x1x16xi32>,
      %get3A_374 = vector.shape_cast %get3A_373 : vector<1x1x16xi32> to vector<16xi32>
      %shift_right_arithmetic3A_375 = arith.constant 3 : i32
      %shift_right_arithmetic3A_376 = vector.broadcast %shift_right_arithmetic3A_375 : i32 to vector<16xi32>
      %shift_right_arithmetic3A_377 = arith.shrsi %get3A_365, %shift_right_arithmetic3A_376 : vector<16xi32>
      %mul3A_378 = arith.constant 8192 : i32
      %mul3A_379 = vector.broadcast %mul3A_378 : i32 to vector<16xi32>
      %mul3A_380 = arith.muli %shift_right_arithmetic3A_377, %mul3A_379 : vector<16xi32>
      %add3A_381 = vector.broadcast %mul3A_356 : i32 to vector<16xi32>
      %add3A_382 = arith.addi %add3A_381, %mul3A_380 : vector<16xi32>
      %and3A_383 = arith.constant 7 : i32
      %and3A_384 = vector.broadcast %and3A_383 : i32 to vector<16xi32>
      %and3A_385 = arith.andi %get3A_365, %and3A_384 : vector<16xi32>
      %mul3A_386 = arith.constant 128 : i32
      %mul3A_387 = vector.broadcast %mul3A_386 : i32 to vector<16xi32>
      %mul3A_388 = arith.muli %and3A_385, %mul3A_387 : vector<16xi32>
      %add3A_389 = arith.addi %add3A_382, %mul3A_388 : vector<16xi32>
      %add3A_390 = arith.addi %add3A_389, %add3A_44 : vector<16xi32>
      %shift_right_arithmetic3A_391 = arith.constant 3 : i32
      %shift_right_arithmetic3A_392 = vector.broadcast %shift_right_arithmetic3A_391 : i32 to vector<16xi32>
      %shift_right_arithmetic3A_393 = arith.shrsi %get3A_374, %shift_right_arithmetic3A_392 : vector<16xi32>
      %mul3A_394 = arith.constant 8192 : i32
      %mul3A_395 = vector.broadcast %mul3A_394 : i32 to vector<16xi32>
      %mul3A_396 = arith.muli %shift_right_arithmetic3A_393, %mul3A_395 : vector<16xi32>
      %add3A_397 = vector.broadcast %mul3A_356 : i32 to vector<16xi32>
      %add3A_398 = arith.addi %add3A_397, %mul3A_396 : vector<16xi32>
      %and3A_399 = arith.constant 7 : i32
      %and3A_400 = vector.broadcast %and3A_399 : i32 to vector<16xi32>
      %and3A_401 = arith.andi %get3A_374, %and3A_400 : vector<16xi32>
      %mul3A_402 = arith.constant 128 : i32
      %mul3A_403 = vector.broadcast %mul3A_402 : i32 to vector<16xi32>
      %mul3A_404 = arith.muli %and3A_401, %mul3A_403 : vector<16xi32>
      %add3A_405 = arith.addi %add3A_398, %mul3A_404 : vector<16xi32>
      %add3A_406 = arith.addi %add3A_405, %add3A_62 : vector<16xi32>
      %swap3A_407 = arith.index_cast %sub3A_140 : i32 to index
      %swap3A_408 = arith.constant 96 : index
      %swap3A_409 = tpu.vector_load %arg11[%swap3A_407, %swap3A_408] {strides = array<i32>} : memref<32x512xi32, #tpu.memory_space<vmem>>, vector<1x16xi32>,
      %swap3A_410 = vector.shape_cast %swap3A_409 : vector<1x16xi32> to vector<16xi32>
      %swap3A_411 = vector.shape_cast %add3A_390 : vector<16xi32> to vector<1x16xi32>
      tpu.vector_store %arg11[%swap3A_407, %swap3A_408], %swap3A_411 {strides = array<i32>} : memref<32x512xi32, #tpu.memory_space<vmem>>, vector<1x16xi32>,
      %swap3A_412 = arith.index_cast %sub3A_140 : i32 to index
      %swap3A_413 = arith.constant 112 : index
      %swap3A_414 = tpu.vector_load %arg11[%swap3A_412, %swap3A_413] {strides = array<i32>} : memref<32x512xi32, #tpu.memory_space<vmem>>, vector<1x16xi32>,
      %swap3A_415 = vector.shape_cast %swap3A_414 : vector<1x16xi32> to vector<16xi32>
      %swap3A_416 = vector.shape_cast %add3A_406 : vector<16xi32> to vector<1x16xi32>
      tpu.vector_store %arg11[%swap3A_412, %swap3A_413], %swap3A_416 {strides = array<i32>} : memref<32x512xi32, #tpu.memory_space<vmem>>, vector<1x16xi32>,
      %mul3A_417 = arith.constant 16 : i32
      %mul3A_418 = arith.muli %sub3A_140, %mul3A_417 : i32
      %add3A_419 = arith.constant 4 : i32
      %add3A_420 = arith.addi %mul3A_418, %add3A_419 : i32
      %mul3A_421 = arith.constant 65536 : i32
      %mul3A_422 = arith.muli %add3A_420, %mul3A_421 : i32
      %shift_right_arithmetic3A_423 = arith.constant 3 : i32
      %shift_right_arithmetic3A_424 = arith.shrsi %add3A_420, %shift_right_arithmetic3A_423 : i32
      %and3A_425 = arith.constant 7 : i32
      %and3A_426 = arith.andi %add3A_420, %and3A_425 : i32
      %get3A_427 = arith.index_cast %shift_right_arithmetic3A_424 : i32 to index
      %get3A_428 = arith.index_cast %and3A_426 : i32 to index
      %get3A_429 = arith.constant 0 : index
      %get3A_430 = tpu.vector_load %arg10[%get3A_427, %get3A_428, %get3A_429] {strides = array<i32>} : memref<64x8x32xi32, #tpu.memory_space<vmem>>, vector<1x1x16xi32>,
      %get3A_431 = vector.shape_cast %get3A_430 : vector<1x1x16xi32> to vector<16xi32>
      %shift_right_arithmetic3A_432 = arith.constant 3 : i32
      %shift_right_arithmetic3A_433 = arith.shrsi %add3A_420, %shift_right_arithmetic3A_432 : i32
      %and3A_434 = arith.constant 7 : i32
      %and3A_435 = arith.andi %add3A_420, %and3A_434 : i32
      %get3A_436 = arith.index_cast %shift_right_arithmetic3A_433 : i32 to index
      %get3A_437 = arith.index_cast %and3A_435 : i32 to index
      %get3A_438 = arith.constant 16 : index
      %get3A_439 = tpu.vector_load %arg10[%get3A_436, %get3A_437, %get3A_438] {strides = array<i32>} : memref<64x8x32xi32, #tpu.memory_space<vmem>>, vector<1x1x16xi32>,
      %get3A_440 = vector.shape_cast %get3A_439 : vector<1x1x16xi32> to vector<16xi32>
      %shift_right_arithmetic3A_441 = arith.constant 3 : i32
      %shift_right_arithmetic3A_442 = vector.broadcast %shift_right_arithmetic3A_441 : i32 to vector<16xi32>
      %shift_right_arithmetic3A_443 = arith.shrsi %get3A_431, %shift_right_arithmetic3A_442 : vector<16xi32>
      %mul3A_444 = arith.constant 8192 : i32
      %mul3A_445 = vector.broadcast %mul3A_444 : i32 to vector<16xi32>
      %mul3A_446 = arith.muli %shift_right_arithmetic3A_443, %mul3A_445 : vector<16xi32>
      %add3A_447 = vector.broadcast %mul3A_422 : i32 to vector<16xi32>
      %add3A_448 = arith.addi %add3A_447, %mul3A_446 : vector<16xi32>
      %and3A_449 = arith.constant 7 : i32
      %and3A_450 = vector.broadcast %and3A_449 : i32 to vector<16xi32>
      %and3A_451 = arith.andi %get3A_431, %and3A_450 : vector<16xi32>
      %mul3A_452 = arith.constant 128 : i32
      %mul3A_453 = vector.broadcast %mul3A_452 : i32 to vector<16xi32>
      %mul3A_454 = arith.muli %and3A_451, %mul3A_453 : vector<16xi32>
      %add3A_455 = arith.addi %add3A_448, %mul3A_454 : vector<16xi32>
      %add3A_456 = arith.addi %add3A_455, %add3A_44 : vector<16xi32>
      %shift_right_arithmetic3A_457 = arith.constant 3 : i32
      %shift_right_arithmetic3A_458 = vector.broadcast %shift_right_arithmetic3A_457 : i32 to vector<16xi32>
      %shift_right_arithmetic3A_459 = arith.shrsi %get3A_440, %shift_right_arithmetic3A_458 : vector<16xi32>
      %mul3A_460 = arith.constant 8192 : i32
      %mul3A_461 = vector.broadcast %mul3A_460 : i32 to vector<16xi32>
      %mul3A_462 = arith.muli %shift_right_arithmetic3A_459, %mul3A_461 : vector<16xi32>
      %add3A_463 = vector.broadcast %mul3A_422 : i32 to vector<16xi32>
      %add3A_464 = arith.addi %add3A_463, %mul3A_462 : vector<16xi32>
      %and3A_465 = arith.constant 7 : i32
      %and3A_466 = vector.broadcast %and3A_465 : i32 to vector<16xi32>
      %and3A_467 = arith.andi %get3A_440, %and3A_466 : vector<16xi32>
      %mul3A_468 = arith.constant 128 : i32
      %mul3A_469 = vector.broadcast %mul3A_468 : i32 to vector<16xi32>
      %mul3A_470 = arith.muli %and3A_467, %mul3A_469 : vector<16xi32>
      %add3A_471 = arith.addi %add3A_464, %mul3A_470 : vector<16xi32>
      %add3A_472 = arith.addi %add3A_471, %add3A_62 : vector<16xi32>
      %swap3A_473 = arith.index_cast %sub3A_140 : i32 to index
      %swap3A_474 = arith.constant 128 : index
      %swap3A_475 = tpu.vector_load %arg11[%swap3A_473, %swap3A_474] {strides = array<i32>} : memref<32x512xi32, #tpu.memory_space<vmem>>, vector<1x16xi32>,
      %swap3A_476 = vector.shape_cast %swap3A_475 : vector<1x16xi32> to vector<16xi32>
      %swap3A_477 = vector.shape_cast %add3A_456 : vector<16xi32> to vector<1x16xi32>
      tpu.vector_store %arg11[%swap3A_473, %swap3A_474], %swap3A_477 {strides = array<i32>} : memref<32x512xi32, #tpu.memory_space<vmem>>, vector<1x16xi32>,
      %swap3A_478 = arith.index_cast %sub3A_140 : i32 to index
      %swap3A_479 = arith.constant 144 : index
      %swap3A_480 = tpu.vector_load %arg11[%swap3A_478, %swap3A_479] {strides = array<i32>} : memref<32x512xi32, #tpu.memory_space<vmem>>, vector<1x16xi32>,
      %swap3A_481 = vector.shape_cast %swap3A_480 : vector<1x16xi32> to vector<16xi32>
      %swap3A_482 = vector.shape_cast %add3A_472 : vector<16xi32> to vector<1x16xi32>
      tpu.vector_store %arg11[%swap3A_478, %swap3A_479], %swap3A_482 {strides = array<i32>} : memref<32x512xi32, #tpu.memory_space<vmem>>, vector<1x16xi32>,
      %mul3A_483 = arith.constant 16 : i32
      %mul3A_484 = arith.muli %sub3A_140, %mul3A_483 : i32
      %add3A_485 = arith.constant 5 : i32
      %add3A_486 = arith.addi %mul3A_484, %add3A_485 : i32
      %mul3A_487 = arith.constant 65536 : i32
      %mul3A_488 = arith.muli %add3A_486, %mul3A_487 : i32
      %shift_right_arithmetic3A_489 = arith.constant 3 : i32
      %shift_right_arithmetic3A_490 = arith.shrsi %add3A_486, %shift_right_arithmetic3A_489 : i32
      %and3A_491 = arith.constant 7 : i32
      %and3A_492 = arith.andi %add3A_486, %and3A_491 : i32
      %get3A_493 = arith.index_cast %shift_right_arithmetic3A_490 : i32 to index
      %get3A_494 = arith.index_cast %and3A_492 : i32 to index
      %get3A_495 = arith.constant 0 : index
      %get3A_496 = tpu.vector_load %arg10[%get3A_493, %get3A_494, %get3A_495] {strides = array<i32>} : memref<64x8x32xi32, #tpu.memory_space<vmem>>, vector<1x1x16xi32>,
      %get3A_497 = vector.shape_cast %get3A_496 : vector<1x1x16xi32> to vector<16xi32>
      %shift_right_arithmetic3A_498 = arith.constant 3 : i32
      %shift_right_arithmetic3A_499 = arith.shrsi %add3A_486, %shift_right_arithmetic3A_498 : i32
      %and3A_500 = arith.constant 7 : i32
      %and3A_501 = arith.andi %add3A_486, %and3A_500 : i32
      %get3A_502 = arith.index_cast %shift_right_arithmetic3A_499 : i32 to index
      %get3A_503 = arith.index_cast %and3A_501 : i32 to index
      %get3A_504 = arith.constant 16 : index
      %get3A_505 = tpu.vector_load %arg10[%get3A_502, %get3A_503, %get3A_504] {strides = array<i32>} : memref<64x8x32xi32, #tpu.memory_space<vmem>>, vector<1x1x16xi32>,
      %get3A_506 = vector.shape_cast %get3A_505 : vector<1x1x16xi32> to vector<16xi32>
      %shift_right_arithmetic3A_507 = arith.constant 3 : i32
      %shift_right_arithmetic3A_508 = vector.broadcast %shift_right_arithmetic3A_507 : i32 to vector<16xi32>
      %shift_right_arithmetic3A_509 = arith.shrsi %get3A_497, %shift_right_arithmetic3A_508 : vector<16xi32>
      %mul3A_510 = arith.constant 8192 : i32
      %mul3A_511 = vector.broadcast %mul3A_510 : i32 to vector<16xi32>
      %mul3A_512 = arith.muli %shift_right_arithmetic3A_509, %mul3A_511 : vector<16xi32>
      %add3A_513 = vector.broadcast %mul3A_488 : i32 to vector<16xi32>
      %add3A_514 = arith.addi %add3A_513, %mul3A_512 : vector<16xi32>
      %and3A_515 = arith.constant 7 : i32
      %and3A_516 = vector.broadcast %and3A_515 : i32 to vector<16xi32>
      %and3A_517 = arith.andi %get3A_497, %and3A_516 : vector<16xi32>
      %mul3A_518 = arith.constant 128 : i32
      %mul3A_519 = vector.broadcast %mul3A_518 : i32 to vector<16xi32>
      %mul3A_520 = arith.muli %and3A_517, %mul3A_519 : vector<16xi32>
      %add3A_521 = arith.addi %add3A_514, %mul3A_520 : vector<16xi32>
      %add3A_522 = arith.addi %add3A_521, %add3A_44 : vector<16xi32>
      %shift_right_arithmetic3A_523 = arith.constant 3 : i32
      %shift_right_arithmetic3A_524 = vector.broadcast %shift_right_arithmetic3A_523 : i32 to vector<16xi32>
      %shift_right_arithmetic3A_525 = arith.shrsi %get3A_506, %shift_right_arithmetic3A_524 : vector<16xi32>
      %mul3A_526 = arith.constant 8192 : i32
      %mul3A_527 = vector.broadcast %mul3A_526 : i32 to vector<16xi32>
      %mul3A_528 = arith.muli %shift_right_arithmetic3A_525, %mul3A_527 : vector<16xi32>
      %add3A_529 = vector.broadcast %mul3A_488 : i32 to vector<16xi32>
      %add3A_530 = arith.addi %add3A_529, %mul3A_528 : vector<16xi32>
      %and3A_531 = arith.constant 7 : i32
      %and3A_532 = vector.broadcast %and3A_531 : i32 to vector<16xi32>
      %and3A_533 = arith.andi %get3A_506, %and3A_532 : vector<16xi32>
      %mul3A_534 = arith.constant 128 : i32
      %mul3A_535 = vector.broadcast %mul3A_534 : i32 to vector<16xi32>
      %mul3A_536 = arith.muli %and3A_533, %mul3A_535 : vector<16xi32>
      %add3A_537 = arith.addi %add3A_530, %mul3A_536 : vector<16xi32>
      %add3A_538 = arith.addi %add3A_537, %add3A_62 : vector<16xi32>
      %swap3A_539 = arith.index_cast %sub3A_140 : i32 to index
      %swap3A_540 = arith.constant 160 : index
      %swap3A_541 = tpu.vector_load %arg11[%swap3A_539, %swap3A_540] {strides = array<i32>} : memref<32x512xi32, #tpu.memory_space<vmem>>, vector<1x16xi32>,
      %swap3A_542 = vector.shape_cast %swap3A_541 : vector<1x16xi32> to vector<16xi32>
      %swap3A_543 = vector.shape_cast %add3A_522 : vector<16xi32> to vector<1x16xi32>
      tpu.vector_store %arg11[%swap3A_539, %swap3A_540], %swap3A_543 {strides = array<i32>} : memref<32x512xi32, #tpu.memory_space<vmem>>, vector<1x16xi32>,
      %swap3A_544 = arith.index_cast %sub3A_140 : i32 to index
      %swap3A_545 = arith.constant 176 : index
      %swap3A_546 = tpu.vector_load %arg11[%swap3A_544, %swap3A_545] {strides = array<i32>} : memref<32x512xi32, #tpu.memory_space<vmem>>, vector<1x16xi32>,
      %swap3A_547 = vector.shape_cast %swap3A_546 : vector<1x16xi32> to vector<16xi32>
      %swap3A_548 = vector.shape_cast %add3A_538 : vector<16xi32> to vector<1x16xi32>
      tpu.vector_store %arg11[%swap3A_544, %swap3A_545], %swap3A_548 {strides = array<i32>} : memref<32x512xi32, #tpu.memory_space<vmem>>, vector<1x16xi32>,
      %mul3A_549 = arith.constant 16 : i32
      %mul3A_550 = arith.muli %sub3A_140, %mul3A_549 : i32
      %add3A_551 = arith.constant 6 : i32
      %add3A_552 = arith.addi %mul3A_550, %add3A_551 : i32
      %mul3A_553 = arith.constant 65536 : i32
      %mul3A_554 = arith.muli %add3A_552, %mul3A_553 : i32
      %shift_right_arithmetic3A_555 = arith.constant 3 : i32
      %shift_right_arithmetic3A_556 = arith.shrsi %add3A_552, %shift_right_arithmetic3A_555 : i32
      %and3A_557 = arith.constant 7 : i32
      %and3A_558 = arith.andi %add3A_552, %and3A_557 : i32
      %get3A_559 = arith.index_cast %shift_right_arithmetic3A_556 : i32 to index
      %get3A_560 = arith.index_cast %and3A_558 : i32 to index
      %get3A_561 = arith.constant 0 : index
      %get3A_562 = tpu.vector_load %arg10[%get3A_559, %get3A_560, %get3A_561] {strides = array<i32>} : memref<64x8x32xi32, #tpu.memory_space<vmem>>, vector<1x1x16xi32>,
      %get3A_563 = vector.shape_cast %get3A_562 : vector<1x1x16xi32> to vector<16xi32>
      %shift_right_arithmetic3A_564 = arith.constant 3 : i32
      %shift_right_arithmetic3A_565 = arith.shrsi %add3A_552, %shift_right_arithmetic3A_564 : i32
      %and3A_566 = arith.constant 7 : i32
      %and3A_567 = arith.andi %add3A_552, %and3A_566 : i32
      %get3A_568 = arith.index_cast %shift_right_arithmetic3A_565 : i32 to index
      %get3A_569 = arith.index_cast %and3A_567 : i32 to index
      %get3A_570 = arith.constant 16 : index
      %get3A_571 = tpu.vector_load %arg10[%get3A_568, %get3A_569, %get3A_570] {strides = array<i32>} : memref<64x8x32xi32, #tpu.memory_space<vmem>>, vector<1x1x16xi32>,
      %get3A_572 = vector.shape_cast %get3A_571 : vector<1x1x16xi32> to vector<16xi32>
      %shift_right_arithmetic3A_573 = arith.constant 3 : i32
      %shift_right_arithmetic3A_574 = vector.broadcast %shift_right_arithmetic3A_573 : i32 to vector<16xi32>
      %shift_right_arithmetic3A_575 = arith.shrsi %get3A_563, %shift_right_arithmetic3A_574 : vector<16xi32>
      %mul3A_576 = arith.constant 8192 : i32
      %mul3A_577 = vector.broadcast %mul3A_576 : i32 to vector<16xi32>
      %mul3A_578 = arith.muli %shift_right_arithmetic3A_575, %mul3A_577 : vector<16xi32>
      %add3A_579 = vector.broadcast %mul3A_554 : i32 to vector<16xi32>
      %add3A_580 = arith.addi %add3A_579, %mul3A_578 : vector<16xi32>
      %and3A_581 = arith.constant 7 : i32
      %and3A_582 = vector.broadcast %and3A_581 : i32 to vector<16xi32>
      %and3A_583 = arith.andi %get3A_563, %and3A_582 : vector<16xi32>
      %mul3A_584 = arith.constant 128 : i32
      %mul3A_585 = vector.broadcast %mul3A_584 : i32 to vector<16xi32>
      %mul3A_586 = arith.muli %and3A_583, %mul3A_585 : vector<16xi32>
      %add3A_587 = arith.addi %add3A_580, %mul3A_586 : vector<16xi32>
      %add3A_588 = arith.addi %add3A_587, %add3A_44 : vector<16xi32>
      %shift_right_arithmetic3A_589 = arith.constant 3 : i32
      %shift_right_arithmetic3A_590 = vector.broadcast %shift_right_arithmetic3A_589 : i32 to vector<16xi32>
      %shift_right_arithmetic3A_591 = arith.shrsi %get3A_572, %shift_right_arithmetic3A_590 : vector<16xi32>
      %mul3A_592 = arith.constant 8192 : i32
      %mul3A_593 = vector.broadcast %mul3A_592 : i32 to vector<16xi32>
      %mul3A_594 = arith.muli %shift_right_arithmetic3A_591, %mul3A_593 : vector<16xi32>
      %add3A_595 = vector.broadcast %mul3A_554 : i32 to vector<16xi32>
      %add3A_596 = arith.addi %add3A_595, %mul3A_594 : vector<16xi32>
      %and3A_597 = arith.constant 7 : i32
      %and3A_598 = vector.broadcast %and3A_597 : i32 to vector<16xi32>
      %and3A_599 = arith.andi %get3A_572, %and3A_598 : vector<16xi32>
      %mul3A_600 = arith.constant 128 : i32
      %mul3A_601 = vector.broadcast %mul3A_600 : i32 to vector<16xi32>
      %mul3A_602 = arith.muli %and3A_599, %mul3A_601 : vector<16xi32>
      %add3A_603 = arith.addi %add3A_596, %mul3A_602 : vector<16xi32>
      %add3A_604 = arith.addi %add3A_603, %add3A_62 : vector<16xi32>
      %swap3A_605 = arith.index_cast %sub3A_140 : i32 to index
      %swap3A_606 = arith.constant 192 : index
      %swap3A_607 = tpu.vector_load %arg11[%swap3A_605, %swap3A_606] {strides = array<i32>} : memref<32x512xi32, #tpu.memory_space<vmem>>, vector<1x16xi32>,
      %swap3A_608 = vector.shape_cast %swap3A_607 : vector<1x16xi32> to vector<16xi32>
      %swap3A_609 = vector.shape_cast %add3A_588 : vector<16xi32> to vector<1x16xi32>
      tpu.vector_store %arg11[%swap3A_605, %swap3A_606], %swap3A_609 {strides = array<i32>} : memref<32x512xi32, #tpu.memory_space<vmem>>, vector<1x16xi32>,
      %swap3A_610 = arith.index_cast %sub3A_140 : i32 to index
      %swap3A_611 = arith.constant 208 : index
      %swap3A_612 = tpu.vector_load %arg11[%swap3A_610, %swap3A_611] {strides = array<i32>} : memref<32x512xi32, #tpu.memory_space<vmem>>, vector<1x16xi32>,
      %swap3A_613 = vector.shape_cast %swap3A_612 : vector<1x16xi32> to vector<16xi32>
      %swap3A_614 = vector.shape_cast %add3A_604 : vector<16xi32> to vector<1x16xi32>
      tpu.vector_store %arg11[%swap3A_610, %swap3A_611], %swap3A_614 {strides = array<i32>} : memref<32x512xi32, #tpu.memory_space<vmem>>, vector<1x16xi32>,
      %mul3A_615 = arith.constant 16 : i32
      %mul3A_616 = arith.muli %sub3A_140, %mul3A_615 : i32
      %add3A_617 = arith.constant 7 : i32
      %add3A_618 = arith.addi %mul3A_616, %add3A_617 : i32
      %mul3A_619 = arith.constant 65536 : i32
      %mul3A_620 = arith.muli %add3A_618, %mul3A_619 : i32
      %shift_right_arithmetic3A_621 = arith.constant 3 : i32
      %shift_right_arithmetic3A_622 = arith.shrsi %add3A_618, %shift_right_arithmetic3A_621 : i32
      %and3A_623 = arith.constant 7 : i32
      %and3A_624 = arith.andi %add3A_618, %and3A_623 : i32
      %get3A_625 = arith.index_cast %shift_right_arithmetic3A_622 : i32 to index
      %get3A_626 = arith.index_cast %and3A_624 : i32 to index
      %get3A_627 = arith.constant 0 : index
      %get3A_628 = tpu.vector_load %arg10[%get3A_625, %get3A_626, %get3A_627] {strides = array<i32>} : memref<64x8x32xi32, #tpu.memory_space<vmem>>, vector<1x1x16xi32>,
      %get3A_629 = vector.shape_cast %get3A_628 : vector<1x1x16xi32> to vector<16xi32>
      %shift_right_arithmetic3A_630 = arith.constant 3 : i32
      %shift_right_arithmetic3A_631 = arith.shrsi %add3A_618, %shift_right_arithmetic3A_630 : i32
      %and3A_632 = arith.constant 7 : i32
      %and3A_633 = arith.andi %add3A_618, %and3A_632 : i32
      %get3A_634 = arith.index_cast %shift_right_arithmetic3A_631 : i32 to index
      %get3A_635 = arith.index_cast %and3A_633 : i32 to index
      %get3A_636 = arith.constant 16 : index
      %get3A_637 = tpu.vector_load %arg10[%get3A_634, %get3A_635, %get3A_636] {strides = array<i32>} : memref<64x8x32xi32, #tpu.memory_space<vmem>>, vector<1x1x16xi32>,
      %get3A_638 = vector.shape_cast %get3A_637 : vector<1x1x16xi32> to vector<16xi32>
      %shift_right_arithmetic3A_639 = arith.constant 3 : i32
      %shift_right_arithmetic3A_640 = vector.broadcast %shift_right_arithmetic3A_639 : i32 to vector<16xi32>
      %shift_right_arithmetic3A_641 = arith.shrsi %get3A_629, %shift_right_arithmetic3A_640 : vector<16xi32>
      %mul3A_642 = arith.constant 8192 : i32
      %mul3A_643 = vector.broadcast %mul3A_642 : i32 to vector<16xi32>
      %mul3A_644 = arith.muli %shift_right_arithmetic3A_641, %mul3A_643 : vector<16xi32>
      %add3A_645 = vector.broadcast %mul3A_620 : i32 to vector<16xi32>
      %add3A_646 = arith.addi %add3A_645, %mul3A_644 : vector<16xi32>
      %and3A_647 = arith.constant 7 : i32
      %and3A_648 = vector.broadcast %and3A_647 : i32 to vector<16xi32>
      %and3A_649 = arith.andi %get3A_629, %and3A_648 : vector<16xi32>
      %mul3A_650 = arith.constant 128 : i32
      %mul3A_651 = vector.broadcast %mul3A_650 : i32 to vector<16xi32>
      %mul3A_652 = arith.muli %and3A_649, %mul3A_651 : vector<16xi32>
      %add3A_653 = arith.addi %add3A_646, %mul3A_652 : vector<16xi32>
      %add3A_654 = arith.addi %add3A_653, %add3A_44 : vector<16xi32>
      %shift_right_arithmetic3A_655 = arith.constant 3 : i32
      %shift_right_arithmetic3A_656 = vector.broadcast %shift_right_arithmetic3A_655 : i32 to vector<16xi32>
      %shift_right_arithmetic3A_657 = arith.shrsi %get3A_638, %shift_right_arithmetic3A_656 : vector<16xi32>
      %mul3A_658 = arith.constant 8192 : i32
      %mul3A_659 = vector.broadcast %mul3A_658 : i32 to vector<16xi32>
      %mul3A_660 = arith.muli %shift_right_arithmetic3A_657, %mul3A_659 : vector<16xi32>
      %add3A_661 = vector.broadcast %mul3A_620 : i32 to vector<16xi32>
      %add3A_662 = arith.addi %add3A_661, %mul3A_660 : vector<16xi32>
      %and3A_663 = arith.constant 7 : i32
      %and3A_664 = vector.broadcast %and3A_663 : i32 to vector<16xi32>
      %and3A_665 = arith.andi %get3A_638, %and3A_664 : vector<16xi32>
      %mul3A_666 = arith.constant 128 : i32
      %mul3A_667 = vector.broadcast %mul3A_666 : i32 to vector<16xi32>
      %mul3A_668 = arith.muli %and3A_665, %mul3A_667 : vector<16xi32>
      %add3A_669 = arith.addi %add3A_662, %mul3A_668 : vector<16xi32>
      %add3A_670 = arith.addi %add3A_669, %add3A_62 : vector<16xi32>
      %swap3A_671 = arith.index_cast %sub3A_140 : i32 to index
      %swap3A_672 = arith.constant 224 : index
      %swap3A_673 = tpu.vector_load %arg11[%swap3A_671, %swap3A_672] {strides = array<i32>} : memref<32x512xi32, #tpu.memory_space<vmem>>, vector<1x16xi32>,
      %swap3A_674 = vector.shape_cast %swap3A_673 : vector<1x16xi32> to vector<16xi32>
      %swap3A_675 = vector.shape_cast %add3A_654 : vector<16xi32> to vector<1x16xi32>
      tpu.vector_store %arg11[%swap3A_671, %swap3A_672], %swap3A_675 {strides = array<i32>} : memref<32x512xi32, #tpu.memory_space<vmem>>, vector<1x16xi32>,
      %swap3A_676 = arith.index_cast %sub3A_140 : i32 to index
      %swap3A_677 = arith.constant 240 : index
      %swap3A_678 = tpu.vector_load %arg11[%swap3A_676, %swap3A_677] {strides = array<i32>} : memref<32x512xi32, #tpu.memory_space<vmem>>, vector<1x16xi32>,
      %swap3A_679 = vector.shape_cast %swap3A_678 : vector<1x16xi32> to vector<16xi32>
      %swap3A_680 = vector.shape_cast %add3A_670 : vector<16xi32> to vector<1x16xi32>
      tpu.vector_store %arg11[%swap3A_676, %swap3A_677], %swap3A_680 {strides = array<i32>} : memref<32x512xi32, #tpu.memory_space<vmem>>, vector<1x16xi32>,
      %mul3A_681 = arith.constant 16 : i32
      %mul3A_682 = arith.muli %sub3A_140, %mul3A_681 : i32
      %add3A_683 = arith.constant 8 : i32
      %add3A_684 = arith.addi %mul3A_682, %add3A_683 : i32
      %mul3A_685 = arith.constant 65536 : i32
      %mul3A_686 = arith.muli %add3A_684, %mul3A_685 : i32
      %shift_right_arithmetic3A_687 = arith.constant 3 : i32
      %shift_right_arithmetic3A_688 = arith.shrsi %add3A_684, %shift_right_arithmetic3A_687 : i32
      %and3A_689 = arith.constant 7 : i32
      %and3A_690 = arith.andi %add3A_684, %and3A_689 : i32
      %get3A_691 = arith.index_cast %shift_right_arithmetic3A_688 : i32 to index
      %get3A_692 = arith.index_cast %and3A_690 : i32 to index
      %get3A_693 = arith.constant 0 : index
      %get3A_694 = tpu.vector_load %arg10[%get3A_691, %get3A_692, %get3A_693] {strides = array<i32>} : memref<64x8x32xi32, #tpu.memory_space<vmem>>, vector<1x1x16xi32>,
      %get3A_695 = vector.shape_cast %get3A_694 : vector<1x1x16xi32> to vector<16xi32>
      %shift_right_arithmetic3A_696 = arith.constant 3 : i32
      %shift_right_arithmetic3A_697 = arith.shrsi %add3A_684, %shift_right_arithmetic3A_696 : i32
      %and3A_698 = arith.constant 7 : i32
      %and3A_699 = arith.andi %add3A_684, %and3A_698 : i32
      %get3A_700 = arith.index_cast %shift_right_arithmetic3A_697 : i32 to index
      %get3A_701 = arith.index_cast %and3A_699 : i32 to index
      %get3A_702 = arith.constant 16 : index
      %get3A_703 = tpu.vector_load %arg10[%get3A_700, %get3A_701, %get3A_702] {strides = array<i32>} : memref<64x8x32xi32, #tpu.memory_space<vmem>>, vector<1x1x16xi32>,
      %get3A_704 = vector.shape_cast %get3A_703 : vector<1x1x16xi32> to vector<16xi32>
      %shift_right_arithmetic3A_705 = arith.constant 3 : i32
      %shift_right_arithmetic3A_706 = vector.broadcast %shift_right_arithmetic3A_705 : i32 to vector<16xi32>
      %shift_right_arithmetic3A_707 = arith.shrsi %get3A_695, %shift_right_arithmetic3A_706 : vector<16xi32>
      %mul3A_708 = arith.constant 8192 : i32
      %mul3A_709 = vector.broadcast %mul3A_708 : i32 to vector<16xi32>
      %mul3A_710 = arith.muli %shift_right_arithmetic3A_707, %mul3A_709 : vector<16xi32>
      %add3A_711 = vector.broadcast %mul3A_686 : i32 to vector<16xi32>
      %add3A_712 = arith.addi %add3A_711, %mul3A_710 : vector<16xi32>
      %and3A_713 = arith.constant 7 : i32
      %and3A_714 = vector.broadcast %and3A_713 : i32 to vector<16xi32>
      %and3A_715 = arith.andi %get3A_695, %and3A_714 : vector<16xi32>
      %mul3A_716 = arith.constant 128 : i32
      %mul3A_717 = vector.broadcast %mul3A_716 : i32 to vector<16xi32>
      %mul3A_718 = arith.muli %and3A_715, %mul3A_717 : vector<16xi32>
      %add3A_719 = arith.addi %add3A_712, %mul3A_718 : vector<16xi32>
      %add3A_720 = arith.addi %add3A_719, %add3A_44 : vector<16xi32>
      %shift_right_arithmetic3A_721 = arith.constant 3 : i32
      %shift_right_arithmetic3A_722 = vector.broadcast %shift_right_arithmetic3A_721 : i32 to vector<16xi32>
      %shift_right_arithmetic3A_723 = arith.shrsi %get3A_704, %shift_right_arithmetic3A_722 : vector<16xi32>
      %mul3A_724 = arith.constant 8192 : i32
      %mul3A_725 = vector.broadcast %mul3A_724 : i32 to vector<16xi32>
      %mul3A_726 = arith.muli %shift_right_arithmetic3A_723, %mul3A_725 : vector<16xi32>
      %add3A_727 = vector.broadcast %mul3A_686 : i32 to vector<16xi32>
      %add3A_728 = arith.addi %add3A_727, %mul3A_726 : vector<16xi32>
      %and3A_729 = arith.constant 7 : i32
      %and3A_730 = vector.broadcast %and3A_729 : i32 to vector<16xi32>
      %and3A_731 = arith.andi %get3A_704, %and3A_730 : vector<16xi32>
      %mul3A_732 = arith.constant 128 : i32
      %mul3A_733 = vector.broadcast %mul3A_732 : i32 to vector<16xi32>
      %mul3A_734 = arith.muli %and3A_731, %mul3A_733 : vector<16xi32>
      %add3A_735 = arith.addi %add3A_728, %mul3A_734 : vector<16xi32>
      %add3A_736 = arith.addi %add3A_735, %add3A_62 : vector<16xi32>
      %swap3A_737 = arith.index_cast %sub3A_140 : i32 to index
      %swap3A_738 = arith.constant 256 : index
      %swap3A_739 = tpu.vector_load %arg11[%swap3A_737, %swap3A_738] {strides = array<i32>} : memref<32x512xi32, #tpu.memory_space<vmem>>, vector<1x16xi32>,
      %swap3A_740 = vector.shape_cast %swap3A_739 : vector<1x16xi32> to vector<16xi32>
      %swap3A_741 = vector.shape_cast %add3A_720 : vector<16xi32> to vector<1x16xi32>
      tpu.vector_store %arg11[%swap3A_737, %swap3A_738], %swap3A_741 {strides = array<i32>} : memref<32x512xi32, #tpu.memory_space<vmem>>, vector<1x16xi32>,
      %swap3A_742 = arith.index_cast %sub3A_140 : i32 to index
      %swap3A_743 = arith.constant 272 : index
      %swap3A_744 = tpu.vector_load %arg11[%swap3A_742, %swap3A_743] {strides = array<i32>} : memref<32x512xi32, #tpu.memory_space<vmem>>, vector<1x16xi32>,
      %swap3A_745 = vector.shape_cast %swap3A_744 : vector<1x16xi32> to vector<16xi32>
      %swap3A_746 = vector.shape_cast %add3A_736 : vector<16xi32> to vector<1x16xi32>
      tpu.vector_store %arg11[%swap3A_742, %swap3A_743], %swap3A_746 {strides = array<i32>} : memref<32x512xi32, #tpu.memory_space<vmem>>, vector<1x16xi32>,
      %mul3A_747 = arith.constant 16 : i32
      %mul3A_748 = arith.muli %sub3A_140, %mul3A_747 : i32
      %add3A_749 = arith.constant 9 : i32
      %add3A_750 = arith.addi %mul3A_748, %add3A_749 : i32
      %mul3A_751 = arith.constant 65536 : i32
      %mul3A_752 = arith.muli %add3A_750, %mul3A_751 : i32
      %shift_right_arithmetic3A_753 = arith.constant 3 : i32
      %shift_right_arithmetic3A_754 = arith.shrsi %add3A_750, %shift_right_arithmetic3A_753 : i32
      %and3A_755 = arith.constant 7 : i32
      %and3A_756 = arith.andi %add3A_750, %and3A_755 : i32
      %get3A_757 = arith.index_cast %shift_right_arithmetic3A_754 : i32 to index
      %get3A_758 = arith.index_cast %and3A_756 : i32 to index
      %get3A_759 = arith.constant 0 : index
      %get3A_760 = tpu.vector_load %arg10[%get3A_757, %get3A_758, %get3A_759] {strides = array<i32>} : memref<64x8x32xi32, #tpu.memory_space<vmem>>, vector<1x1x16xi32>,
      %get3A_761 = vector.shape_cast %get3A_760 : vector<1x1x16xi32> to vector<16xi32>
      %shift_right_arithmetic3A_762 = arith.constant 3 : i32
      %shift_right_arithmetic3A_763 = arith.shrsi %add3A_750, %shift_right_arithmetic3A_762 : i32
      %and3A_764 = arith.constant 7 : i32
      %and3A_765 = arith.andi %add3A_750, %and3A_764 : i32
      %get3A_766 = arith.index_cast %shift_right_arithmetic3A_763 : i32 to index
      %get3A_767 = arith.index_cast %and3A_765 : i32 to index
      %get3A_768 = arith.constant 16 : index
      %get3A_769 = tpu.vector_load %arg10[%get3A_766, %get3A_767, %get3A_768] {strides = array<i32>} : memref<64x8x32xi32, #tpu.memory_space<vmem>>, vector<1x1x16xi32>,
      %get3A_770 = vector.shape_cast %get3A_769 : vector<1x1x16xi32> to vector<16xi32>
      %shift_right_arithmetic3A_771 = arith.constant 3 : i32
      %shift_right_arithmetic3A_772 = vector.broadcast %shift_right_arithmetic3A_771 : i32 to vector<16xi32>
      %shift_right_arithmetic3A_773 = arith.shrsi %get3A_761, %shift_right_arithmetic3A_772 : vector<16xi32>
      %mul3A_774 = arith.constant 8192 : i32
      %mul3A_775 = vector.broadcast %mul3A_774 : i32 to vector<16xi32>
      %mul3A_776 = arith.muli %shift_right_arithmetic3A_773, %mul3A_775 : vector<16xi32>
      %add3A_777 = vector.broadcast %mul3A_752 : i32 to vector<16xi32>
      %add3A_778 = arith.addi %add3A_777, %mul3A_776 : vector<16xi32>
      %and3A_779 = arith.constant 7 : i32
      %and3A_780 = vector.broadcast %and3A_779 : i32 to vector<16xi32>
      %and3A_781 = arith.andi %get3A_761, %and3A_780 : vector<16xi32>
      %mul3A_782 = arith.constant 128 : i32
      %mul3A_783 = vector.broadcast %mul3A_782 : i32 to vector<16xi32>
      %mul3A_784 = arith.muli %and3A_781, %mul3A_783 : vector<16xi32>
      %add3A_785 = arith.addi %add3A_778, %mul3A_784 : vector<16xi32>
      %add3A_786 = arith.addi %add3A_785, %add3A_44 : vector<16xi32>
      %shift_right_arithmetic3A_787 = arith.constant 3 : i32
      %shift_right_arithmetic3A_788 = vector.broadcast %shift_right_arithmetic3A_787 : i32 to vector<16xi32>
      %shift_right_arithmetic3A_789 = arith.shrsi %get3A_770, %shift_right_arithmetic3A_788 : vector<16xi32>
      %mul3A_790 = arith.constant 8192 : i32
      %mul3A_791 = vector.broadcast %mul3A_790 : i32 to vector<16xi32>
      %mul3A_792 = arith.muli %shift_right_arithmetic3A_789, %mul3A_791 : vector<16xi32>
      %add3A_793 = vector.broadcast %mul3A_752 : i32 to vector<16xi32>
      %add3A_794 = arith.addi %add3A_793, %mul3A_792 : vector<16xi32>
      %and3A_795 = arith.constant 7 : i32
      %and3A_796 = vector.broadcast %and3A_795 : i32 to vector<16xi32>
      %and3A_797 = arith.andi %get3A_770, %and3A_796 : vector<16xi32>
      %mul3A_798 = arith.constant 128 : i32
      %mul3A_799 = vector.broadcast %mul3A_798 : i32 to vector<16xi32>
      %mul3A_800 = arith.muli %and3A_797, %mul3A_799 : vector<16xi32>
      %add3A_801 = arith.addi %add3A_794, %mul3A_800 : vector<16xi32>
      %add3A_802 = arith.addi %add3A_801, %add3A_62 : vector<16xi32>
      %swap3A_803 = arith.index_cast %sub3A_140 : i32 to index
      %swap3A_804 = arith.constant 288 : index
      %swap3A_805 = tpu.vector_load %arg11[%swap3A_803, %swap3A_804] {strides = array<i32>} : memref<32x512xi32, #tpu.memory_space<vmem>>, vector<1x16xi32>,
      %swap3A_806 = vector.shape_cast %swap3A_805 : vector<1x16xi32> to vector<16xi32>
      %swap3A_807 = vector.shape_cast %add3A_786 : vector<16xi32> to vector<1x16xi32>
      tpu.vector_store %arg11[%swap3A_803, %swap3A_804], %swap3A_807 {strides = array<i32>} : memref<32x512xi32, #tpu.memory_space<vmem>>, vector<1x16xi32>,
      %swap3A_808 = arith.index_cast %sub3A_140 : i32 to index
      %swap3A_809 = arith.constant 304 : index
      %swap3A_810 = tpu.vector_load %arg11[%swap3A_808, %swap3A_809] {strides = array<i32>} : memref<32x512xi32, #tpu.memory_space<vmem>>, vector<1x16xi32>,
      %swap3A_811 = vector.shape_cast %swap3A_810 : vector<1x16xi32> to vector<16xi32>
      %swap3A_812 = vector.shape_cast %add3A_802 : vector<16xi32> to vector<1x16xi32>
      tpu.vector_store %arg11[%swap3A_808, %swap3A_809], %swap3A_812 {strides = array<i32>} : memref<32x512xi32, #tpu.memory_space<vmem>>, vector<1x16xi32>,
      %mul3A_813 = arith.constant 16 : i32
      %mul3A_814 = arith.muli %sub3A_140, %mul3A_813 : i32
      %add3A_815 = arith.constant 10 : i32
      %add3A_816 = arith.addi %mul3A_814, %add3A_815 : i32
      %mul3A_817 = arith.constant 65536 : i32
      %mul3A_818 = arith.muli %add3A_816, %mul3A_817 : i32
      %shift_right_arithmetic3A_819 = arith.constant 3 : i32
      %shift_right_arithmetic3A_820 = arith.shrsi %add3A_816, %shift_right_arithmetic3A_819 : i32
      %and3A_821 = arith.constant 7 : i32
      %and3A_822 = arith.andi %add3A_816, %and3A_821 : i32
      %get3A_823 = arith.index_cast %shift_right_arithmetic3A_820 : i32 to index
      %get3A_824 = arith.index_cast %and3A_822 : i32 to index
      %get3A_825 = arith.constant 0 : index
      %get3A_826 = tpu.vector_load %arg10[%get3A_823, %get3A_824, %get3A_825] {strides = array<i32>} : memref<64x8x32xi32, #tpu.memory_space<vmem>>, vector<1x1x16xi32>,
      %get3A_827 = vector.shape_cast %get3A_826 : vector<1x1x16xi32> to vector<16xi32>
      %shift_right_arithmetic3A_828 = arith.constant 3 : i32
      %shift_right_arithmetic3A_829 = arith.shrsi %add3A_816, %shift_right_arithmetic3A_828 : i32
      %and3A_830 = arith.constant 7 : i32
      %and3A_831 = arith.andi %add3A_816, %and3A_830 : i32
      %get3A_832 = arith.index_cast %shift_right_arithmetic3A_829 : i32 to index
      %get3A_833 = arith.index_cast %and3A_831 : i32 to index
      %get3A_834 = arith.constant 16 : index
      %get3A_835 = tpu.vector_load %arg10[%get3A_832, %get3A_833, %get3A_834] {strides = array<i32>} : memref<64x8x32xi32, #tpu.memory_space<vmem>>, vector<1x1x16xi32>,
      %get3A_836 = vector.shape_cast %get3A_835 : vector<1x1x16xi32> to vector<16xi32>
      %shift_right_arithmetic3A_837 = arith.constant 3 : i32
      %shift_right_arithmetic3A_838 = vector.broadcast %shift_right_arithmetic3A_837 : i32 to vector<16xi32>
      %shift_right_arithmetic3A_839 = arith.shrsi %get3A_827, %shift_right_arithmetic3A_838 : vector<16xi32>
      %mul3A_840 = arith.constant 8192 : i32
      %mul3A_841 = vector.broadcast %mul3A_840 : i32 to vector<16xi32>
      %mul3A_842 = arith.muli %shift_right_arithmetic3A_839, %mul3A_841 : vector<16xi32>
      %add3A_843 = vector.broadcast %mul3A_818 : i32 to vector<16xi32>
      %add3A_844 = arith.addi %add3A_843, %mul3A_842 : vector<16xi32>
      %and3A_845 = arith.constant 7 : i32
      %and3A_846 = vector.broadcast %and3A_845 : i32 to vector<16xi32>
      %and3A_847 = arith.andi %get3A_827, %and3A_846 : vector<16xi32>
      %mul3A_848 = arith.constant 128 : i32
      %mul3A_849 = vector.broadcast %mul3A_848 : i32 to vector<16xi32>
      %mul3A_850 = arith.muli %and3A_847, %mul3A_849 : vector<16xi32>
      %add3A_851 = arith.addi %add3A_844, %mul3A_850 : vector<16xi32>
      %add3A_852 = arith.addi %add3A_851, %add3A_44 : vector<16xi32>
      %shift_right_arithmetic3A_853 = arith.constant 3 : i32
      %shift_right_arithmetic3A_854 = vector.broadcast %shift_right_arithmetic3A_853 : i32 to vector<16xi32>
      %shift_right_arithmetic3A_855 = arith.shrsi %get3A_836, %shift_right_arithmetic3A_854 : vector<16xi32>
      %mul3A_856 = arith.constant 8192 : i32
      %mul3A_857 = vector.broadcast %mul3A_856 : i32 to vector<16xi32>
      %mul3A_858 = arith.muli %shift_right_arithmetic3A_855, %mul3A_857 : vector<16xi32>
      %add3A_859 = vector.broadcast %mul3A_818 : i32 to vector<16xi32>
      %add3A_860 = arith.addi %add3A_859, %mul3A_858 : vector<16xi32>
      %and3A_861 = arith.constant 7 : i32
      %and3A_862 = vector.broadcast %and3A_861 : i32 to vector<16xi32>
      %and3A_863 = arith.andi %get3A_836, %and3A_862 : vector<16xi32>
      %mul3A_864 = arith.constant 128 : i32
      %mul3A_865 = vector.broadcast %mul3A_864 : i32 to vector<16xi32>
      %mul3A_866 = arith.muli %and3A_863, %mul3A_865 : vector<16xi32>
      %add3A_867 = arith.addi %add3A_860, %mul3A_866 : vector<16xi32>
      %add3A_868 = arith.addi %add3A_867, %add3A_62 : vector<16xi32>
      %swap3A_869 = arith.index_cast %sub3A_140 : i32 to index
      %swap3A_870 = arith.constant 320 : index
      %swap3A_871 = tpu.vector_load %arg11[%swap3A_869, %swap3A_870] {strides = array<i32>} : memref<32x512xi32, #tpu.memory_space<vmem>>, vector<1x16xi32>,
      %swap3A_872 = vector.shape_cast %swap3A_871 : vector<1x16xi32> to vector<16xi32>
      %swap3A_873 = vector.shape_cast %add3A_852 : vector<16xi32> to vector<1x16xi32>
      tpu.vector_store %arg11[%swap3A_869, %swap3A_870], %swap3A_873 {strides = array<i32>} : memref<32x512xi32, #tpu.memory_space<vmem>>, vector<1x16xi32>,
      %swap3A_874 = arith.index_cast %sub3A_140 : i32 to index
      %swap3A_875 = arith.constant 336 : index
      %swap3A_876 = tpu.vector_load %arg11[%swap3A_874, %swap3A_875] {strides = array<i32>} : memref<32x512xi32, #tpu.memory_space<vmem>>, vector<1x16xi32>,
      %swap3A_877 = vector.shape_cast %swap3A_876 : vector<1x16xi32> to vector<16xi32>
      %swap3A_878 = vector.shape_cast %add3A_868 : vector<16xi32> to vector<1x16xi32>
      tpu.vector_store %arg11[%swap3A_874, %swap3A_875], %swap3A_878 {strides = array<i32>} : memref<32x512xi32, #tpu.memory_space<vmem>>, vector<1x16xi32>,
      %mul3A_879 = arith.constant 16 : i32
      %mul3A_880 = arith.muli %sub3A_140, %mul3A_879 : i32
      %add3A_881 = arith.constant 11 : i32
      %add3A_882 = arith.addi %mul3A_880, %add3A_881 : i32
      %mul3A_883 = arith.constant 65536 : i32
      %mul3A_884 = arith.muli %add3A_882, %mul3A_883 : i32
      %shift_right_arithmetic3A_885 = arith.constant 3 : i32
      %shift_right_arithmetic3A_886 = arith.shrsi %add3A_882, %shift_right_arithmetic3A_885 : i32
      %and3A_887 = arith.constant 7 : i32
      %and3A_888 = arith.andi %add3A_882, %and3A_887 : i32
      %get3A_889 = arith.index_cast %shift_right_arithmetic3A_886 : i32 to index
      %get3A_890 = arith.index_cast %and3A_888 : i32 to index
      %get3A_891 = arith.constant 0 : index
      %get3A_892 = tpu.vector_load %arg10[%get3A_889, %get3A_890, %get3A_891] {strides = array<i32>} : memref<64x8x32xi32, #tpu.memory_space<vmem>>, vector<1x1x16xi32>,
      %get3A_893 = vector.shape_cast %get3A_892 : vector<1x1x16xi32> to vector<16xi32>
      %shift_right_arithmetic3A_894 = arith.constant 3 : i32
      %shift_right_arithmetic3A_895 = arith.shrsi %add3A_882, %shift_right_arithmetic3A_894 : i32
      %and3A_896 = arith.constant 7 : i32
      %and3A_897 = arith.andi %add3A_882, %and3A_896 : i32
      %get3A_898 = arith.index_cast %shift_right_arithmetic3A_895 : i32 to index
      %get3A_899 = arith.index_cast %and3A_897 : i32 to index
      %get3A_900 = arith.constant 16 : index
      %get3A_901 = tpu.vector_load %arg10[%get3A_898, %get3A_899, %get3A_900] {strides = array<i32>} : memref<64x8x32xi32, #tpu.memory_space<vmem>>, vector<1x1x16xi32>,
      %get3A_902 = vector.shape_cast %get3A_901 : vector<1x1x16xi32> to vector<16xi32>
      %shift_right_arithmetic3A_903 = arith.constant 3 : i32
      %shift_right_arithmetic3A_904 = vector.broadcast %shift_right_arithmetic3A_903 : i32 to vector<16xi32>
      %shift_right_arithmetic3A_905 = arith.shrsi %get3A_893, %shift_right_arithmetic3A_904 : vector<16xi32>
      %mul3A_906 = arith.constant 8192 : i32
      %mul3A_907 = vector.broadcast %mul3A_906 : i32 to vector<16xi32>
      %mul3A_908 = arith.muli %shift_right_arithmetic3A_905, %mul3A_907 : vector<16xi32>
      %add3A_909 = vector.broadcast %mul3A_884 : i32 to vector<16xi32>
      %add3A_910 = arith.addi %add3A_909, %mul3A_908 : vector<16xi32>
      %and3A_911 = arith.constant 7 : i32
      %and3A_912 = vector.broadcast %and3A_911 : i32 to vector<16xi32>
      %and3A_913 = arith.andi %get3A_893, %and3A_912 : vector<16xi32>
      %mul3A_914 = arith.constant 128 : i32
      %mul3A_915 = vector.broadcast %mul3A_914 : i32 to vector<16xi32>
      %mul3A_916 = arith.muli %and3A_913, %mul3A_915 : vector<16xi32>
      %add3A_917 = arith.addi %add3A_910, %mul3A_916 : vector<16xi32>
      %add3A_918 = arith.addi %add3A_917, %add3A_44 : vector<16xi32>
      %shift_right_arithmetic3A_919 = arith.constant 3 : i32
      %shift_right_arithmetic3A_920 = vector.broadcast %shift_right_arithmetic3A_919 : i32 to vector<16xi32>
      %shift_right_arithmetic3A_921 = arith.shrsi %get3A_902, %shift_right_arithmetic3A_920 : vector<16xi32>
      %mul3A_922 = arith.constant 8192 : i32
      %mul3A_923 = vector.broadcast %mul3A_922 : i32 to vector<16xi32>
      %mul3A_924 = arith.muli %shift_right_arithmetic3A_921, %mul3A_923 : vector<16xi32>
      %add3A_925 = vector.broadcast %mul3A_884 : i32 to vector<16xi32>
      %add3A_926 = arith.addi %add3A_925, %mul3A_924 : vector<16xi32>
      %and3A_927 = arith.constant 7 : i32
      %and3A_928 = vector.broadcast %and3A_927 : i32 to vector<16xi32>
      %and3A_929 = arith.andi %get3A_902, %and3A_928 : vector<16xi32>
      %mul3A_930 = arith.constant 128 : i32
      %mul3A_931 = vector.broadcast %mul3A_930 : i32 to vector<16xi32>
      %mul3A_932 = arith.muli %and3A_929, %mul3A_931 : vector<16xi32>
      %add3A_933 = arith.addi %add3A_926, %mul3A_932 : vector<16xi32>
      %add3A_934 = arith.addi %add3A_933, %add3A_62 : vector<16xi32>
      %swap3A_935 = arith.index_cast %sub3A_140 : i32 to index
      %swap3A_936 = arith.constant 352 : index
      %swap3A_937 = tpu.vector_load %arg11[%swap3A_935, %swap3A_936] {strides = array<i32>} : memref<32x512xi32, #tpu.memory_space<vmem>>, vector<1x16xi32>,
      %swap3A_938 = vector.shape_cast %swap3A_937 : vector<1x16xi32> to vector<16xi32>
      %swap3A_939 = vector.shape_cast %add3A_918 : vector<16xi32> to vector<1x16xi32>
      tpu.vector_store %arg11[%swap3A_935, %swap3A_936], %swap3A_939 {strides = array<i32>} : memref<32x512xi32, #tpu.memory_space<vmem>>, vector<1x16xi32>,
      %swap3A_940 = arith.index_cast %sub3A_140 : i32 to index
      %swap3A_941 = arith.constant 368 : index
      %swap3A_942 = tpu.vector_load %arg11[%swap3A_940, %swap3A_941] {strides = array<i32>} : memref<32x512xi32, #tpu.memory_space<vmem>>, vector<1x16xi32>,
      %swap3A_943 = vector.shape_cast %swap3A_942 : vector<1x16xi32> to vector<16xi32>
      %swap3A_944 = vector.shape_cast %add3A_934 : vector<16xi32> to vector<1x16xi32>
      tpu.vector_store %arg11[%swap3A_940, %swap3A_941], %swap3A_944 {strides = array<i32>} : memref<32x512xi32, #tpu.memory_space<vmem>>, vector<1x16xi32>,
      %mul3A_945 = arith.constant 16 : i32
      %mul3A_946 = arith.muli %sub3A_140, %mul3A_945 : i32
      %add3A_947 = arith.constant 12 : i32
      %add3A_948 = arith.addi %mul3A_946, %add3A_947 : i32
      %mul3A_949 = arith.constant 65536 : i32
      %mul3A_950 = arith.muli %add3A_948, %mul3A_949 : i32
      %shift_right_arithmetic3A_951 = arith.constant 3 : i32
      %shift_right_arithmetic3A_952 = arith.shrsi %add3A_948, %shift_right_arithmetic3A_951 : i32
      %and3A_953 = arith.constant 7 : i32
      %and3A_954 = arith.andi %add3A_948, %and3A_953 : i32
      %get3A_955 = arith.index_cast %shift_right_arithmetic3A_952 : i32 to index
      %get3A_956 = arith.index_cast %and3A_954 : i32 to index
      %get3A_957 = arith.constant 0 : index
      %get3A_958 = tpu.vector_load %arg10[%get3A_955, %get3A_956, %get3A_957] {strides = array<i32>} : memref<64x8x32xi32, #tpu.memory_space<vmem>>, vector<1x1x16xi32>,
      %get3A_959 = vector.shape_cast %get3A_958 : vector<1x1x16xi32> to vector<16xi32>
      %shift_right_arithmetic3A_960 = arith.constant 3 : i32
      %shift_right_arithmetic3A_961 = arith.shrsi %add3A_948, %shift_right_arithmetic3A_960 : i32
      %and3A_962 = arith.constant 7 : i32
      %and3A_963 = arith.andi %add3A_948, %and3A_962 : i32
      %get3A_964 = arith.index_cast %shift_right_arithmetic3A_961 : i32 to index
      %get3A_965 = arith.index_cast %and3A_963 : i32 to index
      %get3A_966 = arith.constant 16 : index
      %get3A_967 = tpu.vector_load %arg10[%get3A_964, %get3A_965, %get3A_966] {strides = array<i32>} : memref<64x8x32xi32, #tpu.memory_space<vmem>>, vector<1x1x16xi32>,
      %get3A_968 = vector.shape_cast %get3A_967 : vector<1x1x16xi32> to vector<16xi32>
      %shift_right_arithmetic3A_969 = arith.constant 3 : i32
      %shift_right_arithmetic3A_970 = vector.broadcast %shift_right_arithmetic3A_969 : i32 to vector<16xi32>
      %shift_right_arithmetic3A_971 = arith.shrsi %get3A_959, %shift_right_arithmetic3A_970 : vector<16xi32>
      %mul3A_972 = arith.constant 8192 : i32
      %mul3A_973 = vector.broadcast %mul3A_972 : i32 to vector<16xi32>
      %mul3A_974 = arith.muli %shift_right_arithmetic3A_971, %mul3A_973 : vector<16xi32>
      %add3A_975 = vector.broadcast %mul3A_950 : i32 to vector<16xi32>
      %add3A_976 = arith.addi %add3A_975, %mul3A_974 : vector<16xi32>
      %and3A_977 = arith.constant 7 : i32
      %and3A_978 = vector.broadcast %and3A_977 : i32 to vector<16xi32>
      %and3A_979 = arith.andi %get3A_959, %and3A_978 : vector<16xi32>
      %mul3A_980 = arith.constant 128 : i32
      %mul3A_981 = vector.broadcast %mul3A_980 : i32 to vector<16xi32>
      %mul3A_982 = arith.muli %and3A_979, %mul3A_981 : vector<16xi32>
      %add3A_983 = arith.addi %add3A_976, %mul3A_982 : vector<16xi32>
      %add3A_984 = arith.addi %add3A_983, %add3A_44 : vector<16xi32>
      %shift_right_arithmetic3A_985 = arith.constant 3 : i32
      %shift_right_arithmetic3A_986 = vector.broadcast %shift_right_arithmetic3A_985 : i32 to vector<16xi32>
      %shift_right_arithmetic3A_987 = arith.shrsi %get3A_968, %shift_right_arithmetic3A_986 : vector<16xi32>
      %mul3A_988 = arith.constant 8192 : i32
      %mul3A_989 = vector.broadcast %mul3A_988 : i32 to vector<16xi32>
      %mul3A_990 = arith.muli %shift_right_arithmetic3A_987, %mul3A_989 : vector<16xi32>
      %add3A_991 = vector.broadcast %mul3A_950 : i32 to vector<16xi32>
      %add3A_992 = arith.addi %add3A_991, %mul3A_990 : vector<16xi32>
      %and3A_993 = arith.constant 7 : i32
      %and3A_994 = vector.broadcast %and3A_993 : i32 to vector<16xi32>
      %and3A_995 = arith.andi %get3A_968, %and3A_994 : vector<16xi32>
      %mul3A_996 = arith.constant 128 : i32
      %mul3A_997 = vector.broadcast %mul3A_996 : i32 to vector<16xi32>
      %mul3A_998 = arith.muli %and3A_995, %mul3A_997 : vector<16xi32>
      %add3A_999 = arith.addi %add3A_992, %mul3A_998 : vector<16xi32>
      %add3A_1000 = arith.addi %add3A_999, %add3A_62 : vector<16xi32>
      %swap3A_1001 = arith.index_cast %sub3A_140 : i32 to index
      %swap3A_1002 = arith.constant 384 : index
      %swap3A_1003 = tpu.vector_load %arg11[%swap3A_1001, %swap3A_1002] {strides = array<i32>} : memref<32x512xi32, #tpu.memory_space<vmem>>, vector<1x16xi32>,
      %swap3A_1004 = vector.shape_cast %swap3A_1003 : vector<1x16xi32> to vector<16xi32>
      %swap3A_1005 = vector.shape_cast %add3A_984 : vector<16xi32> to vector<1x16xi32>
      tpu.vector_store %arg11[%swap3A_1001, %swap3A_1002], %swap3A_1005 {strides = array<i32>} : memref<32x512xi32, #tpu.memory_space<vmem>>, vector<1x16xi32>,
      %swap3A_1006 = arith.index_cast %sub3A_140 : i32 to index
      %swap3A_1007 = arith.constant 400 : index
      %swap3A_1008 = tpu.vector_load %arg11[%swap3A_1006, %swap3A_1007] {strides = array<i32>} : memref<32x512xi32, #tpu.memory_space<vmem>>, vector<1x16xi32>,
      %swap3A_1009 = vector.shape_cast %swap3A_1008 : vector<1x16xi32> to vector<16xi32>
      %swap3A_1010 = vector.shape_cast %add3A_1000 : vector<16xi32> to vector<1x16xi32>
      tpu.vector_store %arg11[%swap3A_1006, %swap3A_1007], %swap3A_1010 {strides = array<i32>} : memref<32x512xi32, #tpu.memory_space<vmem>>, vector<1x16xi32>,
      %mul3A_1011 = arith.constant 16 : i32
      %mul3A_1012 = arith.muli %sub3A_140, %mul3A_1011 : i32
      %add3A_1013 = arith.constant 13 : i32
      %add3A_1014 = arith.addi %mul3A_1012, %add3A_1013 : i32
      %mul3A_1015 = arith.constant 65536 : i32
      %mul3A_1016 = arith.muli %add3A_1014, %mul3A_1015 : i32
      %shift_right_arithmetic3A_1017 = arith.constant 3 : i32
      %shift_right_arithmetic3A_1018 = arith.shrsi %add3A_1014, %shift_right_arithmetic3A_1017 : i32
      %and3A_1019 = arith.constant 7 : i32
      %and3A_1020 = arith.andi %add3A_1014, %and3A_1019 : i32
      %get3A_1021 = arith.index_cast %shift_right_arithmetic3A_1018 : i32 to index
      %get3A_1022 = arith.index_cast %and3A_1020 : i32 to index
      %get3A_1023 = arith.constant 0 : index
      %get3A_1024 = tpu.vector_load %arg10[%get3A_1021, %get3A_1022, %get3A_1023] {strides = array<i32>} : memref<64x8x32xi32, #tpu.memory_space<vmem>>, vector<1x1x16xi32>,
      %get3A_1025 = vector.shape_cast %get3A_1024 : vector<1x1x16xi32> to vector<16xi32>
      %shift_right_arithmetic3A_1026 = arith.constant 3 : i32
      %shift_right_arithmetic3A_1027 = arith.shrsi %add3A_1014, %shift_right_arithmetic3A_1026 : i32
      %and3A_1028 = arith.constant 7 : i32
      %and3A_1029 = arith.andi %add3A_1014, %and3A_1028 : i32
      %get3A_1030 = arith.index_cast %shift_right_arithmetic3A_1027 : i32 to index
      %get3A_1031 = arith.index_cast %and3A_1029 : i32 to index
      %get3A_1032 = arith.constant 16 : index
      %get3A_1033 = tpu.vector_load %arg10[%get3A_1030, %get3A_1031, %get3A_1032] {strides = array<i32>} : memref<64x8x32xi32, #tpu.memory_space<vmem>>, vector<1x1x16xi32>,
      %get3A_1034 = vector.shape_cast %get3A_1033 : vector<1x1x16xi32> to vector<16xi32>
      %shift_right_arithmetic3A_1035 = arith.constant 3 : i32
      %shift_right_arithmetic3A_1036 = vector.broadcast %shift_right_arithmetic3A_1035 : i32 to vector<16xi32>
      %shift_right_arithmetic3A_1037 = arith.shrsi %get3A_1025, %shift_right_arithmetic3A_1036 : vector<16xi32>
      %mul3A_1038 = arith.constant 8192 : i32
      %mul3A_1039 = vector.broadcast %mul3A_1038 : i32 to vector<16xi32>
      %mul3A_1040 = arith.muli %shift_right_arithmetic3A_1037, %mul3A_1039 : vector<16xi32>
      %add3A_1041 = vector.broadcast %mul3A_1016 : i32 to vector<16xi32>
      %add3A_1042 = arith.addi %add3A_1041, %mul3A_1040 : vector<16xi32>
      %and3A_1043 = arith.constant 7 : i32
      %and3A_1044 = vector.broadcast %and3A_1043 : i32 to vector<16xi32>
      %and3A_1045 = arith.andi %get3A_1025, %and3A_1044 : vector<16xi32>
      %mul3A_1046 = arith.constant 128 : i32
      %mul3A_1047 = vector.broadcast %mul3A_1046 : i32 to vector<16xi32>
      %mul3A_1048 = arith.muli %and3A_1045, %mul3A_1047 : vector<16xi32>
      %add3A_1049 = arith.addi %add3A_1042, %mul3A_1048 : vector<16xi32>
      %add3A_1050 = arith.addi %add3A_1049, %add3A_44 : vector<16xi32>
      %shift_right_arithmetic3A_1051 = arith.constant 3 : i32
      %shift_right_arithmetic3A_1052 = vector.broadcast %shift_right_arithmetic3A_1051 : i32 to vector<16xi32>
      %shift_right_arithmetic3A_1053 = arith.shrsi %get3A_1034, %shift_right_arithmetic3A_1052 : vector<16xi32>
      %mul3A_1054 = arith.constant 8192 : i32
      %mul3A_1055 = vector.broadcast %mul3A_1054 : i32 to vector<16xi32>
      %mul3A_1056 = arith.muli %shift_right_arithmetic3A_1053, %mul3A_1055 : vector<16xi32>
      %add3A_1057 = vector.broadcast %mul3A_1016 : i32 to vector<16xi32>
      %add3A_1058 = arith.addi %add3A_1057, %mul3A_1056 : vector<16xi32>
      %and3A_1059 = arith.constant 7 : i32
      %and3A_1060 = vector.broadcast %and3A_1059 : i32 to vector<16xi32>
      %and3A_1061 = arith.andi %get3A_1034, %and3A_1060 : vector<16xi32>
      %mul3A_1062 = arith.constant 128 : i32
      %mul3A_1063 = vector.broadcast %mul3A_1062 : i32 to vector<16xi32>
      %mul3A_1064 = arith.muli %and3A_1061, %mul3A_1063 : vector<16xi32>
      %add3A_1065 = arith.addi %add3A_1058, %mul3A_1064 : vector<16xi32>
      %add3A_1066 = arith.addi %add3A_1065, %add3A_62 : vector<16xi32>
      %swap3A_1067 = arith.index_cast %sub3A_140 : i32 to index
      %swap3A_1068 = arith.constant 416 : index
      %swap3A_1069 = tpu.vector_load %arg11[%swap3A_1067, %swap3A_1068] {strides = array<i32>} : memref<32x512xi32, #tpu.memory_space<vmem>>, vector<1x16xi32>,
      %swap3A_1070 = vector.shape_cast %swap3A_1069 : vector<1x16xi32> to vector<16xi32>
      %swap3A_1071 = vector.shape_cast %add3A_1050 : vector<16xi32> to vector<1x16xi32>
      tpu.vector_store %arg11[%swap3A_1067, %swap3A_1068], %swap3A_1071 {strides = array<i32>} : memref<32x512xi32, #tpu.memory_space<vmem>>, vector<1x16xi32>,
      %swap3A_1072 = arith.index_cast %sub3A_140 : i32 to index
      %swap3A_1073 = arith.constant 432 : index
      %swap3A_1074 = tpu.vector_load %arg11[%swap3A_1072, %swap3A_1073] {strides = array<i32>} : memref<32x512xi32, #tpu.memory_space<vmem>>, vector<1x16xi32>,
      %swap3A_1075 = vector.shape_cast %swap3A_1074 : vector<1x16xi32> to vector<16xi32>
      %swap3A_1076 = vector.shape_cast %add3A_1066 : vector<16xi32> to vector<1x16xi32>
      tpu.vector_store %arg11[%swap3A_1072, %swap3A_1073], %swap3A_1076 {strides = array<i32>} : memref<32x512xi32, #tpu.memory_space<vmem>>, vector<1x16xi32>,
      %mul3A_1077 = arith.constant 16 : i32
      %mul3A_1078 = arith.muli %sub3A_140, %mul3A_1077 : i32
      %add3A_1079 = arith.constant 14 : i32
      %add3A_1080 = arith.addi %mul3A_1078, %add3A_1079 : i32
      %mul3A_1081 = arith.constant 65536 : i32
      %mul3A_1082 = arith.muli %add3A_1080, %mul3A_1081 : i32
      %shift_right_arithmetic3A_1083 = arith.constant 3 : i32
      %shift_right_arithmetic3A_1084 = arith.shrsi %add3A_1080, %shift_right_arithmetic3A_1083 : i32
      %and3A_1085 = arith.constant 7 : i32
      %and3A_1086 = arith.andi %add3A_1080, %and3A_1085 : i32
      %get3A_1087 = arith.index_cast %shift_right_arithmetic3A_1084 : i32 to index
      %get3A_1088 = arith.index_cast %and3A_1086 : i32 to index
      %get3A_1089 = arith.constant 0 : index
      %get3A_1090 = tpu.vector_load %arg10[%get3A_1087, %get3A_1088, %get3A_1089] {strides = array<i32>} : memref<64x8x32xi32, #tpu.memory_space<vmem>>, vector<1x1x16xi32>,
      %get3A_1091 = vector.shape_cast %get3A_1090 : vector<1x1x16xi32> to vector<16xi32>
      %shift_right_arithmetic3A_1092 = arith.constant 3 : i32
      %shift_right_arithmetic3A_1093 = arith.shrsi %add3A_1080, %shift_right_arithmetic3A_1092 : i32
      %and3A_1094 = arith.constant 7 : i32
      %and3A_1095 = arith.andi %add3A_1080, %and3A_1094 : i32
      %get3A_1096 = arith.index_cast %shift_right_arithmetic3A_1093 : i32 to index
      %get3A_1097 = arith.index_cast %and3A_1095 : i32 to index
      %get3A_1098 = arith.constant 16 : index
      %get3A_1099 = tpu.vector_load %arg10[%get3A_1096, %get3A_1097, %get3A_1098] {strides = array<i32>} : memref<64x8x32xi32, #tpu.memory_space<vmem>>, vector<1x1x16xi32>,
      %get3A_1100 = vector.shape_cast %get3A_1099 : vector<1x1x16xi32> to vector<16xi32>
      %shift_right_arithmetic3A_1101 = arith.constant 3 : i32
      %shift_right_arithmetic3A_1102 = vector.broadcast %shift_right_arithmetic3A_1101 : i32 to vector<16xi32>
      %shift_right_arithmetic3A_1103 = arith.shrsi %get3A_1091, %shift_right_arithmetic3A_1102 : vector<16xi32>
      %mul3A_1104 = arith.constant 8192 : i32
      %mul3A_1105 = vector.broadcast %mul3A_1104 : i32 to vector<16xi32>
      %mul3A_1106 = arith.muli %shift_right_arithmetic3A_1103, %mul3A_1105 : vector<16xi32>
      %add3A_1107 = vector.broadcast %mul3A_1082 : i32 to vector<16xi32>
      %add3A_1108 = arith.addi %add3A_1107, %mul3A_1106 : vector<16xi32>
      %and3A_1109 = arith.constant 7 : i32
      %and3A_1110 = vector.broadcast %and3A_1109 : i32 to vector<16xi32>
      %and3A_1111 = arith.andi %get3A_1091, %and3A_1110 : vector<16xi32>
      %mul3A_1112 = arith.constant 128 : i32
      %mul3A_1113 = vector.broadcast %mul3A_1112 : i32 to vector<16xi32>
      %mul3A_1114 = arith.muli %and3A_1111, %mul3A_1113 : vector<16xi32>
      %add3A_1115 = arith.addi %add3A_1108, %mul3A_1114 : vector<16xi32>
      %add3A_1116 = arith.addi %add3A_1115, %add3A_44 : vector<16xi32>
      %shift_right_arithmetic3A_1117 = arith.constant 3 : i32
      %shift_right_arithmetic3A_1118 = vector.broadcast %shift_right_arithmetic3A_1117 : i32 to vector<16xi32>
      %shift_right_arithmetic3A_1119 = arith.shrsi %get3A_1100, %shift_right_arithmetic3A_1118 : vector<16xi32>
      %mul3A_1120 = arith.constant 8192 : i32
      %mul3A_1121 = vector.broadcast %mul3A_1120 : i32 to vector<16xi32>
      %mul3A_1122 = arith.muli %shift_right_arithmetic3A_1119, %mul3A_1121 : vector<16xi32>
      %add3A_1123 = vector.broadcast %mul3A_1082 : i32 to vector<16xi32>
      %add3A_1124 = arith.addi %add3A_1123, %mul3A_1122 : vector<16xi32>
      %and3A_1125 = arith.constant 7 : i32
      %and3A_1126 = vector.broadcast %and3A_1125 : i32 to vector<16xi32>
      %and3A_1127 = arith.andi %get3A_1100, %and3A_1126 : vector<16xi32>
      %mul3A_1128 = arith.constant 128 : i32
      %mul3A_1129 = vector.broadcast %mul3A_1128 : i32 to vector<16xi32>
      %mul3A_1130 = arith.muli %and3A_1127, %mul3A_1129 : vector<16xi32>
      %add3A_1131 = arith.addi %add3A_1124, %mul3A_1130 : vector<16xi32>
      %add3A_1132 = arith.addi %add3A_1131, %add3A_62 : vector<16xi32>
      %swap3A_1133 = arith.index_cast %sub3A_140 : i32 to index
      %swap3A_1134 = arith.constant 448 : index
      %swap3A_1135 = tpu.vector_load %arg11[%swap3A_1133, %swap3A_1134] {strides = array<i32>} : memref<32x512xi32, #tpu.memory_space<vmem>>, vector<1x16xi32>,
      %swap3A_1136 = vector.shape_cast %swap3A_1135 : vector<1x16xi32> to vector<16xi32>
      %swap3A_1137 = vector.shape_cast %add3A_1116 : vector<16xi32> to vector<1x16xi32>
      tpu.vector_store %arg11[%swap3A_1133, %swap3A_1134], %swap3A_1137 {strides = array<i32>} : memref<32x512xi32, #tpu.memory_space<vmem>>, vector<1x16xi32>,
      %swap3A_1138 = arith.index_cast %sub3A_140 : i32 to index
      %swap3A_1139 = arith.constant 464 : index
      %swap3A_1140 = tpu.vector_load %arg11[%swap3A_1138, %swap3A_1139] {strides = array<i32>} : memref<32x512xi32, #tpu.memory_space<vmem>>, vector<1x16xi32>,
      %swap3A_1141 = vector.shape_cast %swap3A_1140 : vector<1x16xi32> to vector<16xi32>
      %swap3A_1142 = vector.shape_cast %add3A_1132 : vector<16xi32> to vector<1x16xi32>
      tpu.vector_store %arg11[%swap3A_1138, %swap3A_1139], %swap3A_1142 {strides = array<i32>} : memref<32x512xi32, #tpu.memory_space<vmem>>, vector<1x16xi32>,
      %mul3A_1143 = arith.constant 16 : i32
      %mul3A_1144 = arith.muli %sub3A_140, %mul3A_1143 : i32
      %add3A_1145 = arith.constant 15 : i32
      %add3A_1146 = arith.addi %mul3A_1144, %add3A_1145 : i32
      %mul3A_1147 = arith.constant 65536 : i32
      %mul3A_1148 = arith.muli %add3A_1146, %mul3A_1147 : i32
      %shift_right_arithmetic3A_1149 = arith.constant 3 : i32
      %shift_right_arithmetic3A_1150 = arith.shrsi %add3A_1146, %shift_right_arithmetic3A_1149 : i32
      %and3A_1151 = arith.constant 7 : i32
      %and3A_1152 = arith.andi %add3A_1146, %and3A_1151 : i32
      %get3A_1153 = arith.index_cast %shift_right_arithmetic3A_1150 : i32 to index
      %get3A_1154 = arith.index_cast %and3A_1152 : i32 to index
      %get3A_1155 = arith.constant 0 : index
      %get3A_1156 = tpu.vector_load %arg10[%get3A_1153, %get3A_1154, %get3A_1155] {strides = array<i32>} : memref<64x8x32xi32, #tpu.memory_space<vmem>>, vector<1x1x16xi32>,
      %get3A_1157 = vector.shape_cast %get3A_1156 : vector<1x1x16xi32> to vector<16xi32>
      %shift_right_arithmetic3A_1158 = arith.constant 3 : i32
      %shift_right_arithmetic3A_1159 = arith.shrsi %add3A_1146, %shift_right_arithmetic3A_1158 : i32
      %and3A_1160 = arith.constant 7 : i32
      %and3A_1161 = arith.andi %add3A_1146, %and3A_1160 : i32
      %get3A_1162 = arith.index_cast %shift_right_arithmetic3A_1159 : i32 to index
      %get3A_1163 = arith.index_cast %and3A_1161 : i32 to index
      %get3A_1164 = arith.constant 16 : index
      %get3A_1165 = tpu.vector_load %arg10[%get3A_1162, %get3A_1163, %get3A_1164] {strides = array<i32>} : memref<64x8x32xi32, #tpu.memory_space<vmem>>, vector<1x1x16xi32>,
      %get3A_1166 = vector.shape_cast %get3A_1165 : vector<1x1x16xi32> to vector<16xi32>
      %shift_right_arithmetic3A_1167 = arith.constant 3 : i32
      %shift_right_arithmetic3A_1168 = vector.broadcast %shift_right_arithmetic3A_1167 : i32 to vector<16xi32>
      %shift_right_arithmetic3A_1169 = arith.shrsi %get3A_1157, %shift_right_arithmetic3A_1168 : vector<16xi32>
      %mul3A_1170 = arith.constant 8192 : i32
      %mul3A_1171 = vector.broadcast %mul3A_1170 : i32 to vector<16xi32>
      %mul3A_1172 = arith.muli %shift_right_arithmetic3A_1169, %mul3A_1171 : vector<16xi32>
      %add3A_1173 = vector.broadcast %mul3A_1148 : i32 to vector<16xi32>
      %add3A_1174 = arith.addi %add3A_1173, %mul3A_1172 : vector<16xi32>
      %and3A_1175 = arith.constant 7 : i32
      %and3A_1176 = vector.broadcast %and3A_1175 : i32 to vector<16xi32>
      %and3A_1177 = arith.andi %get3A_1157, %and3A_1176 : vector<16xi32>
      %mul3A_1178 = arith.constant 128 : i32
      %mul3A_1179 = vector.broadcast %mul3A_1178 : i32 to vector<16xi32>
      %mul3A_1180 = arith.muli %and3A_1177, %mul3A_1179 : vector<16xi32>
      %add3A_1181 = arith.addi %add3A_1174, %mul3A_1180 : vector<16xi32>
      %add3A_1182 = arith.addi %add3A_1181, %add3A_44 : vector<16xi32>
      %shift_right_arithmetic3A_1183 = arith.constant 3 : i32
      %shift_right_arithmetic3A_1184 = vector.broadcast %shift_right_arithmetic3A_1183 : i32 to vector<16xi32>
      %shift_right_arithmetic3A_1185 = arith.shrsi %get3A_1166, %shift_right_arithmetic3A_1184 : vector<16xi32>
      %mul3A_1186 = arith.constant 8192 : i32
      %mul3A_1187 = vector.broadcast %mul3A_1186 : i32 to vector<16xi32>
      %mul3A_1188 = arith.muli %shift_right_arithmetic3A_1185, %mul3A_1187 : vector<16xi32>
      %add3A_1189 = vector.broadcast %mul3A_1148 : i32 to vector<16xi32>
      %add3A_1190 = arith.addi %add3A_1189, %mul3A_1188 : vector<16xi32>
      %and3A_1191 = arith.constant 7 : i32
      %and3A_1192 = vector.broadcast %and3A_1191 : i32 to vector<16xi32>
      %and3A_1193 = arith.andi %get3A_1166, %and3A_1192 : vector<16xi32>
      %mul3A_1194 = arith.constant 128 : i32
      %mul3A_1195 = vector.broadcast %mul3A_1194 : i32 to vector<16xi32>
      %mul3A_1196 = arith.muli %and3A_1193, %mul3A_1195 : vector<16xi32>
      %add3A_1197 = arith.addi %add3A_1190, %mul3A_1196 : vector<16xi32>
      %add3A_1198 = arith.addi %add3A_1197, %add3A_62 : vector<16xi32>
      %swap3A_1199 = arith.index_cast %sub3A_140 : i32 to index
      %swap3A_1200 = arith.constant 480 : index
      %swap3A_1201 = tpu.vector_load %arg11[%swap3A_1199, %swap3A_1200] {strides = array<i32>} : memref<32x512xi32, #tpu.memory_space<vmem>>, vector<1x16xi32>,
      %swap3A_1202 = vector.shape_cast %swap3A_1201 : vector<1x16xi32> to vector<16xi32>
      %swap3A_1203 = vector.shape_cast %add3A_1182 : vector<16xi32> to vector<1x16xi32>
      tpu.vector_store %arg11[%swap3A_1199, %swap3A_1200], %swap3A_1203 {strides = array<i32>} : memref<32x512xi32, #tpu.memory_space<vmem>>, vector<1x16xi32>,
      %swap3A_1204 = arith.index_cast %sub3A_140 : i32 to index
      %swap3A_1205 = arith.constant 496 : index
      %swap3A_1206 = tpu.vector_load %arg11[%swap3A_1204, %swap3A_1205] {strides = array<i32>} : memref<32x512xi32, #tpu.memory_space<vmem>>, vector<1x16xi32>,
      %swap3A_1207 = vector.shape_cast %swap3A_1206 : vector<1x16xi32> to vector<16xi32>
      %swap3A_1208 = vector.shape_cast %add3A_1198 : vector<16xi32> to vector<1x16xi32>
      tpu.vector_store %arg11[%swap3A_1204, %swap3A_1205], %swap3A_1208 {strides = array<i32>} : memref<32x512xi32, #tpu.memory_space<vmem>>, vector<1x16xi32>,
      %dma_start3A_1209 = arith.constant 0 : i32
      %dma_start3A_1210 = tpu.memref_slice %arg12[%sub3A_140, %dma_start3A_1209] : memref<32x512xf32, #tpu.memory_space<vmem>> -> memref<1x512xf32, #tpu.memory_space<vmem>>
      %dma_start3A_1211 = tpu.memref_squeeze %dma_start3A_1210 : memref<1x512xf32, #tpu.memory_space<vmem>> -> memref<512xf32, #tpu.memory_space<vmem>>
      %dma_start3A_1212 = arith.constant 0 : i32
      %dma_start3A_1213 = tpu.memref_slice %arg11[%sub3A_140, %dma_start3A_1212] : memref<32x512xi32, #tpu.memory_space<vmem>> -> memref<1x512xi32, #tpu.memory_space<vmem>>
      %dma_start3A_1214 = tpu.memref_squeeze %dma_start3A_1213 : memref<1x512xi32, #tpu.memory_space<vmem>> -> memref<512xi32, #tpu.memory_space<vmem>>
      %dma_start3A_1215 = arith.constant 0 : i32
      %dma_start3A_1216 = tpu.memref_slice %arg2[%dma_start3A_1215] : memref<33619968xf32, #tpu.memory_space<hbm>> -> memref<33619968xf32, #tpu.memory_space<hbm>>
      tpu.enqueue_indirect_dma source(%dma_start3A_1216 : memref<33619968xf32, #tpu.memory_space<hbm>>) target(%dma_start3A_1211 : memref<512xf32, #tpu.memory_space<vmem>>) offsets(%dma_start3A_1214 : memref<512xi32, #tpu.memory_space<vmem>>) semaphore(%arg20 : memref<!tpu.dma_semaphore, #tpu.memory_space<semaphore_mem>>)
      %dma_start3A_1217 = arith.constant 0 : i32
      %dma_start3A_1218 = tpu.memref_slice %arg13[%sub3A_140, %dma_start3A_1217] : memref<32x512xf32, #tpu.memory_space<vmem>> -> memref<1x512xf32, #tpu.memory_space<vmem>>
      %dma_start3A_1219 = tpu.memref_squeeze %dma_start3A_1218 : memref<1x512xf32, #tpu.memory_space<vmem>> -> memref<512xf32, #tpu.memory_space<vmem>>
      %dma_start3A_1220 = arith.constant 0 : i32
      %dma_start3A_1221 = tpu.memref_slice %arg11[%sub3A_140, %dma_start3A_1220] : memref<32x512xi32, #tpu.memory_space<vmem>> -> memref<1x512xi32, #tpu.memory_space<vmem>>
      %dma_start3A_1222 = tpu.memref_squeeze %dma_start3A_1221 : memref<1x512xi32, #tpu.memory_space<vmem>> -> memref<512xi32, #tpu.memory_space<vmem>>
      %dma_start3A_1223 = arith.constant 0 : i32
      %dma_start3A_1224 = tpu.memref_slice %arg3[%dma_start3A_1223] : memref<33554432xf32, #tpu.memory_space<hbm>> -> memref<33554432xf32, #tpu.memory_space<hbm>>
      tpu.enqueue_indirect_dma source(%dma_start3A_1224 : memref<33554432xf32, #tpu.memory_space<hbm>>) target(%dma_start3A_1219 : memref<512xf32, #tpu.memory_space<vmem>>) offsets(%dma_start3A_1222 : memref<512xi32, #tpu.memory_space<vmem>>) semaphore(%arg21 : memref<!tpu.dma_semaphore, #tpu.memory_space<semaphore_mem>>)
    }
    %scan3A_68 = arith.constant 32 : i32
    %dma_wait3A = arith.constant 0 : i32
    %dma_wait3A_69 = arith.constant 0 : i32
    %dma_wait3A_70 = tpu.memref_slice %arg5[%dma_wait3A, %shift_right_arithmetic3A_3, %dma_wait3A_69, %mul3A_6] : memref<64x8x8x128xf32, #tpu.memory_space<hbm>> -> memref<64x1x8x32xf32, #tpu.memory_space<hbm>>
    %dma_wait3A_71 = tpu.memref_squeeze %dma_wait3A_70 : memref<64x1x8x32xf32, #tpu.memory_space<hbm>> -> memref<64x8x32xf32, #tpu.memory_space<hbm>>
    %dma_wait3A_72 = arith.constant 0 : i32
    %dma_wait3A_73 = arith.constant 0 : i32
    %dma_wait3A_74 = tpu.memref_slice %arg5[%dma_wait3A_72, %shift_right_arithmetic3A_3, %dma_wait3A_73, %mul3A_6] : memref<64x8x8x128xf32, #tpu.memory_space<hbm>> -> memref<64x1x8x32xf32, #tpu.memory_space<hbm>>
    %dma_wait3A_75 = tpu.memref_squeeze %dma_wait3A_74 : memref<64x1x8x32xf32, #tpu.memory_space<hbm>> -> memref<64x8x32xf32, #tpu.memory_space<hbm>>
    tpu.wait_dma2 semaphore(%arg19 : memref<!tpu.dma_semaphore, #tpu.memory_space<semaphore_mem>>) src(%dma_wait3A_75 : memref<64x8x32xf32, #tpu.memory_space<hbm>>) dst(%arg14 : memref<64x8x32xf32, #tpu.memory_space<vmem>>)
    %dma_wait3A_76 = arith.constant 0 : i32
    %dma_wait3A_77 = arith.constant 0 : i32
    %dma_wait3A_78 = tpu.memref_slice %arg6[%dma_wait3A_76, %shift_right_arithmetic3A_3, %dma_wait3A_77, %mul3A_6] : memref<64x8x8x128xf32, #tpu.memory_space<hbm>> -> memref<64x1x8x32xf32, #tpu.memory_space<hbm>>
    %dma_wait3A_79 = tpu.memref_squeeze %dma_wait3A_78 : memref<64x1x8x32xf32, #tpu.memory_space<hbm>> -> memref<64x8x32xf32, #tpu.memory_space<hbm>>
    %dma_wait3A_80 = arith.constant 0 : i32
    %dma_wait3A_81 = arith.constant 0 : i32
    %dma_wait3A_82 = tpu.memref_slice %arg6[%dma_wait3A_80, %shift_right_arithmetic3A_3, %dma_wait3A_81, %mul3A_6] : memref<64x8x8x128xf32, #tpu.memory_space<hbm>> -> memref<64x1x8x32xf32, #tpu.memory_space<hbm>>
    %dma_wait3A_83 = tpu.memref_squeeze %dma_wait3A_82 : memref<64x1x8x32xf32, #tpu.memory_space<hbm>> -> memref<64x8x32xf32, #tpu.memory_space<hbm>>
    tpu.wait_dma2 semaphore(%arg19 : memref<!tpu.dma_semaphore, #tpu.memory_space<semaphore_mem>>) src(%dma_wait3A_83 : memref<64x8x32xf32, #tpu.memory_space<hbm>>) dst(%arg15 : memref<64x8x32xf32, #tpu.memory_space<vmem>>)
    %dma_wait3A_84 = arith.constant 0 : i32
    %dma_wait3A_85 = tpu.memref_slice %arg7[%dma_wait3A_84, %mul3A_2] : memref<513x1024xf32, #tpu.memory_space<hbm>> -> memref<513x32xf32, #tpu.memory_space<hbm>>
    %dma_wait3A_86 = arith.constant 0 : i32
    %dma_wait3A_87 = tpu.memref_slice %arg7[%dma_wait3A_86, %mul3A_2] : memref<513x1024xf32, #tpu.memory_space<hbm>> -> memref<513x32xf32, #tpu.memory_space<hbm>>
    tpu.wait_dma2 semaphore(%arg19 : memref<!tpu.dma_semaphore, #tpu.memory_space<semaphore_mem>>) src(%dma_wait3A_87 : memref<513x32xf32, #tpu.memory_space<hbm>>) dst(%arg16 : memref<513x32xf32, #tpu.memory_space<vmem>>)
    tpu.wait_dma2 semaphore(%arg19 : memref<!tpu.dma_semaphore, #tpu.memory_space<semaphore_mem>>) src(%arg8 : memref<16xf32, #tpu.memory_space<hbm>>) dst(%arg17 : memref<16xf32, #tpu.memory_space<vmem>>)
    %get3A = arith.constant 0 : index
    %get3A_88 = tpu.vector_load %arg17[%get3A] {strides = array<i32>} : memref<16xf32, #tpu.memory_space<vmem>>, vector<16xf32>,
    %get3A_89 = vector.shape_cast %get3A_88 : vector<16xf32> to vector<16xf32>
    %broadcast_in_dim3A = arith.constant 1.000000e+00 : f32
    %broadcast_in_dim3A_90 = vector.broadcast %broadcast_in_dim3A : f32 to vector<16xf32>
    %get3A_91 = arith.constant 512 : i32
    %get3A_92 = arith.index_cast %get3A_91 : i32 to index
    %get3A_93 = arith.constant 0 : index
    %get3A_94 = tpu.vector_load %arg16[%get3A_92, %get3A_93] {strides = array<i32>} : memref<513x32xf32, #tpu.memory_space<vmem>>, vector<1x16xf32>,
    %get3A_95 = vector.shape_cast %get3A_94 : vector<1x16xf32> to vector<16xf32>
    %get3A_96 = arith.constant 512 : i32
    %get3A_97 = arith.index_cast %get3A_96 : i32 to index
    %get3A_98 = arith.constant 16 : index
    %get3A_99 = tpu.vector_load %arg16[%get3A_97, %get3A_98] {strides = array<i32>} : memref<513x32xf32, #tpu.memory_space<vmem>>, vector<1x16xf32>,
    %get3A_100 = vector.shape_cast %get3A_99 : vector<1x16xf32> to vector<16xf32>
    %scan3A_101 = arith.constant 0 : i32
    %scan3A_102 = arith.constant 32 : i32
    %scan3A_103 = arith.addi %scan3A_101, %scan3A_102 : i32
    %scan3A_104 = arith.constant 1 : i32
    %scan3A_105:2 = scf.for %scan3A_139 = %scan3A_101 to %scan3A_103 step %scan3A_104 iter_args(%scan3A_140 = %get3A_95, %scan3A_141 = %get3A_100) -> (vector<16xf32>, vector<16xf32>)  : i32 {
      %sub3A = arith.constant 31 : i32
      %sub3A_142 = arith.subi %sub3A, %scan3A_139 : i32
      %dma_wait3A_143 = arith.constant 0 : i32
      %dma_wait3A_144 = tpu.memref_slice %arg12[%sub3A_142, %dma_wait3A_143] : memref<32x512xf32, #tpu.memory_space<vmem>> -> memref<1x512xf32, #tpu.memory_space<vmem>>
      %dma_wait3A_145 = tpu.memref_squeeze %dma_wait3A_144 : memref<1x512xf32, #tpu.memory_space<vmem>> -> memref<512xf32, #tpu.memory_space<vmem>>
      %dma_wait3A_146 = arith.constant 0 : i32
      %dma_wait3A_147 = tpu.memref_slice %arg11[%sub3A_142, %dma_wait3A_146] : memref<32x512xi32, #tpu.memory_space<vmem>> -> memref<1x512xi32, #tpu.memory_space<vmem>>
      %dma_wait3A_148 = tpu.memref_squeeze %dma_wait3A_147 : memref<1x512xi32, #tpu.memory_space<vmem>> -> memref<512xi32, #tpu.memory_space<vmem>>
      %dma_wait3A_149 = arith.constant 0 : i32
      %dma_wait3A_150 = tpu.memref_slice %arg2[%dma_wait3A_149] : memref<33619968xf32, #tpu.memory_space<hbm>> -> memref<33619968xf32, #tpu.memory_space<hbm>>
      tpu.wait_indirect_dma semaphore(%arg20 : memref<!tpu.dma_semaphore, #tpu.memory_space<semaphore_mem>>) src(%dma_wait3A_150 : memref<33619968xf32, #tpu.memory_space<hbm>>) dst(%dma_wait3A_145 : memref<512xf32, #tpu.memory_space<vmem>>)
      %dma_wait3A_151 = arith.constant 0 : i32
      %dma_wait3A_152 = tpu.memref_slice %arg13[%sub3A_142, %dma_wait3A_151] : memref<32x512xf32, #tpu.memory_space<vmem>> -> memref<1x512xf32, #tpu.memory_space<vmem>>
      %dma_wait3A_153 = tpu.memref_squeeze %dma_wait3A_152 : memref<1x512xf32, #tpu.memory_space<vmem>> -> memref<512xf32, #tpu.memory_space<vmem>>
      %dma_wait3A_154 = arith.constant 0 : i32
      %dma_wait3A_155 = tpu.memref_slice %arg11[%sub3A_142, %dma_wait3A_154] : memref<32x512xi32, #tpu.memory_space<vmem>> -> memref<1x512xi32, #tpu.memory_space<vmem>>
      %dma_wait3A_156 = tpu.memref_squeeze %dma_wait3A_155 : memref<1x512xi32, #tpu.memory_space<vmem>> -> memref<512xi32, #tpu.memory_space<vmem>>
      %dma_wait3A_157 = arith.constant 0 : i32
      %dma_wait3A_158 = tpu.memref_slice %arg3[%dma_wait3A_157] : memref<33554432xf32, #tpu.memory_space<hbm>> -> memref<33554432xf32, #tpu.memory_space<hbm>>
      tpu.wait_indirect_dma semaphore(%arg21 : memref<!tpu.dma_semaphore, #tpu.memory_space<semaphore_mem>>) src(%dma_wait3A_158 : memref<33554432xf32, #tpu.memory_space<hbm>>) dst(%dma_wait3A_153 : memref<512xf32, #tpu.memory_space<vmem>>)
      %mul3A_159 = arith.constant 16 : i32
      %mul3A_160 = arith.muli %sub3A_142, %mul3A_159 : i32
      %add3A_161 = arith.constant 15 : i32
      %add3A_162 = arith.addi %mul3A_160, %add3A_161 : i32
      %shift_right_arithmetic3A_163 = arith.constant 3 : i32
      %shift_right_arithmetic3A_164 = arith.shrsi %add3A_162, %shift_right_arithmetic3A_163 : i32
      %and3A_165 = arith.constant 7 : i32
      %and3A_166 = arith.andi %add3A_162, %and3A_165 : i32
      %get3A_167 = arith.index_cast %shift_right_arithmetic3A_164 : i32 to index
      %get3A_168 = arith.index_cast %and3A_166 : i32 to index
      %get3A_169 = arith.constant 0 : index
      %get3A_170 = tpu.vector_load %arg14[%get3A_167, %get3A_168, %get3A_169] {strides = array<i32>} : memref<64x8x32xf32, #tpu.memory_space<vmem>>, vector<1x1x16xf32>,
      %get3A_171 = vector.shape_cast %get3A_170 : vector<1x1x16xf32> to vector<16xf32>
      %get3A_172 = arith.index_cast %shift_right_arithmetic3A_164 : i32 to index
      %get3A_173 = arith.index_cast %and3A_166 : i32 to index
      %get3A_174 = arith.constant 16 : index
      %get3A_175 = tpu.vector_load %arg14[%get3A_172, %get3A_173, %get3A_174] {strides = array<i32>} : memref<64x8x32xf32, #tpu.memory_space<vmem>>, vector<1x1x16xf32>,
      %get3A_176 = vector.shape_cast %get3A_175 : vector<1x1x16xf32> to vector<16xf32>
      %get3A_177 = arith.index_cast %shift_right_arithmetic3A_164 : i32 to index
      %get3A_178 = arith.index_cast %and3A_166 : i32 to index
      %get3A_179 = arith.constant 0 : index
      %get3A_180 = tpu.vector_load %arg15[%get3A_177, %get3A_178, %get3A_179] {strides = array<i32>} : memref<64x8x32xf32, #tpu.memory_space<vmem>>, vector<1x1x16xf32>,
      %get3A_181 = vector.shape_cast %get3A_180 : vector<1x1x16xf32> to vector<16xf32>
      %get3A_182 = arith.index_cast %shift_right_arithmetic3A_164 : i32 to index
      %get3A_183 = arith.index_cast %and3A_166 : i32 to index
      %get3A_184 = arith.constant 16 : index
      %get3A_185 = tpu.vector_load %arg15[%get3A_182, %get3A_183, %get3A_184] {strides = array<i32>} : memref<64x8x32xf32, #tpu.memory_space<vmem>>, vector<1x1x16xf32>,
      %get3A_186 = vector.shape_cast %get3A_185 : vector<1x1x16xf32> to vector<16xf32>
      %get3A_187 = arith.index_cast %sub3A_142 : i32 to index
      %get3A_188 = arith.constant 480 : index
      %get3A_189 = tpu.vector_load %arg13[%get3A_187, %get3A_188] {strides = array<i32>} : memref<32x512xf32, #tpu.memory_space<vmem>>, vector<1x16xf32>,
      %get3A_190 = vector.shape_cast %get3A_189 : vector<1x16xf32> to vector<16xf32>
      %get3A_191 = arith.index_cast %sub3A_142 : i32 to index
      %get3A_192 = arith.constant 496 : index
      %get3A_193 = tpu.vector_load %arg13[%get3A_191, %get3A_192] {strides = array<i32>} : memref<32x512xf32, #tpu.memory_space<vmem>>, vector<1x16xf32>,
      %get3A_194 = vector.shape_cast %get3A_193 : vector<1x16xf32> to vector<16xf32>
      %get3A_195 = arith.index_cast %sub3A_142 : i32 to index
      %get3A_196 = arith.constant 480 : index
      %get3A_197 = tpu.vector_load %arg12[%get3A_195, %get3A_196] {strides = array<i32>} : memref<32x512xf32, #tpu.memory_space<vmem>>, vector<1x16xf32>,
      %get3A_198 = vector.shape_cast %get3A_197 : vector<1x16xf32> to vector<16xf32>
      %get3A_199 = arith.index_cast %sub3A_142 : i32 to index
      %get3A_200 = arith.constant 496 : index
      %get3A_201 = tpu.vector_load %arg12[%get3A_199, %get3A_200] {strides = array<i32>} : memref<32x512xf32, #tpu.memory_space<vmem>>, vector<1x16xf32>,
      %get3A_202 = vector.shape_cast %get3A_201 : vector<1x16xf32> to vector<16xf32>
      %get3A_203 = arith.index_cast %add3A_162 : i32 to index
      %get3A_204 = arith.constant 0 : index
      %get3A_205 = tpu.vector_load %arg16[%get3A_203, %get3A_204] {strides = array<i32>} : memref<513x32xf32, #tpu.memory_space<vmem>>, vector<1x16xf32>,
      %get3A_206 = vector.shape_cast %get3A_205 : vector<1x16xf32> to vector<16xf32>
      %get3A_207 = arith.index_cast %add3A_162 : i32 to index
      %get3A_208 = arith.constant 16 : index
      %get3A_209 = tpu.vector_load %arg16[%get3A_207, %get3A_208] {strides = array<i32>} : memref<513x32xf32, #tpu.memory_space<vmem>>, vector<1x16xf32>,
      %get3A_210 = vector.shape_cast %get3A_209 : vector<1x16xf32> to vector<16xf32>
      %mul3A_211 = arith.mulf %get3A_89, %get3A_181 : vector<16xf32>
      %mul3A_212 = arith.mulf %mul3A_211, %scan3A_140 : vector<16xf32>
      %add3A_213 = arith.addf %get3A_171, %mul3A_212 : vector<16xf32>
      %mul3A_214 = arith.mulf %get3A_89, %get3A_186 : vector<16xf32>
      %mul3A_215 = arith.mulf %mul3A_214, %scan3A_141 : vector<16xf32>
      %add3A_216 = arith.addf %get3A_176, %mul3A_215 : vector<16xf32>
      %min3A = arith.minimumf %get3A_190, %broadcast_in_dim3A_90 : vector<16xf32>
      %sub3A_217 = arith.subf %add3A_213, %get3A_198 : vector<16xf32>
      %mul3A_218 = arith.mulf %min3A, %sub3A_217 : vector<16xf32>
      %add3A_219 = arith.addf %mul3A_218, %get3A_206 : vector<16xf32>
      %min3A_220 = arith.minimumf %get3A_194, %broadcast_in_dim3A_90 : vector<16xf32>
      %sub3A_221 = arith.subf %add3A_216, %get3A_202 : vector<16xf32>
      %mul3A_222 = arith.mulf %min3A_220, %sub3A_221 : vector<16xf32>
      %add3A_223 = arith.addf %mul3A_222, %get3A_210 : vector<16xf32>
      %swap3A = arith.index_cast %shift_right_arithmetic3A_164 : i32 to index
      %swap3A_224 = arith.index_cast %and3A_166 : i32 to index
      %swap3A_225 = arith.constant 0 : index
      %swap3A_226 = tpu.vector_load %arg14[%swap3A, %swap3A_224, %swap3A_225] {strides = array<i32>} : memref<64x8x32xf32, #tpu.memory_space<vmem>>, vector<1x1x16xf32>,
      %swap3A_227 = vector.shape_cast %swap3A_226 : vector<1x1x16xf32> to vector<16xf32>
      %swap3A_228 = vector.shape_cast %add3A_213 : vector<16xf32> to vector<1x1x16xf32>
      tpu.vector_store %arg14[%swap3A, %swap3A_224, %swap3A_225], %swap3A_228 {strides = array<i32>} : memref<64x8x32xf32, #tpu.memory_space<vmem>>, vector<1x1x16xf32>,
      %swap3A_229 = arith.index_cast %shift_right_arithmetic3A_164 : i32 to index
      %swap3A_230 = arith.index_cast %and3A_166 : i32 to index
      %swap3A_231 = arith.constant 16 : index
      %swap3A_232 = tpu.vector_load %arg14[%swap3A_229, %swap3A_230, %swap3A_231] {strides = array<i32>} : memref<64x8x32xf32, #tpu.memory_space<vmem>>, vector<1x1x16xf32>,
      %swap3A_233 = vector.shape_cast %swap3A_232 : vector<1x1x16xf32> to vector<16xf32>
      %swap3A_234 = vector.shape_cast %add3A_216 : vector<16xf32> to vector<1x1x16xf32>
      tpu.vector_store %arg14[%swap3A_229, %swap3A_230, %swap3A_231], %swap3A_234 {strides = array<i32>} : memref<64x8x32xf32, #tpu.memory_space<vmem>>, vector<1x1x16xf32>,
      %mul3A_235 = arith.constant 16 : i32
      %mul3A_236 = arith.muli %sub3A_142, %mul3A_235 : i32
      %add3A_237 = arith.constant 14 : i32
      %add3A_238 = arith.addi %mul3A_236, %add3A_237 : i32
      %shift_right_arithmetic3A_239 = arith.constant 3 : i32
      %shift_right_arithmetic3A_240 = arith.shrsi %add3A_238, %shift_right_arithmetic3A_239 : i32
      %and3A_241 = arith.constant 7 : i32
      %and3A_242 = arith.andi %add3A_238, %and3A_241 : i32
      %get3A_243 = arith.index_cast %shift_right_arithmetic3A_240 : i32 to index
      %get3A_244 = arith.index_cast %and3A_242 : i32 to index
      %get3A_245 = arith.constant 0 : index
      %get3A_246 = tpu.vector_load %arg14[%get3A_243, %get3A_244, %get3A_245] {strides = array<i32>} : memref<64x8x32xf32, #tpu.memory_space<vmem>>, vector<1x1x16xf32>,
      %get3A_247 = vector.shape_cast %get3A_246 : vector<1x1x16xf32> to vector<16xf32>
      %get3A_248 = arith.index_cast %shift_right_arithmetic3A_240 : i32 to index
      %get3A_249 = arith.index_cast %and3A_242 : i32 to index
      %get3A_250 = arith.constant 16 : index
      %get3A_251 = tpu.vector_load %arg14[%get3A_248, %get3A_249, %get3A_250] {strides = array<i32>} : memref<64x8x32xf32, #tpu.memory_space<vmem>>, vector<1x1x16xf32>,
      %get3A_252 = vector.shape_cast %get3A_251 : vector<1x1x16xf32> to vector<16xf32>
      %get3A_253 = arith.index_cast %shift_right_arithmetic3A_240 : i32 to index
      %get3A_254 = arith.index_cast %and3A_242 : i32 to index
      %get3A_255 = arith.constant 0 : index
      %get3A_256 = tpu.vector_load %arg15[%get3A_253, %get3A_254, %get3A_255] {strides = array<i32>} : memref<64x8x32xf32, #tpu.memory_space<vmem>>, vector<1x1x16xf32>,
      %get3A_257 = vector.shape_cast %get3A_256 : vector<1x1x16xf32> to vector<16xf32>
      %get3A_258 = arith.index_cast %shift_right_arithmetic3A_240 : i32 to index
      %get3A_259 = arith.index_cast %and3A_242 : i32 to index
      %get3A_260 = arith.constant 16 : index
      %get3A_261 = tpu.vector_load %arg15[%get3A_258, %get3A_259, %get3A_260] {strides = array<i32>} : memref<64x8x32xf32, #tpu.memory_space<vmem>>, vector<1x1x16xf32>,
      %get3A_262 = vector.shape_cast %get3A_261 : vector<1x1x16xf32> to vector<16xf32>
      %get3A_263 = arith.index_cast %sub3A_142 : i32 to index
      %get3A_264 = arith.constant 448 : index
      %get3A_265 = tpu.vector_load %arg13[%get3A_263, %get3A_264] {strides = array<i32>} : memref<32x512xf32, #tpu.memory_space<vmem>>, vector<1x16xf32>,
      %get3A_266 = vector.shape_cast %get3A_265 : vector<1x16xf32> to vector<16xf32>
      %get3A_267 = arith.index_cast %sub3A_142 : i32 to index
      %get3A_268 = arith.constant 464 : index
      %get3A_269 = tpu.vector_load %arg13[%get3A_267, %get3A_268] {strides = array<i32>} : memref<32x512xf32, #tpu.memory_space<vmem>>, vector<1x16xf32>,
      %get3A_270 = vector.shape_cast %get3A_269 : vector<1x16xf32> to vector<16xf32>
      %get3A_271 = arith.index_cast %sub3A_142 : i32 to index
      %get3A_272 = arith.constant 448 : index
      %get3A_273 = tpu.vector_load %arg12[%get3A_271, %get3A_272] {strides = array<i32>} : memref<32x512xf32, #tpu.memory_space<vmem>>, vector<1x16xf32>,
      %get3A_274 = vector.shape_cast %get3A_273 : vector<1x16xf32> to vector<16xf32>
      %get3A_275 = arith.index_cast %sub3A_142 : i32 to index
      %get3A_276 = arith.constant 464 : index
      %get3A_277 = tpu.vector_load %arg12[%get3A_275, %get3A_276] {strides = array<i32>} : memref<32x512xf32, #tpu.memory_space<vmem>>, vector<1x16xf32>,
      %get3A_278 = vector.shape_cast %get3A_277 : vector<1x16xf32> to vector<16xf32>
      %get3A_279 = arith.index_cast %add3A_238 : i32 to index
      %get3A_280 = arith.constant 0 : index
      %get3A_281 = tpu.vector_load %arg16[%get3A_279, %get3A_280] {strides = array<i32>} : memref<513x32xf32, #tpu.memory_space<vmem>>, vector<1x16xf32>,
      %get3A_282 = vector.shape_cast %get3A_281 : vector<1x16xf32> to vector<16xf32>
      %get3A_283 = arith.index_cast %add3A_238 : i32 to index
      %get3A_284 = arith.constant 16 : index
      %get3A_285 = tpu.vector_load %arg16[%get3A_283, %get3A_284] {strides = array<i32>} : memref<513x32xf32, #tpu.memory_space<vmem>>, vector<1x16xf32>,
      %get3A_286 = vector.shape_cast %get3A_285 : vector<1x16xf32> to vector<16xf32>
      %mul3A_287 = arith.mulf %get3A_89, %get3A_257 : vector<16xf32>
      %mul3A_288 = arith.mulf %mul3A_287, %add3A_219 : vector<16xf32>
      %add3A_289 = arith.addf %get3A_247, %mul3A_288 : vector<16xf32>
      %mul3A_290 = arith.mulf %get3A_89, %get3A_262 : vector<16xf32>
      %mul3A_291 = arith.mulf %mul3A_290, %add3A_223 : vector<16xf32>
      %add3A_292 = arith.addf %get3A_252, %mul3A_291 : vector<16xf32>
      %min3A_293 = arith.minimumf %get3A_266, %broadcast_in_dim3A_90 : vector<16xf32>
      %sub3A_294 = arith.subf %add3A_289, %get3A_274 : vector<16xf32>
      %mul3A_295 = arith.mulf %min3A_293, %sub3A_294 : vector<16xf32>
      %add3A_296 = arith.addf %mul3A_295, %get3A_282 : vector<16xf32>
      %min3A_297 = arith.minimumf %get3A_270, %broadcast_in_dim3A_90 : vector<16xf32>
      %sub3A_298 = arith.subf %add3A_292, %get3A_278 : vector<16xf32>
      %mul3A_299 = arith.mulf %min3A_297, %sub3A_298 : vector<16xf32>
      %add3A_300 = arith.addf %mul3A_299, %get3A_286 : vector<16xf32>
      %swap3A_301 = arith.index_cast %shift_right_arithmetic3A_240 : i32 to index
      %swap3A_302 = arith.index_cast %and3A_242 : i32 to index
      %swap3A_303 = arith.constant 0 : index
      %swap3A_304 = tpu.vector_load %arg14[%swap3A_301, %swap3A_302, %swap3A_303] {strides = array<i32>} : memref<64x8x32xf32, #tpu.memory_space<vmem>>, vector<1x1x16xf32>,
      %swap3A_305 = vector.shape_cast %swap3A_304 : vector<1x1x16xf32> to vector<16xf32>
      %swap3A_306 = vector.shape_cast %add3A_289 : vector<16xf32> to vector<1x1x16xf32>
      tpu.vector_store %arg14[%swap3A_301, %swap3A_302, %swap3A_303], %swap3A_306 {strides = array<i32>} : memref<64x8x32xf32, #tpu.memory_space<vmem>>, vector<1x1x16xf32>,
      %swap3A_307 = arith.index_cast %shift_right_arithmetic3A_240 : i32 to index
      %swap3A_308 = arith.index_cast %and3A_242 : i32 to index
      %swap3A_309 = arith.constant 16 : index
      %swap3A_310 = tpu.vector_load %arg14[%swap3A_307, %swap3A_308, %swap3A_309] {strides = array<i32>} : memref<64x8x32xf32, #tpu.memory_space<vmem>>, vector<1x1x16xf32>,
      %swap3A_311 = vector.shape_cast %swap3A_310 : vector<1x1x16xf32> to vector<16xf32>
      %swap3A_312 = vector.shape_cast %add3A_292 : vector<16xf32> to vector<1x1x16xf32>
      tpu.vector_store %arg14[%swap3A_307, %swap3A_308, %swap3A_309], %swap3A_312 {strides = array<i32>} : memref<64x8x32xf32, #tpu.memory_space<vmem>>, vector<1x1x16xf32>,
      %mul3A_313 = arith.constant 16 : i32
      %mul3A_314 = arith.muli %sub3A_142, %mul3A_313 : i32
      %add3A_315 = arith.constant 13 : i32
      %add3A_316 = arith.addi %mul3A_314, %add3A_315 : i32
      %shift_right_arithmetic3A_317 = arith.constant 3 : i32
      %shift_right_arithmetic3A_318 = arith.shrsi %add3A_316, %shift_right_arithmetic3A_317 : i32
      %and3A_319 = arith.constant 7 : i32
      %and3A_320 = arith.andi %add3A_316, %and3A_319 : i32
      %get3A_321 = arith.index_cast %shift_right_arithmetic3A_318 : i32 to index
      %get3A_322 = arith.index_cast %and3A_320 : i32 to index
      %get3A_323 = arith.constant 0 : index
      %get3A_324 = tpu.vector_load %arg14[%get3A_321, %get3A_322, %get3A_323] {strides = array<i32>} : memref<64x8x32xf32, #tpu.memory_space<vmem>>, vector<1x1x16xf32>,
      %get3A_325 = vector.shape_cast %get3A_324 : vector<1x1x16xf32> to vector<16xf32>
      %get3A_326 = arith.index_cast %shift_right_arithmetic3A_318 : i32 to index
      %get3A_327 = arith.index_cast %and3A_320 : i32 to index
      %get3A_328 = arith.constant 16 : index
      %get3A_329 = tpu.vector_load %arg14[%get3A_326, %get3A_327, %get3A_328] {strides = array<i32>} : memref<64x8x32xf32, #tpu.memory_space<vmem>>, vector<1x1x16xf32>,
      %get3A_330 = vector.shape_cast %get3A_329 : vector<1x1x16xf32> to vector<16xf32>
      %get3A_331 = arith.index_cast %shift_right_arithmetic3A_318 : i32 to index
      %get3A_332 = arith.index_cast %and3A_320 : i32 to index
      %get3A_333 = arith.constant 0 : index
      %get3A_334 = tpu.vector_load %arg15[%get3A_331, %get3A_332, %get3A_333] {strides = array<i32>} : memref<64x8x32xf32, #tpu.memory_space<vmem>>, vector<1x1x16xf32>,
      %get3A_335 = vector.shape_cast %get3A_334 : vector<1x1x16xf32> to vector<16xf32>
      %get3A_336 = arith.index_cast %shift_right_arithmetic3A_318 : i32 to index
      %get3A_337 = arith.index_cast %and3A_320 : i32 to index
      %get3A_338 = arith.constant 16 : index
      %get3A_339 = tpu.vector_load %arg15[%get3A_336, %get3A_337, %get3A_338] {strides = array<i32>} : memref<64x8x32xf32, #tpu.memory_space<vmem>>, vector<1x1x16xf32>,
      %get3A_340 = vector.shape_cast %get3A_339 : vector<1x1x16xf32> to vector<16xf32>
      %get3A_341 = arith.index_cast %sub3A_142 : i32 to index
      %get3A_342 = arith.constant 416 : index
      %get3A_343 = tpu.vector_load %arg13[%get3A_341, %get3A_342] {strides = array<i32>} : memref<32x512xf32, #tpu.memory_space<vmem>>, vector<1x16xf32>,
      %get3A_344 = vector.shape_cast %get3A_343 : vector<1x16xf32> to vector<16xf32>
      %get3A_345 = arith.index_cast %sub3A_142 : i32 to index
      %get3A_346 = arith.constant 432 : index
      %get3A_347 = tpu.vector_load %arg13[%get3A_345, %get3A_346] {strides = array<i32>} : memref<32x512xf32, #tpu.memory_space<vmem>>, vector<1x16xf32>,
      %get3A_348 = vector.shape_cast %get3A_347 : vector<1x16xf32> to vector<16xf32>
      %get3A_349 = arith.index_cast %sub3A_142 : i32 to index
      %get3A_350 = arith.constant 416 : index
      %get3A_351 = tpu.vector_load %arg12[%get3A_349, %get3A_350] {strides = array<i32>} : memref<32x512xf32, #tpu.memory_space<vmem>>, vector<1x16xf32>,
      %get3A_352 = vector.shape_cast %get3A_351 : vector<1x16xf32> to vector<16xf32>
      %get3A_353 = arith.index_cast %sub3A_142 : i32 to index
      %get3A_354 = arith.constant 432 : index
      %get3A_355 = tpu.vector_load %arg12[%get3A_353, %get3A_354] {strides = array<i32>} : memref<32x512xf32, #tpu.memory_space<vmem>>, vector<1x16xf32>,
      %get3A_356 = vector.shape_cast %get3A_355 : vector<1x16xf32> to vector<16xf32>
      %get3A_357 = arith.index_cast %add3A_316 : i32 to index
      %get3A_358 = arith.constant 0 : index
      %get3A_359 = tpu.vector_load %arg16[%get3A_357, %get3A_358] {strides = array<i32>} : memref<513x32xf32, #tpu.memory_space<vmem>>, vector<1x16xf32>,
      %get3A_360 = vector.shape_cast %get3A_359 : vector<1x16xf32> to vector<16xf32>
      %get3A_361 = arith.index_cast %add3A_316 : i32 to index
      %get3A_362 = arith.constant 16 : index
      %get3A_363 = tpu.vector_load %arg16[%get3A_361, %get3A_362] {strides = array<i32>} : memref<513x32xf32, #tpu.memory_space<vmem>>, vector<1x16xf32>,
      %get3A_364 = vector.shape_cast %get3A_363 : vector<1x16xf32> to vector<16xf32>
      %mul3A_365 = arith.mulf %get3A_89, %get3A_335 : vector<16xf32>
      %mul3A_366 = arith.mulf %mul3A_365, %add3A_296 : vector<16xf32>
      %add3A_367 = arith.addf %get3A_325, %mul3A_366 : vector<16xf32>
      %mul3A_368 = arith.mulf %get3A_89, %get3A_340 : vector<16xf32>
      %mul3A_369 = arith.mulf %mul3A_368, %add3A_300 : vector<16xf32>
      %add3A_370 = arith.addf %get3A_330, %mul3A_369 : vector<16xf32>
      %min3A_371 = arith.minimumf %get3A_344, %broadcast_in_dim3A_90 : vector<16xf32>
      %sub3A_372 = arith.subf %add3A_367, %get3A_352 : vector<16xf32>
      %mul3A_373 = arith.mulf %min3A_371, %sub3A_372 : vector<16xf32>
      %add3A_374 = arith.addf %mul3A_373, %get3A_360 : vector<16xf32>
      %min3A_375 = arith.minimumf %get3A_348, %broadcast_in_dim3A_90 : vector<16xf32>
      %sub3A_376 = arith.subf %add3A_370, %get3A_356 : vector<16xf32>
      %mul3A_377 = arith.mulf %min3A_375, %sub3A_376 : vector<16xf32>
      %add3A_378 = arith.addf %mul3A_377, %get3A_364 : vector<16xf32>
      %swap3A_379 = arith.index_cast %shift_right_arithmetic3A_318 : i32 to index
      %swap3A_380 = arith.index_cast %and3A_320 : i32 to index
      %swap3A_381 = arith.constant 0 : index
      %swap3A_382 = tpu.vector_load %arg14[%swap3A_379, %swap3A_380, %swap3A_381] {strides = array<i32>} : memref<64x8x32xf32, #tpu.memory_space<vmem>>, vector<1x1x16xf32>,
      %swap3A_383 = vector.shape_cast %swap3A_382 : vector<1x1x16xf32> to vector<16xf32>
      %swap3A_384 = vector.shape_cast %add3A_367 : vector<16xf32> to vector<1x1x16xf32>
      tpu.vector_store %arg14[%swap3A_379, %swap3A_380, %swap3A_381], %swap3A_384 {strides = array<i32>} : memref<64x8x32xf32, #tpu.memory_space<vmem>>, vector<1x1x16xf32>,
      %swap3A_385 = arith.index_cast %shift_right_arithmetic3A_318 : i32 to index
      %swap3A_386 = arith.index_cast %and3A_320 : i32 to index
      %swap3A_387 = arith.constant 16 : index
      %swap3A_388 = tpu.vector_load %arg14[%swap3A_385, %swap3A_386, %swap3A_387] {strides = array<i32>} : memref<64x8x32xf32, #tpu.memory_space<vmem>>, vector<1x1x16xf32>,
      %swap3A_389 = vector.shape_cast %swap3A_388 : vector<1x1x16xf32> to vector<16xf32>
      %swap3A_390 = vector.shape_cast %add3A_370 : vector<16xf32> to vector<1x1x16xf32>
      tpu.vector_store %arg14[%swap3A_385, %swap3A_386, %swap3A_387], %swap3A_390 {strides = array<i32>} : memref<64x8x32xf32, #tpu.memory_space<vmem>>, vector<1x1x16xf32>,
      %mul3A_391 = arith.constant 16 : i32
      %mul3A_392 = arith.muli %sub3A_142, %mul3A_391 : i32
      %add3A_393 = arith.constant 12 : i32
      %add3A_394 = arith.addi %mul3A_392, %add3A_393 : i32
      %shift_right_arithmetic3A_395 = arith.constant 3 : i32
      %shift_right_arithmetic3A_396 = arith.shrsi %add3A_394, %shift_right_arithmetic3A_395 : i32
      %and3A_397 = arith.constant 7 : i32
      %and3A_398 = arith.andi %add3A_394, %and3A_397 : i32
      %get3A_399 = arith.index_cast %shift_right_arithmetic3A_396 : i32 to index
      %get3A_400 = arith.index_cast %and3A_398 : i32 to index
      %get3A_401 = arith.constant 0 : index
      %get3A_402 = tpu.vector_load %arg14[%get3A_399, %get3A_400, %get3A_401] {strides = array<i32>} : memref<64x8x32xf32, #tpu.memory_space<vmem>>, vector<1x1x16xf32>,
      %get3A_403 = vector.shape_cast %get3A_402 : vector<1x1x16xf32> to vector<16xf32>
      %get3A_404 = arith.index_cast %shift_right_arithmetic3A_396 : i32 to index
      %get3A_405 = arith.index_cast %and3A_398 : i32 to index
      %get3A_406 = arith.constant 16 : index
      %get3A_407 = tpu.vector_load %arg14[%get3A_404, %get3A_405, %get3A_406] {strides = array<i32>} : memref<64x8x32xf32, #tpu.memory_space<vmem>>, vector<1x1x16xf32>,
      %get3A_408 = vector.shape_cast %get3A_407 : vector<1x1x16xf32> to vector<16xf32>
      %get3A_409 = arith.index_cast %shift_right_arithmetic3A_396 : i32 to index
      %get3A_410 = arith.index_cast %and3A_398 : i32 to index
      %get3A_411 = arith.constant 0 : index
      %get3A_412 = tpu.vector_load %arg15[%get3A_409, %get3A_410, %get3A_411] {strides = array<i32>} : memref<64x8x32xf32, #tpu.memory_space<vmem>>, vector<1x1x16xf32>,
      %get3A_413 = vector.shape_cast %get3A_412 : vector<1x1x16xf32> to vector<16xf32>
      %get3A_414 = arith.index_cast %shift_right_arithmetic3A_396 : i32 to index
      %get3A_415 = arith.index_cast %and3A_398 : i32 to index
      %get3A_416 = arith.constant 16 : index
      %get3A_417 = tpu.vector_load %arg15[%get3A_414, %get3A_415, %get3A_416] {strides = array<i32>} : memref<64x8x32xf32, #tpu.memory_space<vmem>>, vector<1x1x16xf32>,
      %get3A_418 = vector.shape_cast %get3A_417 : vector<1x1x16xf32> to vector<16xf32>
      %get3A_419 = arith.index_cast %sub3A_142 : i32 to index
      %get3A_420 = arith.constant 384 : index
      %get3A_421 = tpu.vector_load %arg13[%get3A_419, %get3A_420] {strides = array<i32>} : memref<32x512xf32, #tpu.memory_space<vmem>>, vector<1x16xf32>,
      %get3A_422 = vector.shape_cast %get3A_421 : vector<1x16xf32> to vector<16xf32>
      %get3A_423 = arith.index_cast %sub3A_142 : i32 to index
      %get3A_424 = arith.constant 400 : index
      %get3A_425 = tpu.vector_load %arg13[%get3A_423, %get3A_424] {strides = array<i32>} : memref<32x512xf32, #tpu.memory_space<vmem>>, vector<1x16xf32>,
      %get3A_426 = vector.shape_cast %get3A_425 : vector<1x16xf32> to vector<16xf32>
      %get3A_427 = arith.index_cast %sub3A_142 : i32 to index
      %get3A_428 = arith.constant 384 : index
      %get3A_429 = tpu.vector_load %arg12[%get3A_427, %get3A_428] {strides = array<i32>} : memref<32x512xf32, #tpu.memory_space<vmem>>, vector<1x16xf32>,
      %get3A_430 = vector.shape_cast %get3A_429 : vector<1x16xf32> to vector<16xf32>
      %get3A_431 = arith.index_cast %sub3A_142 : i32 to index
      %get3A_432 = arith.constant 400 : index
      %get3A_433 = tpu.vector_load %arg12[%get3A_431, %get3A_432] {strides = array<i32>} : memref<32x512xf32, #tpu.memory_space<vmem>>, vector<1x16xf32>,
      %get3A_434 = vector.shape_cast %get3A_433 : vector<1x16xf32> to vector<16xf32>
      %get3A_435 = arith.index_cast %add3A_394 : i32 to index
      %get3A_436 = arith.constant 0 : index
      %get3A_437 = tpu.vector_load %arg16[%get3A_435, %get3A_436] {strides = array<i32>} : memref<513x32xf32, #tpu.memory_space<vmem>>, vector<1x16xf32>,
      %get3A_438 = vector.shape_cast %get3A_437 : vector<1x16xf32> to vector<16xf32>
      %get3A_439 = arith.index_cast %add3A_394 : i32 to index
      %get3A_440 = arith.constant 16 : index
      %get3A_441 = tpu.vector_load %arg16[%get3A_439, %get3A_440] {strides = array<i32>} : memref<513x32xf32, #tpu.memory_space<vmem>>, vector<1x16xf32>,
      %get3A_442 = vector.shape_cast %get3A_441 : vector<1x16xf32> to vector<16xf32>
      %mul3A_443 = arith.mulf %get3A_89, %get3A_413 : vector<16xf32>
      %mul3A_444 = arith.mulf %mul3A_443, %add3A_374 : vector<16xf32>
      %add3A_445 = arith.addf %get3A_403, %mul3A_444 : vector<16xf32>
      %mul3A_446 = arith.mulf %get3A_89, %get3A_418 : vector<16xf32>
      %mul3A_447 = arith.mulf %mul3A_446, %add3A_378 : vector<16xf32>
      %add3A_448 = arith.addf %get3A_408, %mul3A_447 : vector<16xf32>
      %min3A_449 = arith.minimumf %get3A_422, %broadcast_in_dim3A_90 : vector<16xf32>
      %sub3A_450 = arith.subf %add3A_445, %get3A_430 : vector<16xf32>
      %mul3A_451 = arith.mulf %min3A_449, %sub3A_450 : vector<16xf32>
      %add3A_452 = arith.addf %mul3A_451, %get3A_438 : vector<16xf32>
      %min3A_453 = arith.minimumf %get3A_426, %broadcast_in_dim3A_90 : vector<16xf32>
      %sub3A_454 = arith.subf %add3A_448, %get3A_434 : vector<16xf32>
      %mul3A_455 = arith.mulf %min3A_453, %sub3A_454 : vector<16xf32>
      %add3A_456 = arith.addf %mul3A_455, %get3A_442 : vector<16xf32>
      %swap3A_457 = arith.index_cast %shift_right_arithmetic3A_396 : i32 to index
      %swap3A_458 = arith.index_cast %and3A_398 : i32 to index
      %swap3A_459 = arith.constant 0 : index
      %swap3A_460 = tpu.vector_load %arg14[%swap3A_457, %swap3A_458, %swap3A_459] {strides = array<i32>} : memref<64x8x32xf32, #tpu.memory_space<vmem>>, vector<1x1x16xf32>,
      %swap3A_461 = vector.shape_cast %swap3A_460 : vector<1x1x16xf32> to vector<16xf32>
      %swap3A_462 = vector.shape_cast %add3A_445 : vector<16xf32> to vector<1x1x16xf32>
      tpu.vector_store %arg14[%swap3A_457, %swap3A_458, %swap3A_459], %swap3A_462 {strides = array<i32>} : memref<64x8x32xf32, #tpu.memory_space<vmem>>, vector<1x1x16xf32>,
      %swap3A_463 = arith.index_cast %shift_right_arithmetic3A_396 : i32 to index
      %swap3A_464 = arith.index_cast %and3A_398 : i32 to index
      %swap3A_465 = arith.constant 16 : index
      %swap3A_466 = tpu.vector_load %arg14[%swap3A_463, %swap3A_464, %swap3A_465] {strides = array<i32>} : memref<64x8x32xf32, #tpu.memory_space<vmem>>, vector<1x1x16xf32>,
      %swap3A_467 = vector.shape_cast %swap3A_466 : vector<1x1x16xf32> to vector<16xf32>
      %swap3A_468 = vector.shape_cast %add3A_448 : vector<16xf32> to vector<1x1x16xf32>
      tpu.vector_store %arg14[%swap3A_463, %swap3A_464, %swap3A_465], %swap3A_468 {strides = array<i32>} : memref<64x8x32xf32, #tpu.memory_space<vmem>>, vector<1x1x16xf32>,
      %mul3A_469 = arith.constant 16 : i32
      %mul3A_470 = arith.muli %sub3A_142, %mul3A_469 : i32
      %add3A_471 = arith.constant 11 : i32
      %add3A_472 = arith.addi %mul3A_470, %add3A_471 : i32
      %shift_right_arithmetic3A_473 = arith.constant 3 : i32
      %shift_right_arithmetic3A_474 = arith.shrsi %add3A_472, %shift_right_arithmetic3A_473 : i32
      %and3A_475 = arith.constant 7 : i32
      %and3A_476 = arith.andi %add3A_472, %and3A_475 : i32
      %get3A_477 = arith.index_cast %shift_right_arithmetic3A_474 : i32 to index
      %get3A_478 = arith.index_cast %and3A_476 : i32 to index
      %get3A_479 = arith.constant 0 : index
      %get3A_480 = tpu.vector_load %arg14[%get3A_477, %get3A_478, %get3A_479] {strides = array<i32>} : memref<64x8x32xf32, #tpu.memory_space<vmem>>, vector<1x1x16xf32>,
      %get3A_481 = vector.shape_cast %get3A_480 : vector<1x1x16xf32> to vector<16xf32>
      %get3A_482 = arith.index_cast %shift_right_arithmetic3A_474 : i32 to index
      %get3A_483 = arith.index_cast %and3A_476 : i32 to index
      %get3A_484 = arith.constant 16 : index
      %get3A_485 = tpu.vector_load %arg14[%get3A_482, %get3A_483, %get3A_484] {strides = array<i32>} : memref<64x8x32xf32, #tpu.memory_space<vmem>>, vector<1x1x16xf32>,
      %get3A_486 = vector.shape_cast %get3A_485 : vector<1x1x16xf32> to vector<16xf32>
      %get3A_487 = arith.index_cast %shift_right_arithmetic3A_474 : i32 to index
      %get3A_488 = arith.index_cast %and3A_476 : i32 to index
      %get3A_489 = arith.constant 0 : index
      %get3A_490 = tpu.vector_load %arg15[%get3A_487, %get3A_488, %get3A_489] {strides = array<i32>} : memref<64x8x32xf32, #tpu.memory_space<vmem>>, vector<1x1x16xf32>,
      %get3A_491 = vector.shape_cast %get3A_490 : vector<1x1x16xf32> to vector<16xf32>
      %get3A_492 = arith.index_cast %shift_right_arithmetic3A_474 : i32 to index
      %get3A_493 = arith.index_cast %and3A_476 : i32 to index
      %get3A_494 = arith.constant 16 : index
      %get3A_495 = tpu.vector_load %arg15[%get3A_492, %get3A_493, %get3A_494] {strides = array<i32>} : memref<64x8x32xf32, #tpu.memory_space<vmem>>, vector<1x1x16xf32>,
      %get3A_496 = vector.shape_cast %get3A_495 : vector<1x1x16xf32> to vector<16xf32>
      %get3A_497 = arith.index_cast %sub3A_142 : i32 to index
      %get3A_498 = arith.constant 352 : index
      %get3A_499 = tpu.vector_load %arg13[%get3A_497, %get3A_498] {strides = array<i32>} : memref<32x512xf32, #tpu.memory_space<vmem>>, vector<1x16xf32>,
      %get3A_500 = vector.shape_cast %get3A_499 : vector<1x16xf32> to vector<16xf32>
      %get3A_501 = arith.index_cast %sub3A_142 : i32 to index
      %get3A_502 = arith.constant 368 : index
      %get3A_503 = tpu.vector_load %arg13[%get3A_501, %get3A_502] {strides = array<i32>} : memref<32x512xf32, #tpu.memory_space<vmem>>, vector<1x16xf32>,
      %get3A_504 = vector.shape_cast %get3A_503 : vector<1x16xf32> to vector<16xf32>
      %get3A_505 = arith.index_cast %sub3A_142 : i32 to index
      %get3A_506 = arith.constant 352 : index
      %get3A_507 = tpu.vector_load %arg12[%get3A_505, %get3A_506] {strides = array<i32>} : memref<32x512xf32, #tpu.memory_space<vmem>>, vector<1x16xf32>,
      %get3A_508 = vector.shape_cast %get3A_507 : vector<1x16xf32> to vector<16xf32>
      %get3A_509 = arith.index_cast %sub3A_142 : i32 to index
      %get3A_510 = arith.constant 368 : index
      %get3A_511 = tpu.vector_load %arg12[%get3A_509, %get3A_510] {strides = array<i32>} : memref<32x512xf32, #tpu.memory_space<vmem>>, vector<1x16xf32>,
      %get3A_512 = vector.shape_cast %get3A_511 : vector<1x16xf32> to vector<16xf32>
      %get3A_513 = arith.index_cast %add3A_472 : i32 to index
      %get3A_514 = arith.constant 0 : index
      %get3A_515 = tpu.vector_load %arg16[%get3A_513, %get3A_514] {strides = array<i32>} : memref<513x32xf32, #tpu.memory_space<vmem>>, vector<1x16xf32>,
      %get3A_516 = vector.shape_cast %get3A_515 : vector<1x16xf32> to vector<16xf32>
      %get3A_517 = arith.index_cast %add3A_472 : i32 to index
      %get3A_518 = arith.constant 16 : index
      %get3A_519 = tpu.vector_load %arg16[%get3A_517, %get3A_518] {strides = array<i32>} : memref<513x32xf32, #tpu.memory_space<vmem>>, vector<1x16xf32>,
      %get3A_520 = vector.shape_cast %get3A_519 : vector<1x16xf32> to vector<16xf32>
      %mul3A_521 = arith.mulf %get3A_89, %get3A_491 : vector<16xf32>
      %mul3A_522 = arith.mulf %mul3A_521, %add3A_452 : vector<16xf32>
      %add3A_523 = arith.addf %get3A_481, %mul3A_522 : vector<16xf32>
      %mul3A_524 = arith.mulf %get3A_89, %get3A_496 : vector<16xf32>
      %mul3A_525 = arith.mulf %mul3A_524, %add3A_456 : vector<16xf32>
      %add3A_526 = arith.addf %get3A_486, %mul3A_525 : vector<16xf32>
      %min3A_527 = arith.minimumf %get3A_500, %broadcast_in_dim3A_90 : vector<16xf32>
      %sub3A_528 = arith.subf %add3A_523, %get3A_508 : vector<16xf32>
      %mul3A_529 = arith.mulf %min3A_527, %sub3A_528 : vector<16xf32>
      %add3A_530 = arith.addf %mul3A_529, %get3A_516 : vector<16xf32>
      %min3A_531 = arith.minimumf %get3A_504, %broadcast_in_dim3A_90 : vector<16xf32>
      %sub3A_532 = arith.subf %add3A_526, %get3A_512 : vector<16xf32>
      %mul3A_533 = arith.mulf %min3A_531, %sub3A_532 : vector<16xf32>
      %add3A_534 = arith.addf %mul3A_533, %get3A_520 : vector<16xf32>
      %swap3A_535 = arith.index_cast %shift_right_arithmetic3A_474 : i32 to index
      %swap3A_536 = arith.index_cast %and3A_476 : i32 to index
      %swap3A_537 = arith.constant 0 : index
      %swap3A_538 = tpu.vector_load %arg14[%swap3A_535, %swap3A_536, %swap3A_537] {strides = array<i32>} : memref<64x8x32xf32, #tpu.memory_space<vmem>>, vector<1x1x16xf32>,
      %swap3A_539 = vector.shape_cast %swap3A_538 : vector<1x1x16xf32> to vector<16xf32>
      %swap3A_540 = vector.shape_cast %add3A_523 : vector<16xf32> to vector<1x1x16xf32>
      tpu.vector_store %arg14[%swap3A_535, %swap3A_536, %swap3A_537], %swap3A_540 {strides = array<i32>} : memref<64x8x32xf32, #tpu.memory_space<vmem>>, vector<1x1x16xf32>,
      %swap3A_541 = arith.index_cast %shift_right_arithmetic3A_474 : i32 to index
      %swap3A_542 = arith.index_cast %and3A_476 : i32 to index
      %swap3A_543 = arith.constant 16 : index
      %swap3A_544 = tpu.vector_load %arg14[%swap3A_541, %swap3A_542, %swap3A_543] {strides = array<i32>} : memref<64x8x32xf32, #tpu.memory_space<vmem>>, vector<1x1x16xf32>,
      %swap3A_545 = vector.shape_cast %swap3A_544 : vector<1x1x16xf32> to vector<16xf32>
      %swap3A_546 = vector.shape_cast %add3A_526 : vector<16xf32> to vector<1x1x16xf32>
      tpu.vector_store %arg14[%swap3A_541, %swap3A_542, %swap3A_543], %swap3A_546 {strides = array<i32>} : memref<64x8x32xf32, #tpu.memory_space<vmem>>, vector<1x1x16xf32>,
      %mul3A_547 = arith.constant 16 : i32
      %mul3A_548 = arith.muli %sub3A_142, %mul3A_547 : i32
      %add3A_549 = arith.constant 10 : i32
      %add3A_550 = arith.addi %mul3A_548, %add3A_549 : i32
      %shift_right_arithmetic3A_551 = arith.constant 3 : i32
      %shift_right_arithmetic3A_552 = arith.shrsi %add3A_550, %shift_right_arithmetic3A_551 : i32
      %and3A_553 = arith.constant 7 : i32
      %and3A_554 = arith.andi %add3A_550, %and3A_553 : i32
      %get3A_555 = arith.index_cast %shift_right_arithmetic3A_552 : i32 to index
      %get3A_556 = arith.index_cast %and3A_554 : i32 to index
      %get3A_557 = arith.constant 0 : index
      %get3A_558 = tpu.vector_load %arg14[%get3A_555, %get3A_556, %get3A_557] {strides = array<i32>} : memref<64x8x32xf32, #tpu.memory_space<vmem>>, vector<1x1x16xf32>,
      %get3A_559 = vector.shape_cast %get3A_558 : vector<1x1x16xf32> to vector<16xf32>
      %get3A_560 = arith.index_cast %shift_right_arithmetic3A_552 : i32 to index
      %get3A_561 = arith.index_cast %and3A_554 : i32 to index
      %get3A_562 = arith.constant 16 : index
      %get3A_563 = tpu.vector_load %arg14[%get3A_560, %get3A_561, %get3A_562] {strides = array<i32>} : memref<64x8x32xf32, #tpu.memory_space<vmem>>, vector<1x1x16xf32>,
      %get3A_564 = vector.shape_cast %get3A_563 : vector<1x1x16xf32> to vector<16xf32>
      %get3A_565 = arith.index_cast %shift_right_arithmetic3A_552 : i32 to index
      %get3A_566 = arith.index_cast %and3A_554 : i32 to index
      %get3A_567 = arith.constant 0 : index
      %get3A_568 = tpu.vector_load %arg15[%get3A_565, %get3A_566, %get3A_567] {strides = array<i32>} : memref<64x8x32xf32, #tpu.memory_space<vmem>>, vector<1x1x16xf32>,
      %get3A_569 = vector.shape_cast %get3A_568 : vector<1x1x16xf32> to vector<16xf32>
      %get3A_570 = arith.index_cast %shift_right_arithmetic3A_552 : i32 to index
      %get3A_571 = arith.index_cast %and3A_554 : i32 to index
      %get3A_572 = arith.constant 16 : index
      %get3A_573 = tpu.vector_load %arg15[%get3A_570, %get3A_571, %get3A_572] {strides = array<i32>} : memref<64x8x32xf32, #tpu.memory_space<vmem>>, vector<1x1x16xf32>,
      %get3A_574 = vector.shape_cast %get3A_573 : vector<1x1x16xf32> to vector<16xf32>
      %get3A_575 = arith.index_cast %sub3A_142 : i32 to index
      %get3A_576 = arith.constant 320 : index
      %get3A_577 = tpu.vector_load %arg13[%get3A_575, %get3A_576] {strides = array<i32>} : memref<32x512xf32, #tpu.memory_space<vmem>>, vector<1x16xf32>,
      %get3A_578 = vector.shape_cast %get3A_577 : vector<1x16xf32> to vector<16xf32>
      %get3A_579 = arith.index_cast %sub3A_142 : i32 to index
      %get3A_580 = arith.constant 336 : index
      %get3A_581 = tpu.vector_load %arg13[%get3A_579, %get3A_580] {strides = array<i32>} : memref<32x512xf32, #tpu.memory_space<vmem>>, vector<1x16xf32>,
      %get3A_582 = vector.shape_cast %get3A_581 : vector<1x16xf32> to vector<16xf32>
      %get3A_583 = arith.index_cast %sub3A_142 : i32 to index
      %get3A_584 = arith.constant 320 : index
      %get3A_585 = tpu.vector_load %arg12[%get3A_583, %get3A_584] {strides = array<i32>} : memref<32x512xf32, #tpu.memory_space<vmem>>, vector<1x16xf32>,
      %get3A_586 = vector.shape_cast %get3A_585 : vector<1x16xf32> to vector<16xf32>
      %get3A_587 = arith.index_cast %sub3A_142 : i32 to index
      %get3A_588 = arith.constant 336 : index
      %get3A_589 = tpu.vector_load %arg12[%get3A_587, %get3A_588] {strides = array<i32>} : memref<32x512xf32, #tpu.memory_space<vmem>>, vector<1x16xf32>,
      %get3A_590 = vector.shape_cast %get3A_589 : vector<1x16xf32> to vector<16xf32>
      %get3A_591 = arith.index_cast %add3A_550 : i32 to index
      %get3A_592 = arith.constant 0 : index
      %get3A_593 = tpu.vector_load %arg16[%get3A_591, %get3A_592] {strides = array<i32>} : memref<513x32xf32, #tpu.memory_space<vmem>>, vector<1x16xf32>,
      %get3A_594 = vector.shape_cast %get3A_593 : vector<1x16xf32> to vector<16xf32>
      %get3A_595 = arith.index_cast %add3A_550 : i32 to index
      %get3A_596 = arith.constant 16 : index
      %get3A_597 = tpu.vector_load %arg16[%get3A_595, %get3A_596] {strides = array<i32>} : memref<513x32xf32, #tpu.memory_space<vmem>>, vector<1x16xf32>,
      %get3A_598 = vector.shape_cast %get3A_597 : vector<1x16xf32> to vector<16xf32>
      %mul3A_599 = arith.mulf %get3A_89, %get3A_569 : vector<16xf32>
      %mul3A_600 = arith.mulf %mul3A_599, %add3A_530 : vector<16xf32>
      %add3A_601 = arith.addf %get3A_559, %mul3A_600 : vector<16xf32>
      %mul3A_602 = arith.mulf %get3A_89, %get3A_574 : vector<16xf32>
      %mul3A_603 = arith.mulf %mul3A_602, %add3A_534 : vector<16xf32>
      %add3A_604 = arith.addf %get3A_564, %mul3A_603 : vector<16xf32>
      %min3A_605 = arith.minimumf %get3A_578, %broadcast_in_dim3A_90 : vector<16xf32>
      %sub3A_606 = arith.subf %add3A_601, %get3A_586 : vector<16xf32>
      %mul3A_607 = arith.mulf %min3A_605, %sub3A_606 : vector<16xf32>
      %add3A_608 = arith.addf %mul3A_607, %get3A_594 : vector<16xf32>
      %min3A_609 = arith.minimumf %get3A_582, %broadcast_in_dim3A_90 : vector<16xf32>
      %sub3A_610 = arith.subf %add3A_604, %get3A_590 : vector<16xf32>
      %mul3A_611 = arith.mulf %min3A_609, %sub3A_610 : vector<16xf32>
      %add3A_612 = arith.addf %mul3A_611, %get3A_598 : vector<16xf32>
      %swap3A_613 = arith.index_cast %shift_right_arithmetic3A_552 : i32 to index
      %swap3A_614 = arith.index_cast %and3A_554 : i32 to index
      %swap3A_615 = arith.constant 0 : index
      %swap3A_616 = tpu.vector_load %arg14[%swap3A_613, %swap3A_614, %swap3A_615] {strides = array<i32>} : memref<64x8x32xf32, #tpu.memory_space<vmem>>, vector<1x1x16xf32>,
      %swap3A_617 = vector.shape_cast %swap3A_616 : vector<1x1x16xf32> to vector<16xf32>
      %swap3A_618 = vector.shape_cast %add3A_601 : vector<16xf32> to vector<1x1x16xf32>
      tpu.vector_store %arg14[%swap3A_613, %swap3A_614, %swap3A_615], %swap3A_618 {strides = array<i32>} : memref<64x8x32xf32, #tpu.memory_space<vmem>>, vector<1x1x16xf32>,
      %swap3A_619 = arith.index_cast %shift_right_arithmetic3A_552 : i32 to index
      %swap3A_620 = arith.index_cast %and3A_554 : i32 to index
      %swap3A_621 = arith.constant 16 : index
      %swap3A_622 = tpu.vector_load %arg14[%swap3A_619, %swap3A_620, %swap3A_621] {strides = array<i32>} : memref<64x8x32xf32, #tpu.memory_space<vmem>>, vector<1x1x16xf32>,
      %swap3A_623 = vector.shape_cast %swap3A_622 : vector<1x1x16xf32> to vector<16xf32>
      %swap3A_624 = vector.shape_cast %add3A_604 : vector<16xf32> to vector<1x1x16xf32>
      tpu.vector_store %arg14[%swap3A_619, %swap3A_620, %swap3A_621], %swap3A_624 {strides = array<i32>} : memref<64x8x32xf32, #tpu.memory_space<vmem>>, vector<1x1x16xf32>,
      %mul3A_625 = arith.constant 16 : i32
      %mul3A_626 = arith.muli %sub3A_142, %mul3A_625 : i32
      %add3A_627 = arith.constant 9 : i32
      %add3A_628 = arith.addi %mul3A_626, %add3A_627 : i32
      %shift_right_arithmetic3A_629 = arith.constant 3 : i32
      %shift_right_arithmetic3A_630 = arith.shrsi %add3A_628, %shift_right_arithmetic3A_629 : i32
      %and3A_631 = arith.constant 7 : i32
      %and3A_632 = arith.andi %add3A_628, %and3A_631 : i32
      %get3A_633 = arith.index_cast %shift_right_arithmetic3A_630 : i32 to index
      %get3A_634 = arith.index_cast %and3A_632 : i32 to index
      %get3A_635 = arith.constant 0 : index
      %get3A_636 = tpu.vector_load %arg14[%get3A_633, %get3A_634, %get3A_635] {strides = array<i32>} : memref<64x8x32xf32, #tpu.memory_space<vmem>>, vector<1x1x16xf32>,
      %get3A_637 = vector.shape_cast %get3A_636 : vector<1x1x16xf32> to vector<16xf32>
      %get3A_638 = arith.index_cast %shift_right_arithmetic3A_630 : i32 to index
      %get3A_639 = arith.index_cast %and3A_632 : i32 to index
      %get3A_640 = arith.constant 16 : index
      %get3A_641 = tpu.vector_load %arg14[%get3A_638, %get3A_639, %get3A_640] {strides = array<i32>} : memref<64x8x32xf32, #tpu.memory_space<vmem>>, vector<1x1x16xf32>,
      %get3A_642 = vector.shape_cast %get3A_641 : vector<1x1x16xf32> to vector<16xf32>
      %get3A_643 = arith.index_cast %shift_right_arithmetic3A_630 : i32 to index
      %get3A_644 = arith.index_cast %and3A_632 : i32 to index
      %get3A_645 = arith.constant 0 : index
      %get3A_646 = tpu.vector_load %arg15[%get3A_643, %get3A_644, %get3A_645] {strides = array<i32>} : memref<64x8x32xf32, #tpu.memory_space<vmem>>, vector<1x1x16xf32>,
      %get3A_647 = vector.shape_cast %get3A_646 : vector<1x1x16xf32> to vector<16xf32>
      %get3A_648 = arith.index_cast %shift_right_arithmetic3A_630 : i32 to index
      %get3A_649 = arith.index_cast %and3A_632 : i32 to index
      %get3A_650 = arith.constant 16 : index
      %get3A_651 = tpu.vector_load %arg15[%get3A_648, %get3A_649, %get3A_650] {strides = array<i32>} : memref<64x8x32xf32, #tpu.memory_space<vmem>>, vector<1x1x16xf32>,
      %get3A_652 = vector.shape_cast %get3A_651 : vector<1x1x16xf32> to vector<16xf32>
      %get3A_653 = arith.index_cast %sub3A_142 : i32 to index
      %get3A_654 = arith.constant 288 : index
      %get3A_655 = tpu.vector_load %arg13[%get3A_653, %get3A_654] {strides = array<i32>} : memref<32x512xf32, #tpu.memory_space<vmem>>, vector<1x16xf32>,
      %get3A_656 = vector.shape_cast %get3A_655 : vector<1x16xf32> to vector<16xf32>
      %get3A_657 = arith.index_cast %sub3A_142 : i32 to index
      %get3A_658 = arith.constant 304 : index
      %get3A_659 = tpu.vector_load %arg13[%get3A_657, %get3A_658] {strides = array<i32>} : memref<32x512xf32, #tpu.memory_space<vmem>>, vector<1x16xf32>,
      %get3A_660 = vector.shape_cast %get3A_659 : vector<1x16xf32> to vector<16xf32>
      %get3A_661 = arith.index_cast %sub3A_142 : i32 to index
      %get3A_662 = arith.constant 288 : index
      %get3A_663 = tpu.vector_load %arg12[%get3A_661, %get3A_662] {strides = array<i32>} : memref<32x512xf32, #tpu.memory_space<vmem>>, vector<1x16xf32>,
      %get3A_664 = vector.shape_cast %get3A_663 : vector<1x16xf32> to vector<16xf32>
      %get3A_665 = arith.index_cast %sub3A_142 : i32 to index
      %get3A_666 = arith.constant 304 : index
      %get3A_667 = tpu.vector_load %arg12[%get3A_665, %get3A_666] {strides = array<i32>} : memref<32x512xf32, #tpu.memory_space<vmem>>, vector<1x16xf32>,
      %get3A_668 = vector.shape_cast %get3A_667 : vector<1x16xf32> to vector<16xf32>
      %get3A_669 = arith.index_cast %add3A_628 : i32 to index
      %get3A_670 = arith.constant 0 : index
      %get3A_671 = tpu.vector_load %arg16[%get3A_669, %get3A_670] {strides = array<i32>} : memref<513x32xf32, #tpu.memory_space<vmem>>, vector<1x16xf32>,
      %get3A_672 = vector.shape_cast %get3A_671 : vector<1x16xf32> to vector<16xf32>
      %get3A_673 = arith.index_cast %add3A_628 : i32 to index
      %get3A_674 = arith.constant 16 : index
      %get3A_675 = tpu.vector_load %arg16[%get3A_673, %get3A_674] {strides = array<i32>} : memref<513x32xf32, #tpu.memory_space<vmem>>, vector<1x16xf32>,
      %get3A_676 = vector.shape_cast %get3A_675 : vector<1x16xf32> to vector<16xf32>
      %mul3A_677 = arith.mulf %get3A_89, %get3A_647 : vector<16xf32>
      %mul3A_678 = arith.mulf %mul3A_677, %add3A_608 : vector<16xf32>
      %add3A_679 = arith.addf %get3A_637, %mul3A_678 : vector<16xf32>
      %mul3A_680 = arith.mulf %get3A_89, %get3A_652 : vector<16xf32>
      %mul3A_681 = arith.mulf %mul3A_680, %add3A_612 : vector<16xf32>
      %add3A_682 = arith.addf %get3A_642, %mul3A_681 : vector<16xf32>
      %min3A_683 = arith.minimumf %get3A_656, %broadcast_in_dim3A_90 : vector<16xf32>
      %sub3A_684 = arith.subf %add3A_679, %get3A_664 : vector<16xf32>
      %mul3A_685 = arith.mulf %min3A_683, %sub3A_684 : vector<16xf32>
      %add3A_686 = arith.addf %mul3A_685, %get3A_672 : vector<16xf32>
      %min3A_687 = arith.minimumf %get3A_660, %broadcast_in_dim3A_90 : vector<16xf32>
      %sub3A_688 = arith.subf %add3A_682, %get3A_668 : vector<16xf32>
      %mul3A_689 = arith.mulf %min3A_687, %sub3A_688 : vector<16xf32>
      %add3A_690 = arith.addf %mul3A_689, %get3A_676 : vector<16xf32>
      %swap3A_691 = arith.index_cast %shift_right_arithmetic3A_630 : i32 to index
      %swap3A_692 = arith.index_cast %and3A_632 : i32 to index
      %swap3A_693 = arith.constant 0 : index
      %swap3A_694 = tpu.vector_load %arg14[%swap3A_691, %swap3A_692, %swap3A_693] {strides = array<i32>} : memref<64x8x32xf32, #tpu.memory_space<vmem>>, vector<1x1x16xf32>,
      %swap3A_695 = vector.shape_cast %swap3A_694 : vector<1x1x16xf32> to vector<16xf32>
      %swap3A_696 = vector.shape_cast %add3A_679 : vector<16xf32> to vector<1x1x16xf32>
      tpu.vector_store %arg14[%swap3A_691, %swap3A_692, %swap3A_693], %swap3A_696 {strides = array<i32>} : memref<64x8x32xf32, #tpu.memory_space<vmem>>, vector<1x1x16xf32>,
      %swap3A_697 = arith.index_cast %shift_right_arithmetic3A_630 : i32 to index
      %swap3A_698 = arith.index_cast %and3A_632 : i32 to index
      %swap3A_699 = arith.constant 16 : index
      %swap3A_700 = tpu.vector_load %arg14[%swap3A_697, %swap3A_698, %swap3A_699] {strides = array<i32>} : memref<64x8x32xf32, #tpu.memory_space<vmem>>, vector<1x1x16xf32>,
      %swap3A_701 = vector.shape_cast %swap3A_700 : vector<1x1x16xf32> to vector<16xf32>
      %swap3A_702 = vector.shape_cast %add3A_682 : vector<16xf32> to vector<1x1x16xf32>
      tpu.vector_store %arg14[%swap3A_697, %swap3A_698, %swap3A_699], %swap3A_702 {strides = array<i32>} : memref<64x8x32xf32, #tpu.memory_space<vmem>>, vector<1x1x16xf32>,
      %mul3A_703 = arith.constant 16 : i32
      %mul3A_704 = arith.muli %sub3A_142, %mul3A_703 : i32
      %add3A_705 = arith.constant 8 : i32
      %add3A_706 = arith.addi %mul3A_704, %add3A_705 : i32
      %shift_right_arithmetic3A_707 = arith.constant 3 : i32
      %shift_right_arithmetic3A_708 = arith.shrsi %add3A_706, %shift_right_arithmetic3A_707 : i32
      %and3A_709 = arith.constant 7 : i32
      %and3A_710 = arith.andi %add3A_706, %and3A_709 : i32
      %get3A_711 = arith.index_cast %shift_right_arithmetic3A_708 : i32 to index
      %get3A_712 = arith.index_cast %and3A_710 : i32 to index
      %get3A_713 = arith.constant 0 : index
      %get3A_714 = tpu.vector_load %arg14[%get3A_711, %get3A_712, %get3A_713] {strides = array<i32>} : memref<64x8x32xf32, #tpu.memory_space<vmem>>, vector<1x1x16xf32>,
      %get3A_715 = vector.shape_cast %get3A_714 : vector<1x1x16xf32> to vector<16xf32>
      %get3A_716 = arith.index_cast %shift_right_arithmetic3A_708 : i32 to index
      %get3A_717 = arith.index_cast %and3A_710 : i32 to index
      %get3A_718 = arith.constant 16 : index
      %get3A_719 = tpu.vector_load %arg14[%get3A_716, %get3A_717, %get3A_718] {strides = array<i32>} : memref<64x8x32xf32, #tpu.memory_space<vmem>>, vector<1x1x16xf32>,
      %get3A_720 = vector.shape_cast %get3A_719 : vector<1x1x16xf32> to vector<16xf32>
      %get3A_721 = arith.index_cast %shift_right_arithmetic3A_708 : i32 to index
      %get3A_722 = arith.index_cast %and3A_710 : i32 to index
      %get3A_723 = arith.constant 0 : index
      %get3A_724 = tpu.vector_load %arg15[%get3A_721, %get3A_722, %get3A_723] {strides = array<i32>} : memref<64x8x32xf32, #tpu.memory_space<vmem>>, vector<1x1x16xf32>,
      %get3A_725 = vector.shape_cast %get3A_724 : vector<1x1x16xf32> to vector<16xf32>
      %get3A_726 = arith.index_cast %shift_right_arithmetic3A_708 : i32 to index
      %get3A_727 = arith.index_cast %and3A_710 : i32 to index
      %get3A_728 = arith.constant 16 : index
      %get3A_729 = tpu.vector_load %arg15[%get3A_726, %get3A_727, %get3A_728] {strides = array<i32>} : memref<64x8x32xf32, #tpu.memory_space<vmem>>, vector<1x1x16xf32>,
      %get3A_730 = vector.shape_cast %get3A_729 : vector<1x1x16xf32> to vector<16xf32>
      %get3A_731 = arith.index_cast %sub3A_142 : i32 to index
      %get3A_732 = arith.constant 256 : index
      %get3A_733 = tpu.vector_load %arg13[%get3A_731, %get3A_732] {strides = array<i32>} : memref<32x512xf32, #tpu.memory_space<vmem>>, vector<1x16xf32>,
      %get3A_734 = vector.shape_cast %get3A_733 : vector<1x16xf32> to vector<16xf32>
      %get3A_735 = arith.index_cast %sub3A_142 : i32 to index
      %get3A_736 = arith.constant 272 : index
      %get3A_737 = tpu.vector_load %arg13[%get3A_735, %get3A_736] {strides = array<i32>} : memref<32x512xf32, #tpu.memory_space<vmem>>, vector<1x16xf32>,
      %get3A_738 = vector.shape_cast %get3A_737 : vector<1x16xf32> to vector<16xf32>
      %get3A_739 = arith.index_cast %sub3A_142 : i32 to index
      %get3A_740 = arith.constant 256 : index
      %get3A_741 = tpu.vector_load %arg12[%get3A_739, %get3A_740] {strides = array<i32>} : memref<32x512xf32, #tpu.memory_space<vmem>>, vector<1x16xf32>,
      %get3A_742 = vector.shape_cast %get3A_741 : vector<1x16xf32> to vector<16xf32>
      %get3A_743 = arith.index_cast %sub3A_142 : i32 to index
      %get3A_744 = arith.constant 272 : index
      %get3A_745 = tpu.vector_load %arg12[%get3A_743, %get3A_744] {strides = array<i32>} : memref<32x512xf32, #tpu.memory_space<vmem>>, vector<1x16xf32>,
      %get3A_746 = vector.shape_cast %get3A_745 : vector<1x16xf32> to vector<16xf32>
      %get3A_747 = arith.index_cast %add3A_706 : i32 to index
      %get3A_748 = arith.constant 0 : index
      %get3A_749 = tpu.vector_load %arg16[%get3A_747, %get3A_748] {strides = array<i32>} : memref<513x32xf32, #tpu.memory_space<vmem>>, vector<1x16xf32>,
      %get3A_750 = vector.shape_cast %get3A_749 : vector<1x16xf32> to vector<16xf32>
      %get3A_751 = arith.index_cast %add3A_706 : i32 to index
      %get3A_752 = arith.constant 16 : index
      %get3A_753 = tpu.vector_load %arg16[%get3A_751, %get3A_752] {strides = array<i32>} : memref<513x32xf32, #tpu.memory_space<vmem>>, vector<1x16xf32>,
      %get3A_754 = vector.shape_cast %get3A_753 : vector<1x16xf32> to vector<16xf32>
      %mul3A_755 = arith.mulf %get3A_89, %get3A_725 : vector<16xf32>
      %mul3A_756 = arith.mulf %mul3A_755, %add3A_686 : vector<16xf32>
      %add3A_757 = arith.addf %get3A_715, %mul3A_756 : vector<16xf32>
      %mul3A_758 = arith.mulf %get3A_89, %get3A_730 : vector<16xf32>
      %mul3A_759 = arith.mulf %mul3A_758, %add3A_690 : vector<16xf32>
      %add3A_760 = arith.addf %get3A_720, %mul3A_759 : vector<16xf32>
      %min3A_761 = arith.minimumf %get3A_734, %broadcast_in_dim3A_90 : vector<16xf32>
      %sub3A_762 = arith.subf %add3A_757, %get3A_742 : vector<16xf32>
      %mul3A_763 = arith.mulf %min3A_761, %sub3A_762 : vector<16xf32>
      %add3A_764 = arith.addf %mul3A_763, %get3A_750 : vector<16xf32>
      %min3A_765 = arith.minimumf %get3A_738, %broadcast_in_dim3A_90 : vector<16xf32>
      %sub3A_766 = arith.subf %add3A_760, %get3A_746 : vector<16xf32>
      %mul3A_767 = arith.mulf %min3A_765, %sub3A_766 : vector<16xf32>
      %add3A_768 = arith.addf %mul3A_767, %get3A_754 : vector<16xf32>
      %swap3A_769 = arith.index_cast %shift_right_arithmetic3A_708 : i32 to index
      %swap3A_770 = arith.index_cast %and3A_710 : i32 to index
      %swap3A_771 = arith.constant 0 : index
      %swap3A_772 = tpu.vector_load %arg14[%swap3A_769, %swap3A_770, %swap3A_771] {strides = array<i32>} : memref<64x8x32xf32, #tpu.memory_space<vmem>>, vector<1x1x16xf32>,
      %swap3A_773 = vector.shape_cast %swap3A_772 : vector<1x1x16xf32> to vector<16xf32>
      %swap3A_774 = vector.shape_cast %add3A_757 : vector<16xf32> to vector<1x1x16xf32>
      tpu.vector_store %arg14[%swap3A_769, %swap3A_770, %swap3A_771], %swap3A_774 {strides = array<i32>} : memref<64x8x32xf32, #tpu.memory_space<vmem>>, vector<1x1x16xf32>,
      %swap3A_775 = arith.index_cast %shift_right_arithmetic3A_708 : i32 to index
      %swap3A_776 = arith.index_cast %and3A_710 : i32 to index
      %swap3A_777 = arith.constant 16 : index
      %swap3A_778 = tpu.vector_load %arg14[%swap3A_775, %swap3A_776, %swap3A_777] {strides = array<i32>} : memref<64x8x32xf32, #tpu.memory_space<vmem>>, vector<1x1x16xf32>,
      %swap3A_779 = vector.shape_cast %swap3A_778 : vector<1x1x16xf32> to vector<16xf32>
      %swap3A_780 = vector.shape_cast %add3A_760 : vector<16xf32> to vector<1x1x16xf32>
      tpu.vector_store %arg14[%swap3A_775, %swap3A_776, %swap3A_777], %swap3A_780 {strides = array<i32>} : memref<64x8x32xf32, #tpu.memory_space<vmem>>, vector<1x1x16xf32>,
      %mul3A_781 = arith.constant 16 : i32
      %mul3A_782 = arith.muli %sub3A_142, %mul3A_781 : i32
      %add3A_783 = arith.constant 7 : i32
      %add3A_784 = arith.addi %mul3A_782, %add3A_783 : i32
      %shift_right_arithmetic3A_785 = arith.constant 3 : i32
      %shift_right_arithmetic3A_786 = arith.shrsi %add3A_784, %shift_right_arithmetic3A_785 : i32
      %and3A_787 = arith.constant 7 : i32
      %and3A_788 = arith.andi %add3A_784, %and3A_787 : i32
      %get3A_789 = arith.index_cast %shift_right_arithmetic3A_786 : i32 to index
      %get3A_790 = arith.index_cast %and3A_788 : i32 to index
      %get3A_791 = arith.constant 0 : index
      %get3A_792 = tpu.vector_load %arg14[%get3A_789, %get3A_790, %get3A_791] {strides = array<i32>} : memref<64x8x32xf32, #tpu.memory_space<vmem>>, vector<1x1x16xf32>,
      %get3A_793 = vector.shape_cast %get3A_792 : vector<1x1x16xf32> to vector<16xf32>
      %get3A_794 = arith.index_cast %shift_right_arithmetic3A_786 : i32 to index
      %get3A_795 = arith.index_cast %and3A_788 : i32 to index
      %get3A_796 = arith.constant 16 : index
      %get3A_797 = tpu.vector_load %arg14[%get3A_794, %get3A_795, %get3A_796] {strides = array<i32>} : memref<64x8x32xf32, #tpu.memory_space<vmem>>, vector<1x1x16xf32>,
      %get3A_798 = vector.shape_cast %get3A_797 : vector<1x1x16xf32> to vector<16xf32>
      %get3A_799 = arith.index_cast %shift_right_arithmetic3A_786 : i32 to index
      %get3A_800 = arith.index_cast %and3A_788 : i32 to index
      %get3A_801 = arith.constant 0 : index
      %get3A_802 = tpu.vector_load %arg15[%get3A_799, %get3A_800, %get3A_801] {strides = array<i32>} : memref<64x8x32xf32, #tpu.memory_space<vmem>>, vector<1x1x16xf32>,
      %get3A_803 = vector.shape_cast %get3A_802 : vector<1x1x16xf32> to vector<16xf32>
      %get3A_804 = arith.index_cast %shift_right_arithmetic3A_786 : i32 to index
      %get3A_805 = arith.index_cast %and3A_788 : i32 to index
      %get3A_806 = arith.constant 16 : index
      %get3A_807 = tpu.vector_load %arg15[%get3A_804, %get3A_805, %get3A_806] {strides = array<i32>} : memref<64x8x32xf32, #tpu.memory_space<vmem>>, vector<1x1x16xf32>,
      %get3A_808 = vector.shape_cast %get3A_807 : vector<1x1x16xf32> to vector<16xf32>
      %get3A_809 = arith.index_cast %sub3A_142 : i32 to index
      %get3A_810 = arith.constant 224 : index
      %get3A_811 = tpu.vector_load %arg13[%get3A_809, %get3A_810] {strides = array<i32>} : memref<32x512xf32, #tpu.memory_space<vmem>>, vector<1x16xf32>,
      %get3A_812 = vector.shape_cast %get3A_811 : vector<1x16xf32> to vector<16xf32>
      %get3A_813 = arith.index_cast %sub3A_142 : i32 to index
      %get3A_814 = arith.constant 240 : index
      %get3A_815 = tpu.vector_load %arg13[%get3A_813, %get3A_814] {strides = array<i32>} : memref<32x512xf32, #tpu.memory_space<vmem>>, vector<1x16xf32>,
      %get3A_816 = vector.shape_cast %get3A_815 : vector<1x16xf32> to vector<16xf32>
      %get3A_817 = arith.index_cast %sub3A_142 : i32 to index
      %get3A_818 = arith.constant 224 : index
      %get3A_819 = tpu.vector_load %arg12[%get3A_817, %get3A_818] {strides = array<i32>} : memref<32x512xf32, #tpu.memory_space<vmem>>, vector<1x16xf32>,
      %get3A_820 = vector.shape_cast %get3A_819 : vector<1x16xf32> to vector<16xf32>
      %get3A_821 = arith.index_cast %sub3A_142 : i32 to index
      %get3A_822 = arith.constant 240 : index
      %get3A_823 = tpu.vector_load %arg12[%get3A_821, %get3A_822] {strides = array<i32>} : memref<32x512xf32, #tpu.memory_space<vmem>>, vector<1x16xf32>,
      %get3A_824 = vector.shape_cast %get3A_823 : vector<1x16xf32> to vector<16xf32>
      %get3A_825 = arith.index_cast %add3A_784 : i32 to index
      %get3A_826 = arith.constant 0 : index
      %get3A_827 = tpu.vector_load %arg16[%get3A_825, %get3A_826] {strides = array<i32>} : memref<513x32xf32, #tpu.memory_space<vmem>>, vector<1x16xf32>,
      %get3A_828 = vector.shape_cast %get3A_827 : vector<1x16xf32> to vector<16xf32>
      %get3A_829 = arith.index_cast %add3A_784 : i32 to index
      %get3A_830 = arith.constant 16 : index
      %get3A_831 = tpu.vector_load %arg16[%get3A_829, %get3A_830] {strides = array<i32>} : memref<513x32xf32, #tpu.memory_space<vmem>>, vector<1x16xf32>,
      %get3A_832 = vector.shape_cast %get3A_831 : vector<1x16xf32> to vector<16xf32>
      %mul3A_833 = arith.mulf %get3A_89, %get3A_803 : vector<16xf32>
      %mul3A_834 = arith.mulf %mul3A_833, %add3A_764 : vector<16xf32>
      %add3A_835 = arith.addf %get3A_793, %mul3A_834 : vector<16xf32>
      %mul3A_836 = arith.mulf %get3A_89, %get3A_808 : vector<16xf32>
      %mul3A_837 = arith.mulf %mul3A_836, %add3A_768 : vector<16xf32>
      %add3A_838 = arith.addf %get3A_798, %mul3A_837 : vector<16xf32>
      %min3A_839 = arith.minimumf %get3A_812, %broadcast_in_dim3A_90 : vector<16xf32>
      %sub3A_840 = arith.subf %add3A_835, %get3A_820 : vector<16xf32>
      %mul3A_841 = arith.mulf %min3A_839, %sub3A_840 : vector<16xf32>
      %add3A_842 = arith.addf %mul3A_841, %get3A_828 : vector<16xf32>
      %min3A_843 = arith.minimumf %get3A_816, %broadcast_in_dim3A_90 : vector<16xf32>
      %sub3A_844 = arith.subf %add3A_838, %get3A_824 : vector<16xf32>
      %mul3A_845 = arith.mulf %min3A_843, %sub3A_844 : vector<16xf32>
      %add3A_846 = arith.addf %mul3A_845, %get3A_832 : vector<16xf32>
      %swap3A_847 = arith.index_cast %shift_right_arithmetic3A_786 : i32 to index
      %swap3A_848 = arith.index_cast %and3A_788 : i32 to index
      %swap3A_849 = arith.constant 0 : index
      %swap3A_850 = tpu.vector_load %arg14[%swap3A_847, %swap3A_848, %swap3A_849] {strides = array<i32>} : memref<64x8x32xf32, #tpu.memory_space<vmem>>, vector<1x1x16xf32>,
      %swap3A_851 = vector.shape_cast %swap3A_850 : vector<1x1x16xf32> to vector<16xf32>
      %swap3A_852 = vector.shape_cast %add3A_835 : vector<16xf32> to vector<1x1x16xf32>
      tpu.vector_store %arg14[%swap3A_847, %swap3A_848, %swap3A_849], %swap3A_852 {strides = array<i32>} : memref<64x8x32xf32, #tpu.memory_space<vmem>>, vector<1x1x16xf32>,
      %swap3A_853 = arith.index_cast %shift_right_arithmetic3A_786 : i32 to index
      %swap3A_854 = arith.index_cast %and3A_788 : i32 to index
      %swap3A_855 = arith.constant 16 : index
      %swap3A_856 = tpu.vector_load %arg14[%swap3A_853, %swap3A_854, %swap3A_855] {strides = array<i32>} : memref<64x8x32xf32, #tpu.memory_space<vmem>>, vector<1x1x16xf32>,
      %swap3A_857 = vector.shape_cast %swap3A_856 : vector<1x1x16xf32> to vector<16xf32>
      %swap3A_858 = vector.shape_cast %add3A_838 : vector<16xf32> to vector<1x1x16xf32>
      tpu.vector_store %arg14[%swap3A_853, %swap3A_854, %swap3A_855], %swap3A_858 {strides = array<i32>} : memref<64x8x32xf32, #tpu.memory_space<vmem>>, vector<1x1x16xf32>,
      %mul3A_859 = arith.constant 16 : i32
      %mul3A_860 = arith.muli %sub3A_142, %mul3A_859 : i32
      %add3A_861 = arith.constant 6 : i32
      %add3A_862 = arith.addi %mul3A_860, %add3A_861 : i32
      %shift_right_arithmetic3A_863 = arith.constant 3 : i32
      %shift_right_arithmetic3A_864 = arith.shrsi %add3A_862, %shift_right_arithmetic3A_863 : i32
      %and3A_865 = arith.constant 7 : i32
      %and3A_866 = arith.andi %add3A_862, %and3A_865 : i32
      %get3A_867 = arith.index_cast %shift_right_arithmetic3A_864 : i32 to index
      %get3A_868 = arith.index_cast %and3A_866 : i32 to index
      %get3A_869 = arith.constant 0 : index
      %get3A_870 = tpu.vector_load %arg14[%get3A_867, %get3A_868, %get3A_869] {strides = array<i32>} : memref<64x8x32xf32, #tpu.memory_space<vmem>>, vector<1x1x16xf32>,
      %get3A_871 = vector.shape_cast %get3A_870 : vector<1x1x16xf32> to vector<16xf32>
      %get3A_872 = arith.index_cast %shift_right_arithmetic3A_864 : i32 to index
      %get3A_873 = arith.index_cast %and3A_866 : i32 to index
      %get3A_874 = arith.constant 16 : index
      %get3A_875 = tpu.vector_load %arg14[%get3A_872, %get3A_873, %get3A_874] {strides = array<i32>} : memref<64x8x32xf32, #tpu.memory_space<vmem>>, vector<1x1x16xf32>,
      %get3A_876 = vector.shape_cast %get3A_875 : vector<1x1x16xf32> to vector<16xf32>
      %get3A_877 = arith.index_cast %shift_right_arithmetic3A_864 : i32 to index
      %get3A_878 = arith.index_cast %and3A_866 : i32 to index
      %get3A_879 = arith.constant 0 : index
      %get3A_880 = tpu.vector_load %arg15[%get3A_877, %get3A_878, %get3A_879] {strides = array<i32>} : memref<64x8x32xf32, #tpu.memory_space<vmem>>, vector<1x1x16xf32>,
      %get3A_881 = vector.shape_cast %get3A_880 : vector<1x1x16xf32> to vector<16xf32>
      %get3A_882 = arith.index_cast %shift_right_arithmetic3A_864 : i32 to index
      %get3A_883 = arith.index_cast %and3A_866 : i32 to index
      %get3A_884 = arith.constant 16 : index
      %get3A_885 = tpu.vector_load %arg15[%get3A_882, %get3A_883, %get3A_884] {strides = array<i32>} : memref<64x8x32xf32, #tpu.memory_space<vmem>>, vector<1x1x16xf32>,
      %get3A_886 = vector.shape_cast %get3A_885 : vector<1x1x16xf32> to vector<16xf32>
      %get3A_887 = arith.index_cast %sub3A_142 : i32 to index
      %get3A_888 = arith.constant 192 : index
      %get3A_889 = tpu.vector_load %arg13[%get3A_887, %get3A_888] {strides = array<i32>} : memref<32x512xf32, #tpu.memory_space<vmem>>, vector<1x16xf32>,
      %get3A_890 = vector.shape_cast %get3A_889 : vector<1x16xf32> to vector<16xf32>
      %get3A_891 = arith.index_cast %sub3A_142 : i32 to index
      %get3A_892 = arith.constant 208 : index
      %get3A_893 = tpu.vector_load %arg13[%get3A_891, %get3A_892] {strides = array<i32>} : memref<32x512xf32, #tpu.memory_space<vmem>>, vector<1x16xf32>,
      %get3A_894 = vector.shape_cast %get3A_893 : vector<1x16xf32> to vector<16xf32>
      %get3A_895 = arith.index_cast %sub3A_142 : i32 to index
      %get3A_896 = arith.constant 192 : index
      %get3A_897 = tpu.vector_load %arg12[%get3A_895, %get3A_896] {strides = array<i32>} : memref<32x512xf32, #tpu.memory_space<vmem>>, vector<1x16xf32>,
      %get3A_898 = vector.shape_cast %get3A_897 : vector<1x16xf32> to vector<16xf32>
      %get3A_899 = arith.index_cast %sub3A_142 : i32 to index
      %get3A_900 = arith.constant 208 : index
      %get3A_901 = tpu.vector_load %arg12[%get3A_899, %get3A_900] {strides = array<i32>} : memref<32x512xf32, #tpu.memory_space<vmem>>, vector<1x16xf32>,
      %get3A_902 = vector.shape_cast %get3A_901 : vector<1x16xf32> to vector<16xf32>
      %get3A_903 = arith.index_cast %add3A_862 : i32 to index
      %get3A_904 = arith.constant 0 : index
      %get3A_905 = tpu.vector_load %arg16[%get3A_903, %get3A_904] {strides = array<i32>} : memref<513x32xf32, #tpu.memory_space<vmem>>, vector<1x16xf32>,
      %get3A_906 = vector.shape_cast %get3A_905 : vector<1x16xf32> to vector<16xf32>
      %get3A_907 = arith.index_cast %add3A_862 : i32 to index
      %get3A_908 = arith.constant 16 : index
      %get3A_909 = tpu.vector_load %arg16[%get3A_907, %get3A_908] {strides = array<i32>} : memref<513x32xf32, #tpu.memory_space<vmem>>, vector<1x16xf32>,
      %get3A_910 = vector.shape_cast %get3A_909 : vector<1x16xf32> to vector<16xf32>
      %mul3A_911 = arith.mulf %get3A_89, %get3A_881 : vector<16xf32>
      %mul3A_912 = arith.mulf %mul3A_911, %add3A_842 : vector<16xf32>
      %add3A_913 = arith.addf %get3A_871, %mul3A_912 : vector<16xf32>
      %mul3A_914 = arith.mulf %get3A_89, %get3A_886 : vector<16xf32>
      %mul3A_915 = arith.mulf %mul3A_914, %add3A_846 : vector<16xf32>
      %add3A_916 = arith.addf %get3A_876, %mul3A_915 : vector<16xf32>
      %min3A_917 = arith.minimumf %get3A_890, %broadcast_in_dim3A_90 : vector<16xf32>
      %sub3A_918 = arith.subf %add3A_913, %get3A_898 : vector<16xf32>
      %mul3A_919 = arith.mulf %min3A_917, %sub3A_918 : vector<16xf32>
      %add3A_920 = arith.addf %mul3A_919, %get3A_906 : vector<16xf32>
      %min3A_921 = arith.minimumf %get3A_894, %broadcast_in_dim3A_90 : vector<16xf32>
      %sub3A_922 = arith.subf %add3A_916, %get3A_902 : vector<16xf32>
      %mul3A_923 = arith.mulf %min3A_921, %sub3A_922 : vector<16xf32>
      %add3A_924 = arith.addf %mul3A_923, %get3A_910 : vector<16xf32>
      %swap3A_925 = arith.index_cast %shift_right_arithmetic3A_864 : i32 to index
      %swap3A_926 = arith.index_cast %and3A_866 : i32 to index
      %swap3A_927 = arith.constant 0 : index
      %swap3A_928 = tpu.vector_load %arg14[%swap3A_925, %swap3A_926, %swap3A_927] {strides = array<i32>} : memref<64x8x32xf32, #tpu.memory_space<vmem>>, vector<1x1x16xf32>,
      %swap3A_929 = vector.shape_cast %swap3A_928 : vector<1x1x16xf32> to vector<16xf32>
      %swap3A_930 = vector.shape_cast %add3A_913 : vector<16xf32> to vector<1x1x16xf32>
      tpu.vector_store %arg14[%swap3A_925, %swap3A_926, %swap3A_927], %swap3A_930 {strides = array<i32>} : memref<64x8x32xf32, #tpu.memory_space<vmem>>, vector<1x1x16xf32>,
      %swap3A_931 = arith.index_cast %shift_right_arithmetic3A_864 : i32 to index
      %swap3A_932 = arith.index_cast %and3A_866 : i32 to index
      %swap3A_933 = arith.constant 16 : index
      %swap3A_934 = tpu.vector_load %arg14[%swap3A_931, %swap3A_932, %swap3A_933] {strides = array<i32>} : memref<64x8x32xf32, #tpu.memory_space<vmem>>, vector<1x1x16xf32>,
      %swap3A_935 = vector.shape_cast %swap3A_934 : vector<1x1x16xf32> to vector<16xf32>
      %swap3A_936 = vector.shape_cast %add3A_916 : vector<16xf32> to vector<1x1x16xf32>
      tpu.vector_store %arg14[%swap3A_931, %swap3A_932, %swap3A_933], %swap3A_936 {strides = array<i32>} : memref<64x8x32xf32, #tpu.memory_space<vmem>>, vector<1x1x16xf32>,
      %mul3A_937 = arith.constant 16 : i32
      %mul3A_938 = arith.muli %sub3A_142, %mul3A_937 : i32
      %add3A_939 = arith.constant 5 : i32
      %add3A_940 = arith.addi %mul3A_938, %add3A_939 : i32
      %shift_right_arithmetic3A_941 = arith.constant 3 : i32
      %shift_right_arithmetic3A_942 = arith.shrsi %add3A_940, %shift_right_arithmetic3A_941 : i32
      %and3A_943 = arith.constant 7 : i32
      %and3A_944 = arith.andi %add3A_940, %and3A_943 : i32
      %get3A_945 = arith.index_cast %shift_right_arithmetic3A_942 : i32 to index
      %get3A_946 = arith.index_cast %and3A_944 : i32 to index
      %get3A_947 = arith.constant 0 : index
      %get3A_948 = tpu.vector_load %arg14[%get3A_945, %get3A_946, %get3A_947] {strides = array<i32>} : memref<64x8x32xf32, #tpu.memory_space<vmem>>, vector<1x1x16xf32>,
      %get3A_949 = vector.shape_cast %get3A_948 : vector<1x1x16xf32> to vector<16xf32>
      %get3A_950 = arith.index_cast %shift_right_arithmetic3A_942 : i32 to index
      %get3A_951 = arith.index_cast %and3A_944 : i32 to index
      %get3A_952 = arith.constant 16 : index
      %get3A_953 = tpu.vector_load %arg14[%get3A_950, %get3A_951, %get3A_952] {strides = array<i32>} : memref<64x8x32xf32, #tpu.memory_space<vmem>>, vector<1x1x16xf32>,
      %get3A_954 = vector.shape_cast %get3A_953 : vector<1x1x16xf32> to vector<16xf32>
      %get3A_955 = arith.index_cast %shift_right_arithmetic3A_942 : i32 to index
      %get3A_956 = arith.index_cast %and3A_944 : i32 to index
      %get3A_957 = arith.constant 0 : index
      %get3A_958 = tpu.vector_load %arg15[%get3A_955, %get3A_956, %get3A_957] {strides = array<i32>} : memref<64x8x32xf32, #tpu.memory_space<vmem>>, vector<1x1x16xf32>,
      %get3A_959 = vector.shape_cast %get3A_958 : vector<1x1x16xf32> to vector<16xf32>
      %get3A_960 = arith.index_cast %shift_right_arithmetic3A_942 : i32 to index
      %get3A_961 = arith.index_cast %and3A_944 : i32 to index
      %get3A_962 = arith.constant 16 : index
      %get3A_963 = tpu.vector_load %arg15[%get3A_960, %get3A_961, %get3A_962] {strides = array<i32>} : memref<64x8x32xf32, #tpu.memory_space<vmem>>, vector<1x1x16xf32>,
      %get3A_964 = vector.shape_cast %get3A_963 : vector<1x1x16xf32> to vector<16xf32>
      %get3A_965 = arith.index_cast %sub3A_142 : i32 to index
      %get3A_966 = arith.constant 160 : index
      %get3A_967 = tpu.vector_load %arg13[%get3A_965, %get3A_966] {strides = array<i32>} : memref<32x512xf32, #tpu.memory_space<vmem>>, vector<1x16xf32>,
      %get3A_968 = vector.shape_cast %get3A_967 : vector<1x16xf32> to vector<16xf32>
      %get3A_969 = arith.index_cast %sub3A_142 : i32 to index
      %get3A_970 = arith.constant 176 : index
      %get3A_971 = tpu.vector_load %arg13[%get3A_969, %get3A_970] {strides = array<i32>} : memref<32x512xf32, #tpu.memory_space<vmem>>, vector<1x16xf32>,
      %get3A_972 = vector.shape_cast %get3A_971 : vector<1x16xf32> to vector<16xf32>
      %get3A_973 = arith.index_cast %sub3A_142 : i32 to index
      %get3A_974 = arith.constant 160 : index
      %get3A_975 = tpu.vector_load %arg12[%get3A_973, %get3A_974] {strides = array<i32>} : memref<32x512xf32, #tpu.memory_space<vmem>>, vector<1x16xf32>,
      %get3A_976 = vector.shape_cast %get3A_975 : vector<1x16xf32> to vector<16xf32>
      %get3A_977 = arith.index_cast %sub3A_142 : i32 to index
      %get3A_978 = arith.constant 176 : index
      %get3A_979 = tpu.vector_load %arg12[%get3A_977, %get3A_978] {strides = array<i32>} : memref<32x512xf32, #tpu.memory_space<vmem>>, vector<1x16xf32>,
      %get3A_980 = vector.shape_cast %get3A_979 : vector<1x16xf32> to vector<16xf32>
      %get3A_981 = arith.index_cast %add3A_940 : i32 to index
      %get3A_982 = arith.constant 0 : index
      %get3A_983 = tpu.vector_load %arg16[%get3A_981, %get3A_982] {strides = array<i32>} : memref<513x32xf32, #tpu.memory_space<vmem>>, vector<1x16xf32>,
      %get3A_984 = vector.shape_cast %get3A_983 : vector<1x16xf32> to vector<16xf32>
      %get3A_985 = arith.index_cast %add3A_940 : i32 to index
      %get3A_986 = arith.constant 16 : index
      %get3A_987 = tpu.vector_load %arg16[%get3A_985, %get3A_986] {strides = array<i32>} : memref<513x32xf32, #tpu.memory_space<vmem>>, vector<1x16xf32>,
      %get3A_988 = vector.shape_cast %get3A_987 : vector<1x16xf32> to vector<16xf32>
      %mul3A_989 = arith.mulf %get3A_89, %get3A_959 : vector<16xf32>
      %mul3A_990 = arith.mulf %mul3A_989, %add3A_920 : vector<16xf32>
      %add3A_991 = arith.addf %get3A_949, %mul3A_990 : vector<16xf32>
      %mul3A_992 = arith.mulf %get3A_89, %get3A_964 : vector<16xf32>
      %mul3A_993 = arith.mulf %mul3A_992, %add3A_924 : vector<16xf32>
      %add3A_994 = arith.addf %get3A_954, %mul3A_993 : vector<16xf32>
      %min3A_995 = arith.minimumf %get3A_968, %broadcast_in_dim3A_90 : vector<16xf32>
      %sub3A_996 = arith.subf %add3A_991, %get3A_976 : vector<16xf32>
      %mul3A_997 = arith.mulf %min3A_995, %sub3A_996 : vector<16xf32>
      %add3A_998 = arith.addf %mul3A_997, %get3A_984 : vector<16xf32>
      %min3A_999 = arith.minimumf %get3A_972, %broadcast_in_dim3A_90 : vector<16xf32>
      %sub3A_1000 = arith.subf %add3A_994, %get3A_980 : vector<16xf32>
      %mul3A_1001 = arith.mulf %min3A_999, %sub3A_1000 : vector<16xf32>
      %add3A_1002 = arith.addf %mul3A_1001, %get3A_988 : vector<16xf32>
      %swap3A_1003 = arith.index_cast %shift_right_arithmetic3A_942 : i32 to index
      %swap3A_1004 = arith.index_cast %and3A_944 : i32 to index
      %swap3A_1005 = arith.constant 0 : index
      %swap3A_1006 = tpu.vector_load %arg14[%swap3A_1003, %swap3A_1004, %swap3A_1005] {strides = array<i32>} : memref<64x8x32xf32, #tpu.memory_space<vmem>>, vector<1x1x16xf32>,
      %swap3A_1007 = vector.shape_cast %swap3A_1006 : vector<1x1x16xf32> to vector<16xf32>
      %swap3A_1008 = vector.shape_cast %add3A_991 : vector<16xf32> to vector<1x1x16xf32>
      tpu.vector_store %arg14[%swap3A_1003, %swap3A_1004, %swap3A_1005], %swap3A_1008 {strides = array<i32>} : memref<64x8x32xf32, #tpu.memory_space<vmem>>, vector<1x1x16xf32>,
      %swap3A_1009 = arith.index_cast %shift_right_arithmetic3A_942 : i32 to index
      %swap3A_1010 = arith.index_cast %and3A_944 : i32 to index
      %swap3A_1011 = arith.constant 16 : index
      %swap3A_1012 = tpu.vector_load %arg14[%swap3A_1009, %swap3A_1010, %swap3A_1011] {strides = array<i32>} : memref<64x8x32xf32, #tpu.memory_space<vmem>>, vector<1x1x16xf32>,
      %swap3A_1013 = vector.shape_cast %swap3A_1012 : vector<1x1x16xf32> to vector<16xf32>
      %swap3A_1014 = vector.shape_cast %add3A_994 : vector<16xf32> to vector<1x1x16xf32>
      tpu.vector_store %arg14[%swap3A_1009, %swap3A_1010, %swap3A_1011], %swap3A_1014 {strides = array<i32>} : memref<64x8x32xf32, #tpu.memory_space<vmem>>, vector<1x1x16xf32>,
      %mul3A_1015 = arith.constant 16 : i32
      %mul3A_1016 = arith.muli %sub3A_142, %mul3A_1015 : i32
      %add3A_1017 = arith.constant 4 : i32
      %add3A_1018 = arith.addi %mul3A_1016, %add3A_1017 : i32
      %shift_right_arithmetic3A_1019 = arith.constant 3 : i32
      %shift_right_arithmetic3A_1020 = arith.shrsi %add3A_1018, %shift_right_arithmetic3A_1019 : i32
      %and3A_1021 = arith.constant 7 : i32
      %and3A_1022 = arith.andi %add3A_1018, %and3A_1021 : i32
      %get3A_1023 = arith.index_cast %shift_right_arithmetic3A_1020 : i32 to index
      %get3A_1024 = arith.index_cast %and3A_1022 : i32 to index
      %get3A_1025 = arith.constant 0 : index
      %get3A_1026 = tpu.vector_load %arg14[%get3A_1023, %get3A_1024, %get3A_1025] {strides = array<i32>} : memref<64x8x32xf32, #tpu.memory_space<vmem>>, vector<1x1x16xf32>,
      %get3A_1027 = vector.shape_cast %get3A_1026 : vector<1x1x16xf32> to vector<16xf32>
      %get3A_1028 = arith.index_cast %shift_right_arithmetic3A_1020 : i32 to index
      %get3A_1029 = arith.index_cast %and3A_1022 : i32 to index
      %get3A_1030 = arith.constant 16 : index
      %get3A_1031 = tpu.vector_load %arg14[%get3A_1028, %get3A_1029, %get3A_1030] {strides = array<i32>} : memref<64x8x32xf32, #tpu.memory_space<vmem>>, vector<1x1x16xf32>,
      %get3A_1032 = vector.shape_cast %get3A_1031 : vector<1x1x16xf32> to vector<16xf32>
      %get3A_1033 = arith.index_cast %shift_right_arithmetic3A_1020 : i32 to index
      %get3A_1034 = arith.index_cast %and3A_1022 : i32 to index
      %get3A_1035 = arith.constant 0 : index
      %get3A_1036 = tpu.vector_load %arg15[%get3A_1033, %get3A_1034, %get3A_1035] {strides = array<i32>} : memref<64x8x32xf32, #tpu.memory_space<vmem>>, vector<1x1x16xf32>,
      %get3A_1037 = vector.shape_cast %get3A_1036 : vector<1x1x16xf32> to vector<16xf32>
      %get3A_1038 = arith.index_cast %shift_right_arithmetic3A_1020 : i32 to index
      %get3A_1039 = arith.index_cast %and3A_1022 : i32 to index
      %get3A_1040 = arith.constant 16 : index
      %get3A_1041 = tpu.vector_load %arg15[%get3A_1038, %get3A_1039, %get3A_1040] {strides = array<i32>} : memref<64x8x32xf32, #tpu.memory_space<vmem>>, vector<1x1x16xf32>,
      %get3A_1042 = vector.shape_cast %get3A_1041 : vector<1x1x16xf32> to vector<16xf32>
      %get3A_1043 = arith.index_cast %sub3A_142 : i32 to index
      %get3A_1044 = arith.constant 128 : index
      %get3A_1045 = tpu.vector_load %arg13[%get3A_1043, %get3A_1044] {strides = array<i32>} : memref<32x512xf32, #tpu.memory_space<vmem>>, vector<1x16xf32>,
      %get3A_1046 = vector.shape_cast %get3A_1045 : vector<1x16xf32> to vector<16xf32>
      %get3A_1047 = arith.index_cast %sub3A_142 : i32 to index
      %get3A_1048 = arith.constant 144 : index
      %get3A_1049 = tpu.vector_load %arg13[%get3A_1047, %get3A_1048] {strides = array<i32>} : memref<32x512xf32, #tpu.memory_space<vmem>>, vector<1x16xf32>,
      %get3A_1050 = vector.shape_cast %get3A_1049 : vector<1x16xf32> to vector<16xf32>
      %get3A_1051 = arith.index_cast %sub3A_142 : i32 to index
      %get3A_1052 = arith.constant 128 : index
      %get3A_1053 = tpu.vector_load %arg12[%get3A_1051, %get3A_1052] {strides = array<i32>} : memref<32x512xf32, #tpu.memory_space<vmem>>, vector<1x16xf32>,
      %get3A_1054 = vector.shape_cast %get3A_1053 : vector<1x16xf32> to vector<16xf32>
      %get3A_1055 = arith.index_cast %sub3A_142 : i32 to index
      %get3A_1056 = arith.constant 144 : index
      %get3A_1057 = tpu.vector_load %arg12[%get3A_1055, %get3A_1056] {strides = array<i32>} : memref<32x512xf32, #tpu.memory_space<vmem>>, vector<1x16xf32>,
      %get3A_1058 = vector.shape_cast %get3A_1057 : vector<1x16xf32> to vector<16xf32>
      %get3A_1059 = arith.index_cast %add3A_1018 : i32 to index
      %get3A_1060 = arith.constant 0 : index
      %get3A_1061 = tpu.vector_load %arg16[%get3A_1059, %get3A_1060] {strides = array<i32>} : memref<513x32xf32, #tpu.memory_space<vmem>>, vector<1x16xf32>,
      %get3A_1062 = vector.shape_cast %get3A_1061 : vector<1x16xf32> to vector<16xf32>
      %get3A_1063 = arith.index_cast %add3A_1018 : i32 to index
      %get3A_1064 = arith.constant 16 : index
      %get3A_1065 = tpu.vector_load %arg16[%get3A_1063, %get3A_1064] {strides = array<i32>} : memref<513x32xf32, #tpu.memory_space<vmem>>, vector<1x16xf32>,
      %get3A_1066 = vector.shape_cast %get3A_1065 : vector<1x16xf32> to vector<16xf32>
      %mul3A_1067 = arith.mulf %get3A_89, %get3A_1037 : vector<16xf32>
      %mul3A_1068 = arith.mulf %mul3A_1067, %add3A_998 : vector<16xf32>
      %add3A_1069 = arith.addf %get3A_1027, %mul3A_1068 : vector<16xf32>
      %mul3A_1070 = arith.mulf %get3A_89, %get3A_1042 : vector<16xf32>
      %mul3A_1071 = arith.mulf %mul3A_1070, %add3A_1002 : vector<16xf32>
      %add3A_1072 = arith.addf %get3A_1032, %mul3A_1071 : vector<16xf32>
      %min3A_1073 = arith.minimumf %get3A_1046, %broadcast_in_dim3A_90 : vector<16xf32>
      %sub3A_1074 = arith.subf %add3A_1069, %get3A_1054 : vector<16xf32>
      %mul3A_1075 = arith.mulf %min3A_1073, %sub3A_1074 : vector<16xf32>
      %add3A_1076 = arith.addf %mul3A_1075, %get3A_1062 : vector<16xf32>
      %min3A_1077 = arith.minimumf %get3A_1050, %broadcast_in_dim3A_90 : vector<16xf32>
      %sub3A_1078 = arith.subf %add3A_1072, %get3A_1058 : vector<16xf32>
      %mul3A_1079 = arith.mulf %min3A_1077, %sub3A_1078 : vector<16xf32>
      %add3A_1080 = arith.addf %mul3A_1079, %get3A_1066 : vector<16xf32>
      %swap3A_1081 = arith.index_cast %shift_right_arithmetic3A_1020 : i32 to index
      %swap3A_1082 = arith.index_cast %and3A_1022 : i32 to index
      %swap3A_1083 = arith.constant 0 : index
      %swap3A_1084 = tpu.vector_load %arg14[%swap3A_1081, %swap3A_1082, %swap3A_1083] {strides = array<i32>} : memref<64x8x32xf32, #tpu.memory_space<vmem>>, vector<1x1x16xf32>,
      %swap3A_1085 = vector.shape_cast %swap3A_1084 : vector<1x1x16xf32> to vector<16xf32>
      %swap3A_1086 = vector.shape_cast %add3A_1069 : vector<16xf32> to vector<1x1x16xf32>
      tpu.vector_store %arg14[%swap3A_1081, %swap3A_1082, %swap3A_1083], %swap3A_1086 {strides = array<i32>} : memref<64x8x32xf32, #tpu.memory_space<vmem>>, vector<1x1x16xf32>,
      %swap3A_1087 = arith.index_cast %shift_right_arithmetic3A_1020 : i32 to index
      %swap3A_1088 = arith.index_cast %and3A_1022 : i32 to index
      %swap3A_1089 = arith.constant 16 : index
      %swap3A_1090 = tpu.vector_load %arg14[%swap3A_1087, %swap3A_1088, %swap3A_1089] {strides = array<i32>} : memref<64x8x32xf32, #tpu.memory_space<vmem>>, vector<1x1x16xf32>,
      %swap3A_1091 = vector.shape_cast %swap3A_1090 : vector<1x1x16xf32> to vector<16xf32>
      %swap3A_1092 = vector.shape_cast %add3A_1072 : vector<16xf32> to vector<1x1x16xf32>
      tpu.vector_store %arg14[%swap3A_1087, %swap3A_1088, %swap3A_1089], %swap3A_1092 {strides = array<i32>} : memref<64x8x32xf32, #tpu.memory_space<vmem>>, vector<1x1x16xf32>,
      %mul3A_1093 = arith.constant 16 : i32
      %mul3A_1094 = arith.muli %sub3A_142, %mul3A_1093 : i32
      %add3A_1095 = arith.constant 3 : i32
      %add3A_1096 = arith.addi %mul3A_1094, %add3A_1095 : i32
      %shift_right_arithmetic3A_1097 = arith.constant 3 : i32
      %shift_right_arithmetic3A_1098 = arith.shrsi %add3A_1096, %shift_right_arithmetic3A_1097 : i32
      %and3A_1099 = arith.constant 7 : i32
      %and3A_1100 = arith.andi %add3A_1096, %and3A_1099 : i32
      %get3A_1101 = arith.index_cast %shift_right_arithmetic3A_1098 : i32 to index
      %get3A_1102 = arith.index_cast %and3A_1100 : i32 to index
      %get3A_1103 = arith.constant 0 : index
      %get3A_1104 = tpu.vector_load %arg14[%get3A_1101, %get3A_1102, %get3A_1103] {strides = array<i32>} : memref<64x8x32xf32, #tpu.memory_space<vmem>>, vector<1x1x16xf32>,
      %get3A_1105 = vector.shape_cast %get3A_1104 : vector<1x1x16xf32> to vector<16xf32>
      %get3A_1106 = arith.index_cast %shift_right_arithmetic3A_1098 : i32 to index
      %get3A_1107 = arith.index_cast %and3A_1100 : i32 to index
      %get3A_1108 = arith.constant 16 : index
      %get3A_1109 = tpu.vector_load %arg14[%get3A_1106, %get3A_1107, %get3A_1108] {strides = array<i32>} : memref<64x8x32xf32, #tpu.memory_space<vmem>>, vector<1x1x16xf32>,
      %get3A_1110 = vector.shape_cast %get3A_1109 : vector<1x1x16xf32> to vector<16xf32>
      %get3A_1111 = arith.index_cast %shift_right_arithmetic3A_1098 : i32 to index
      %get3A_1112 = arith.index_cast %and3A_1100 : i32 to index
      %get3A_1113 = arith.constant 0 : index
      %get3A_1114 = tpu.vector_load %arg15[%get3A_1111, %get3A_1112, %get3A_1113] {strides = array<i32>} : memref<64x8x32xf32, #tpu.memory_space<vmem>>, vector<1x1x16xf32>,
      %get3A_1115 = vector.shape_cast %get3A_1114 : vector<1x1x16xf32> to vector<16xf32>
      %get3A_1116 = arith.index_cast %shift_right_arithmetic3A_1098 : i32 to index
      %get3A_1117 = arith.index_cast %and3A_1100 : i32 to index
      %get3A_1118 = arith.constant 16 : index
      %get3A_1119 = tpu.vector_load %arg15[%get3A_1116, %get3A_1117, %get3A_1118] {strides = array<i32>} : memref<64x8x32xf32, #tpu.memory_space<vmem>>, vector<1x1x16xf32>,
      %get3A_1120 = vector.shape_cast %get3A_1119 : vector<1x1x16xf32> to vector<16xf32>
      %get3A_1121 = arith.index_cast %sub3A_142 : i32 to index
      %get3A_1122 = arith.constant 96 : index
      %get3A_1123 = tpu.vector_load %arg13[%get3A_1121, %get3A_1122] {strides = array<i32>} : memref<32x512xf32, #tpu.memory_space<vmem>>, vector<1x16xf32>,
      %get3A_1124 = vector.shape_cast %get3A_1123 : vector<1x16xf32> to vector<16xf32>
      %get3A_1125 = arith.index_cast %sub3A_142 : i32 to index
      %get3A_1126 = arith.constant 112 : index
      %get3A_1127 = tpu.vector_load %arg13[%get3A_1125, %get3A_1126] {strides = array<i32>} : memref<32x512xf32, #tpu.memory_space<vmem>>, vector<1x16xf32>,
      %get3A_1128 = vector.shape_cast %get3A_1127 : vector<1x16xf32> to vector<16xf32>
      %get3A_1129 = arith.index_cast %sub3A_142 : i32 to index
      %get3A_1130 = arith.constant 96 : index
      %get3A_1131 = tpu.vector_load %arg12[%get3A_1129, %get3A_1130] {strides = array<i32>} : memref<32x512xf32, #tpu.memory_space<vmem>>, vector<1x16xf32>,
      %get3A_1132 = vector.shape_cast %get3A_1131 : vector<1x16xf32> to vector<16xf32>
      %get3A_1133 = arith.index_cast %sub3A_142 : i32 to index
      %get3A_1134 = arith.constant 112 : index
      %get3A_1135 = tpu.vector_load %arg12[%get3A_1133, %get3A_1134] {strides = array<i32>} : memref<32x512xf32, #tpu.memory_space<vmem>>, vector<1x16xf32>,
      %get3A_1136 = vector.shape_cast %get3A_1135 : vector<1x16xf32> to vector<16xf32>
      %get3A_1137 = arith.index_cast %add3A_1096 : i32 to index
      %get3A_1138 = arith.constant 0 : index
      %get3A_1139 = tpu.vector_load %arg16[%get3A_1137, %get3A_1138] {strides = array<i32>} : memref<513x32xf32, #tpu.memory_space<vmem>>, vector<1x16xf32>,
      %get3A_1140 = vector.shape_cast %get3A_1139 : vector<1x16xf32> to vector<16xf32>
      %get3A_1141 = arith.index_cast %add3A_1096 : i32 to index
      %get3A_1142 = arith.constant 16 : index
      %get3A_1143 = tpu.vector_load %arg16[%get3A_1141, %get3A_1142] {strides = array<i32>} : memref<513x32xf32, #tpu.memory_space<vmem>>, vector<1x16xf32>,
      %get3A_1144 = vector.shape_cast %get3A_1143 : vector<1x16xf32> to vector<16xf32>
      %mul3A_1145 = arith.mulf %get3A_89, %get3A_1115 : vector<16xf32>
      %mul3A_1146 = arith.mulf %mul3A_1145, %add3A_1076 : vector<16xf32>
      %add3A_1147 = arith.addf %get3A_1105, %mul3A_1146 : vector<16xf32>
      %mul3A_1148 = arith.mulf %get3A_89, %get3A_1120 : vector<16xf32>
      %mul3A_1149 = arith.mulf %mul3A_1148, %add3A_1080 : vector<16xf32>
      %add3A_1150 = arith.addf %get3A_1110, %mul3A_1149 : vector<16xf32>
      %min3A_1151 = arith.minimumf %get3A_1124, %broadcast_in_dim3A_90 : vector<16xf32>
      %sub3A_1152 = arith.subf %add3A_1147, %get3A_1132 : vector<16xf32>
      %mul3A_1153 = arith.mulf %min3A_1151, %sub3A_1152 : vector<16xf32>
      %add3A_1154 = arith.addf %mul3A_1153, %get3A_1140 : vector<16xf32>
      %min3A_1155 = arith.minimumf %get3A_1128, %broadcast_in_dim3A_90 : vector<16xf32>
      %sub3A_1156 = arith.subf %add3A_1150, %get3A_1136 : vector<16xf32>
      %mul3A_1157 = arith.mulf %min3A_1155, %sub3A_1156 : vector<16xf32>
      %add3A_1158 = arith.addf %mul3A_1157, %get3A_1144 : vector<16xf32>
      %swap3A_1159 = arith.index_cast %shift_right_arithmetic3A_1098 : i32 to index
      %swap3A_1160 = arith.index_cast %and3A_1100 : i32 to index
      %swap3A_1161 = arith.constant 0 : index
      %swap3A_1162 = tpu.vector_load %arg14[%swap3A_1159, %swap3A_1160, %swap3A_1161] {strides = array<i32>} : memref<64x8x32xf32, #tpu.memory_space<vmem>>, vector<1x1x16xf32>,
      %swap3A_1163 = vector.shape_cast %swap3A_1162 : vector<1x1x16xf32> to vector<16xf32>
      %swap3A_1164 = vector.shape_cast %add3A_1147 : vector<16xf32> to vector<1x1x16xf32>
      tpu.vector_store %arg14[%swap3A_1159, %swap3A_1160, %swap3A_1161], %swap3A_1164 {strides = array<i32>} : memref<64x8x32xf32, #tpu.memory_space<vmem>>, vector<1x1x16xf32>,
      %swap3A_1165 = arith.index_cast %shift_right_arithmetic3A_1098 : i32 to index
      %swap3A_1166 = arith.index_cast %and3A_1100 : i32 to index
      %swap3A_1167 = arith.constant 16 : index
      %swap3A_1168 = tpu.vector_load %arg14[%swap3A_1165, %swap3A_1166, %swap3A_1167] {strides = array<i32>} : memref<64x8x32xf32, #tpu.memory_space<vmem>>, vector<1x1x16xf32>,
      %swap3A_1169 = vector.shape_cast %swap3A_1168 : vector<1x1x16xf32> to vector<16xf32>
      %swap3A_1170 = vector.shape_cast %add3A_1150 : vector<16xf32> to vector<1x1x16xf32>
      tpu.vector_store %arg14[%swap3A_1165, %swap3A_1166, %swap3A_1167], %swap3A_1170 {strides = array<i32>} : memref<64x8x32xf32, #tpu.memory_space<vmem>>, vector<1x1x16xf32>,
      %mul3A_1171 = arith.constant 16 : i32
      %mul3A_1172 = arith.muli %sub3A_142, %mul3A_1171 : i32
      %add3A_1173 = arith.constant 2 : i32
      %add3A_1174 = arith.addi %mul3A_1172, %add3A_1173 : i32
      %shift_right_arithmetic3A_1175 = arith.constant 3 : i32
      %shift_right_arithmetic3A_1176 = arith.shrsi %add3A_1174, %shift_right_arithmetic3A_1175 : i32
      %and3A_1177 = arith.constant 7 : i32
      %and3A_1178 = arith.andi %add3A_1174, %and3A_1177 : i32
      %get3A_1179 = arith.index_cast %shift_right_arithmetic3A_1176 : i32 to index
      %get3A_1180 = arith.index_cast %and3A_1178 : i32 to index
      %get3A_1181 = arith.constant 0 : index
      %get3A_1182 = tpu.vector_load %arg14[%get3A_1179, %get3A_1180, %get3A_1181] {strides = array<i32>} : memref<64x8x32xf32, #tpu.memory_space<vmem>>, vector<1x1x16xf32>,
      %get3A_1183 = vector.shape_cast %get3A_1182 : vector<1x1x16xf32> to vector<16xf32>
      %get3A_1184 = arith.index_cast %shift_right_arithmetic3A_1176 : i32 to index
      %get3A_1185 = arith.index_cast %and3A_1178 : i32 to index
      %get3A_1186 = arith.constant 16 : index
      %get3A_1187 = tpu.vector_load %arg14[%get3A_1184, %get3A_1185, %get3A_1186] {strides = array<i32>} : memref<64x8x32xf32, #tpu.memory_space<vmem>>, vector<1x1x16xf32>,
      %get3A_1188 = vector.shape_cast %get3A_1187 : vector<1x1x16xf32> to vector<16xf32>
      %get3A_1189 = arith.index_cast %shift_right_arithmetic3A_1176 : i32 to index
      %get3A_1190 = arith.index_cast %and3A_1178 : i32 to index
      %get3A_1191 = arith.constant 0 : index
      %get3A_1192 = tpu.vector_load %arg15[%get3A_1189, %get3A_1190, %get3A_1191] {strides = array<i32>} : memref<64x8x32xf32, #tpu.memory_space<vmem>>, vector<1x1x16xf32>,
      %get3A_1193 = vector.shape_cast %get3A_1192 : vector<1x1x16xf32> to vector<16xf32>
      %get3A_1194 = arith.index_cast %shift_right_arithmetic3A_1176 : i32 to index
      %get3A_1195 = arith.index_cast %and3A_1178 : i32 to index
      %get3A_1196 = arith.constant 16 : index
      %get3A_1197 = tpu.vector_load %arg15[%get3A_1194, %get3A_1195, %get3A_1196] {strides = array<i32>} : memref<64x8x32xf32, #tpu.memory_space<vmem>>, vector<1x1x16xf32>,
      %get3A_1198 = vector.shape_cast %get3A_1197 : vector<1x1x16xf32> to vector<16xf32>
      %get3A_1199 = arith.index_cast %sub3A_142 : i32 to index
      %get3A_1200 = arith.constant 64 : index
      %get3A_1201 = tpu.vector_load %arg13[%get3A_1199, %get3A_1200] {strides = array<i32>} : memref<32x512xf32, #tpu.memory_space<vmem>>, vector<1x16xf32>,
      %get3A_1202 = vector.shape_cast %get3A_1201 : vector<1x16xf32> to vector<16xf32>
      %get3A_1203 = arith.index_cast %sub3A_142 : i32 to index
      %get3A_1204 = arith.constant 80 : index
      %get3A_1205 = tpu.vector_load %arg13[%get3A_1203, %get3A_1204] {strides = array<i32>} : memref<32x512xf32, #tpu.memory_space<vmem>>, vector<1x16xf32>,
      %get3A_1206 = vector.shape_cast %get3A_1205 : vector<1x16xf32> to vector<16xf32>
      %get3A_1207 = arith.index_cast %sub3A_142 : i32 to index
      %get3A_1208 = arith.constant 64 : index
      %get3A_1209 = tpu.vector_load %arg12[%get3A_1207, %get3A_1208] {strides = array<i32>} : memref<32x512xf32, #tpu.memory_space<vmem>>, vector<1x16xf32>,
      %get3A_1210 = vector.shape_cast %get3A_1209 : vector<1x16xf32> to vector<16xf32>
      %get3A_1211 = arith.index_cast %sub3A_142 : i32 to index
      %get3A_1212 = arith.constant 80 : index
      %get3A_1213 = tpu.vector_load %arg12[%get3A_1211, %get3A_1212] {strides = array<i32>} : memref<32x512xf32, #tpu.memory_space<vmem>>, vector<1x16xf32>,
      %get3A_1214 = vector.shape_cast %get3A_1213 : vector<1x16xf32> to vector<16xf32>
      %get3A_1215 = arith.index_cast %add3A_1174 : i32 to index
      %get3A_1216 = arith.constant 0 : index
      %get3A_1217 = tpu.vector_load %arg16[%get3A_1215, %get3A_1216] {strides = array<i32>} : memref<513x32xf32, #tpu.memory_space<vmem>>, vector<1x16xf32>,
      %get3A_1218 = vector.shape_cast %get3A_1217 : vector<1x16xf32> to vector<16xf32>
      %get3A_1219 = arith.index_cast %add3A_1174 : i32 to index
      %get3A_1220 = arith.constant 16 : index
      %get3A_1221 = tpu.vector_load %arg16[%get3A_1219, %get3A_1220] {strides = array<i32>} : memref<513x32xf32, #tpu.memory_space<vmem>>, vector<1x16xf32>,
      %get3A_1222 = vector.shape_cast %get3A_1221 : vector<1x16xf32> to vector<16xf32>
      %mul3A_1223 = arith.mulf %get3A_89, %get3A_1193 : vector<16xf32>
      %mul3A_1224 = arith.mulf %mul3A_1223, %add3A_1154 : vector<16xf32>
      %add3A_1225 = arith.addf %get3A_1183, %mul3A_1224 : vector<16xf32>
      %mul3A_1226 = arith.mulf %get3A_89, %get3A_1198 : vector<16xf32>
      %mul3A_1227 = arith.mulf %mul3A_1226, %add3A_1158 : vector<16xf32>
      %add3A_1228 = arith.addf %get3A_1188, %mul3A_1227 : vector<16xf32>
      %min3A_1229 = arith.minimumf %get3A_1202, %broadcast_in_dim3A_90 : vector<16xf32>
      %sub3A_1230 = arith.subf %add3A_1225, %get3A_1210 : vector<16xf32>
      %mul3A_1231 = arith.mulf %min3A_1229, %sub3A_1230 : vector<16xf32>
      %add3A_1232 = arith.addf %mul3A_1231, %get3A_1218 : vector<16xf32>
      %min3A_1233 = arith.minimumf %get3A_1206, %broadcast_in_dim3A_90 : vector<16xf32>
      %sub3A_1234 = arith.subf %add3A_1228, %get3A_1214 : vector<16xf32>
      %mul3A_1235 = arith.mulf %min3A_1233, %sub3A_1234 : vector<16xf32>
      %add3A_1236 = arith.addf %mul3A_1235, %get3A_1222 : vector<16xf32>
      %swap3A_1237 = arith.index_cast %shift_right_arithmetic3A_1176 : i32 to index
      %swap3A_1238 = arith.index_cast %and3A_1178 : i32 to index
      %swap3A_1239 = arith.constant 0 : index
      %swap3A_1240 = tpu.vector_load %arg14[%swap3A_1237, %swap3A_1238, %swap3A_1239] {strides = array<i32>} : memref<64x8x32xf32, #tpu.memory_space<vmem>>, vector<1x1x16xf32>,
      %swap3A_1241 = vector.shape_cast %swap3A_1240 : vector<1x1x16xf32> to vector<16xf32>
      %swap3A_1242 = vector.shape_cast %add3A_1225 : vector<16xf32> to vector<1x1x16xf32>
      tpu.vector_store %arg14[%swap3A_1237, %swap3A_1238, %swap3A_1239], %swap3A_1242 {strides = array<i32>} : memref<64x8x32xf32, #tpu.memory_space<vmem>>, vector<1x1x16xf32>,
      %swap3A_1243 = arith.index_cast %shift_right_arithmetic3A_1176 : i32 to index
      %swap3A_1244 = arith.index_cast %and3A_1178 : i32 to index
      %swap3A_1245 = arith.constant 16 : index
      %swap3A_1246 = tpu.vector_load %arg14[%swap3A_1243, %swap3A_1244, %swap3A_1245] {strides = array<i32>} : memref<64x8x32xf32, #tpu.memory_space<vmem>>, vector<1x1x16xf32>,
      %swap3A_1247 = vector.shape_cast %swap3A_1246 : vector<1x1x16xf32> to vector<16xf32>
      %swap3A_1248 = vector.shape_cast %add3A_1228 : vector<16xf32> to vector<1x1x16xf32>
      tpu.vector_store %arg14[%swap3A_1243, %swap3A_1244, %swap3A_1245], %swap3A_1248 {strides = array<i32>} : memref<64x8x32xf32, #tpu.memory_space<vmem>>, vector<1x1x16xf32>,
      %mul3A_1249 = arith.constant 16 : i32
      %mul3A_1250 = arith.muli %sub3A_142, %mul3A_1249 : i32
      %add3A_1251 = arith.constant 1 : i32
      %add3A_1252 = arith.addi %mul3A_1250, %add3A_1251 : i32
      %shift_right_arithmetic3A_1253 = arith.constant 3 : i32
      %shift_right_arithmetic3A_1254 = arith.shrsi %add3A_1252, %shift_right_arithmetic3A_1253 : i32
      %and3A_1255 = arith.constant 7 : i32
      %and3A_1256 = arith.andi %add3A_1252, %and3A_1255 : i32
      %get3A_1257 = arith.index_cast %shift_right_arithmetic3A_1254 : i32 to index
      %get3A_1258 = arith.index_cast %and3A_1256 : i32 to index
      %get3A_1259 = arith.constant 0 : index
      %get3A_1260 = tpu.vector_load %arg14[%get3A_1257, %get3A_1258, %get3A_1259] {strides = array<i32>} : memref<64x8x32xf32, #tpu.memory_space<vmem>>, vector<1x1x16xf32>,
      %get3A_1261 = vector.shape_cast %get3A_1260 : vector<1x1x16xf32> to vector<16xf32>
      %get3A_1262 = arith.index_cast %shift_right_arithmetic3A_1254 : i32 to index
      %get3A_1263 = arith.index_cast %and3A_1256 : i32 to index
      %get3A_1264 = arith.constant 16 : index
      %get3A_1265 = tpu.vector_load %arg14[%get3A_1262, %get3A_1263, %get3A_1264] {strides = array<i32>} : memref<64x8x32xf32, #tpu.memory_space<vmem>>, vector<1x1x16xf32>,
      %get3A_1266 = vector.shape_cast %get3A_1265 : vector<1x1x16xf32> to vector<16xf32>
      %get3A_1267 = arith.index_cast %shift_right_arithmetic3A_1254 : i32 to index
      %get3A_1268 = arith.index_cast %and3A_1256 : i32 to index
      %get3A_1269 = arith.constant 0 : index
      %get3A_1270 = tpu.vector_load %arg15[%get3A_1267, %get3A_1268, %get3A_1269] {strides = array<i32>} : memref<64x8x32xf32, #tpu.memory_space<vmem>>, vector<1x1x16xf32>,
      %get3A_1271 = vector.shape_cast %get3A_1270 : vector<1x1x16xf32> to vector<16xf32>
      %get3A_1272 = arith.index_cast %shift_right_arithmetic3A_1254 : i32 to index
      %get3A_1273 = arith.index_cast %and3A_1256 : i32 to index
      %get3A_1274 = arith.constant 16 : index
      %get3A_1275 = tpu.vector_load %arg15[%get3A_1272, %get3A_1273, %get3A_1274] {strides = array<i32>} : memref<64x8x32xf32, #tpu.memory_space<vmem>>, vector<1x1x16xf32>,
      %get3A_1276 = vector.shape_cast %get3A_1275 : vector<1x1x16xf32> to vector<16xf32>
      %get3A_1277 = arith.index_cast %sub3A_142 : i32 to index
      %get3A_1278 = arith.constant 32 : index
      %get3A_1279 = tpu.vector_load %arg13[%get3A_1277, %get3A_1278] {strides = array<i32>} : memref<32x512xf32, #tpu.memory_space<vmem>>, vector<1x16xf32>,
      %get3A_1280 = vector.shape_cast %get3A_1279 : vector<1x16xf32> to vector<16xf32>
      %get3A_1281 = arith.index_cast %sub3A_142 : i32 to index
      %get3A_1282 = arith.constant 48 : index
      %get3A_1283 = tpu.vector_load %arg13[%get3A_1281, %get3A_1282] {strides = array<i32>} : memref<32x512xf32, #tpu.memory_space<vmem>>, vector<1x16xf32>,
      %get3A_1284 = vector.shape_cast %get3A_1283 : vector<1x16xf32> to vector<16xf32>
      %get3A_1285 = arith.index_cast %sub3A_142 : i32 to index
      %get3A_1286 = arith.constant 32 : index
      %get3A_1287 = tpu.vector_load %arg12[%get3A_1285, %get3A_1286] {strides = array<i32>} : memref<32x512xf32, #tpu.memory_space<vmem>>, vector<1x16xf32>,
      %get3A_1288 = vector.shape_cast %get3A_1287 : vector<1x16xf32> to vector<16xf32>
      %get3A_1289 = arith.index_cast %sub3A_142 : i32 to index
      %get3A_1290 = arith.constant 48 : index
      %get3A_1291 = tpu.vector_load %arg12[%get3A_1289, %get3A_1290] {strides = array<i32>} : memref<32x512xf32, #tpu.memory_space<vmem>>, vector<1x16xf32>,
      %get3A_1292 = vector.shape_cast %get3A_1291 : vector<1x16xf32> to vector<16xf32>
      %get3A_1293 = arith.index_cast %add3A_1252 : i32 to index
      %get3A_1294 = arith.constant 0 : index
      %get3A_1295 = tpu.vector_load %arg16[%get3A_1293, %get3A_1294] {strides = array<i32>} : memref<513x32xf32, #tpu.memory_space<vmem>>, vector<1x16xf32>,
      %get3A_1296 = vector.shape_cast %get3A_1295 : vector<1x16xf32> to vector<16xf32>
      %get3A_1297 = arith.index_cast %add3A_1252 : i32 to index
      %get3A_1298 = arith.constant 16 : index
      %get3A_1299 = tpu.vector_load %arg16[%get3A_1297, %get3A_1298] {strides = array<i32>} : memref<513x32xf32, #tpu.memory_space<vmem>>, vector<1x16xf32>,
      %get3A_1300 = vector.shape_cast %get3A_1299 : vector<1x16xf32> to vector<16xf32>
      %mul3A_1301 = arith.mulf %get3A_89, %get3A_1271 : vector<16xf32>
      %mul3A_1302 = arith.mulf %mul3A_1301, %add3A_1232 : vector<16xf32>
      %add3A_1303 = arith.addf %get3A_1261, %mul3A_1302 : vector<16xf32>
      %mul3A_1304 = arith.mulf %get3A_89, %get3A_1276 : vector<16xf32>
      %mul3A_1305 = arith.mulf %mul3A_1304, %add3A_1236 : vector<16xf32>
      %add3A_1306 = arith.addf %get3A_1266, %mul3A_1305 : vector<16xf32>
      %min3A_1307 = arith.minimumf %get3A_1280, %broadcast_in_dim3A_90 : vector<16xf32>
      %sub3A_1308 = arith.subf %add3A_1303, %get3A_1288 : vector<16xf32>
      %mul3A_1309 = arith.mulf %min3A_1307, %sub3A_1308 : vector<16xf32>
      %add3A_1310 = arith.addf %mul3A_1309, %get3A_1296 : vector<16xf32>
      %min3A_1311 = arith.minimumf %get3A_1284, %broadcast_in_dim3A_90 : vector<16xf32>
      %sub3A_1312 = arith.subf %add3A_1306, %get3A_1292 : vector<16xf32>
      %mul3A_1313 = arith.mulf %min3A_1311, %sub3A_1312 : vector<16xf32>
      %add3A_1314 = arith.addf %mul3A_1313, %get3A_1300 : vector<16xf32>
      %swap3A_1315 = arith.index_cast %shift_right_arithmetic3A_1254 : i32 to index
      %swap3A_1316 = arith.index_cast %and3A_1256 : i32 to index
      %swap3A_1317 = arith.constant 0 : index
      %swap3A_1318 = tpu.vector_load %arg14[%swap3A_1315, %swap3A_1316, %swap3A_1317] {strides = array<i32>} : memref<64x8x32xf32, #tpu.memory_space<vmem>>, vector<1x1x16xf32>,
      %swap3A_1319 = vector.shape_cast %swap3A_1318 : vector<1x1x16xf32> to vector<16xf32>
      %swap3A_1320 = vector.shape_cast %add3A_1303 : vector<16xf32> to vector<1x1x16xf32>
      tpu.vector_store %arg14[%swap3A_1315, %swap3A_1316, %swap3A_1317], %swap3A_1320 {strides = array<i32>} : memref<64x8x32xf32, #tpu.memory_space<vmem>>, vector<1x1x16xf32>,
      %swap3A_1321 = arith.index_cast %shift_right_arithmetic3A_1254 : i32 to index
      %swap3A_1322 = arith.index_cast %and3A_1256 : i32 to index
      %swap3A_1323 = arith.constant 16 : index
      %swap3A_1324 = tpu.vector_load %arg14[%swap3A_1321, %swap3A_1322, %swap3A_1323] {strides = array<i32>} : memref<64x8x32xf32, #tpu.memory_space<vmem>>, vector<1x1x16xf32>,
      %swap3A_1325 = vector.shape_cast %swap3A_1324 : vector<1x1x16xf32> to vector<16xf32>
      %swap3A_1326 = vector.shape_cast %add3A_1306 : vector<16xf32> to vector<1x1x16xf32>
      tpu.vector_store %arg14[%swap3A_1321, %swap3A_1322, %swap3A_1323], %swap3A_1326 {strides = array<i32>} : memref<64x8x32xf32, #tpu.memory_space<vmem>>, vector<1x1x16xf32>,
      %mul3A_1327 = arith.constant 16 : i32
      %mul3A_1328 = arith.muli %sub3A_142, %mul3A_1327 : i32
      %add3A_1329 = arith.constant 0 : i32
      %add3A_1330 = arith.addi %mul3A_1328, %add3A_1329 : i32
      %shift_right_arithmetic3A_1331 = arith.constant 3 : i32
      %shift_right_arithmetic3A_1332 = arith.shrsi %add3A_1330, %shift_right_arithmetic3A_1331 : i32
      %and3A_1333 = arith.constant 7 : i32
      %and3A_1334 = arith.andi %add3A_1330, %and3A_1333 : i32
      %get3A_1335 = arith.index_cast %shift_right_arithmetic3A_1332 : i32 to index
      %get3A_1336 = arith.index_cast %and3A_1334 : i32 to index
      %get3A_1337 = arith.constant 0 : index
      %get3A_1338 = tpu.vector_load %arg14[%get3A_1335, %get3A_1336, %get3A_1337] {strides = array<i32>} : memref<64x8x32xf32, #tpu.memory_space<vmem>>, vector<1x1x16xf32>,
      %get3A_1339 = vector.shape_cast %get3A_1338 : vector<1x1x16xf32> to vector<16xf32>
      %get3A_1340 = arith.index_cast %shift_right_arithmetic3A_1332 : i32 to index
      %get3A_1341 = arith.index_cast %and3A_1334 : i32 to index
      %get3A_1342 = arith.constant 16 : index
      %get3A_1343 = tpu.vector_load %arg14[%get3A_1340, %get3A_1341, %get3A_1342] {strides = array<i32>} : memref<64x8x32xf32, #tpu.memory_space<vmem>>, vector<1x1x16xf32>,
      %get3A_1344 = vector.shape_cast %get3A_1343 : vector<1x1x16xf32> to vector<16xf32>
      %get3A_1345 = arith.index_cast %shift_right_arithmetic3A_1332 : i32 to index
      %get3A_1346 = arith.index_cast %and3A_1334 : i32 to index
      %get3A_1347 = arith.constant 0 : index
      %get3A_1348 = tpu.vector_load %arg15[%get3A_1345, %get3A_1346, %get3A_1347] {strides = array<i32>} : memref<64x8x32xf32, #tpu.memory_space<vmem>>, vector<1x1x16xf32>,
      %get3A_1349 = vector.shape_cast %get3A_1348 : vector<1x1x16xf32> to vector<16xf32>
      %get3A_1350 = arith.index_cast %shift_right_arithmetic3A_1332 : i32 to index
      %get3A_1351 = arith.index_cast %and3A_1334 : i32 to index
      %get3A_1352 = arith.constant 16 : index
      %get3A_1353 = tpu.vector_load %arg15[%get3A_1350, %get3A_1351, %get3A_1352] {strides = array<i32>} : memref<64x8x32xf32, #tpu.memory_space<vmem>>, vector<1x1x16xf32>,
      %get3A_1354 = vector.shape_cast %get3A_1353 : vector<1x1x16xf32> to vector<16xf32>
      %get3A_1355 = arith.index_cast %sub3A_142 : i32 to index
      %get3A_1356 = arith.constant 0 : index
      %get3A_1357 = tpu.vector_load %arg13[%get3A_1355, %get3A_1356] {strides = array<i32>} : memref<32x512xf32, #tpu.memory_space<vmem>>, vector<1x16xf32>,
      %get3A_1358 = vector.shape_cast %get3A_1357 : vector<1x16xf32> to vector<16xf32>
      %get3A_1359 = arith.index_cast %sub3A_142 : i32 to index
      %get3A_1360 = arith.constant 16 : index
      %get3A_1361 = tpu.vector_load %arg13[%get3A_1359, %get3A_1360] {strides = array<i32>} : memref<32x512xf32, #tpu.memory_space<vmem>>, vector<1x16xf32>,
      %get3A_1362 = vector.shape_cast %get3A_1361 : vector<1x16xf32> to vector<16xf32>
      %get3A_1363 = arith.index_cast %sub3A_142 : i32 to index
      %get3A_1364 = arith.constant 0 : index
      %get3A_1365 = tpu.vector_load %arg12[%get3A_1363, %get3A_1364] {strides = array<i32>} : memref<32x512xf32, #tpu.memory_space<vmem>>, vector<1x16xf32>,
      %get3A_1366 = vector.shape_cast %get3A_1365 : vector<1x16xf32> to vector<16xf32>
      %get3A_1367 = arith.index_cast %sub3A_142 : i32 to index
      %get3A_1368 = arith.constant 16 : index
      %get3A_1369 = tpu.vector_load %arg12[%get3A_1367, %get3A_1368] {strides = array<i32>} : memref<32x512xf32, #tpu.memory_space<vmem>>, vector<1x16xf32>,
      %get3A_1370 = vector.shape_cast %get3A_1369 : vector<1x16xf32> to vector<16xf32>
      %get3A_1371 = arith.index_cast %add3A_1330 : i32 to index
      %get3A_1372 = arith.constant 0 : index
      %get3A_1373 = tpu.vector_load %arg16[%get3A_1371, %get3A_1372] {strides = array<i32>} : memref<513x32xf32, #tpu.memory_space<vmem>>, vector<1x16xf32>,
      %get3A_1374 = vector.shape_cast %get3A_1373 : vector<1x16xf32> to vector<16xf32>
      %get3A_1375 = arith.index_cast %add3A_1330 : i32 to index
      %get3A_1376 = arith.constant 16 : index
      %get3A_1377 = tpu.vector_load %arg16[%get3A_1375, %get3A_1376] {strides = array<i32>} : memref<513x32xf32, #tpu.memory_space<vmem>>, vector<1x16xf32>,
      %get3A_1378 = vector.shape_cast %get3A_1377 : vector<1x16xf32> to vector<16xf32>
      %mul3A_1379 = arith.mulf %get3A_89, %get3A_1349 : vector<16xf32>
      %mul3A_1380 = arith.mulf %mul3A_1379, %add3A_1310 : vector<16xf32>
      %add3A_1381 = arith.addf %get3A_1339, %mul3A_1380 : vector<16xf32>
      %mul3A_1382 = arith.mulf %get3A_89, %get3A_1354 : vector<16xf32>
      %mul3A_1383 = arith.mulf %mul3A_1382, %add3A_1314 : vector<16xf32>
      %add3A_1384 = arith.addf %get3A_1344, %mul3A_1383 : vector<16xf32>
      %min3A_1385 = arith.minimumf %get3A_1358, %broadcast_in_dim3A_90 : vector<16xf32>
      %sub3A_1386 = arith.subf %add3A_1381, %get3A_1366 : vector<16xf32>
      %mul3A_1387 = arith.mulf %min3A_1385, %sub3A_1386 : vector<16xf32>
      %add3A_1388 = arith.addf %mul3A_1387, %get3A_1374 : vector<16xf32>
      %min3A_1389 = arith.minimumf %get3A_1362, %broadcast_in_dim3A_90 : vector<16xf32>
      %sub3A_1390 = arith.subf %add3A_1384, %get3A_1370 : vector<16xf32>
      %mul3A_1391 = arith.mulf %min3A_1389, %sub3A_1390 : vector<16xf32>
      %add3A_1392 = arith.addf %mul3A_1391, %get3A_1378 : vector<16xf32>
      %swap3A_1393 = arith.index_cast %shift_right_arithmetic3A_1332 : i32 to index
      %swap3A_1394 = arith.index_cast %and3A_1334 : i32 to index
      %swap3A_1395 = arith.constant 0 : index
      %swap3A_1396 = tpu.vector_load %arg14[%swap3A_1393, %swap3A_1394, %swap3A_1395] {strides = array<i32>} : memref<64x8x32xf32, #tpu.memory_space<vmem>>, vector<1x1x16xf32>,
      %swap3A_1397 = vector.shape_cast %swap3A_1396 : vector<1x1x16xf32> to vector<16xf32>
      %swap3A_1398 = vector.shape_cast %add3A_1381 : vector<16xf32> to vector<1x1x16xf32>
      tpu.vector_store %arg14[%swap3A_1393, %swap3A_1394, %swap3A_1395], %swap3A_1398 {strides = array<i32>} : memref<64x8x32xf32, #tpu.memory_space<vmem>>, vector<1x1x16xf32>,
      %swap3A_1399 = arith.index_cast %shift_right_arithmetic3A_1332 : i32 to index
      %swap3A_1400 = arith.index_cast %and3A_1334 : i32 to index
      %swap3A_1401 = arith.constant 16 : index
      %swap3A_1402 = tpu.vector_load %arg14[%swap3A_1399, %swap3A_1400, %swap3A_1401] {strides = array<i32>} : memref<64x8x32xf32, #tpu.memory_space<vmem>>, vector<1x1x16xf32>,
      %swap3A_1403 = vector.shape_cast %swap3A_1402 : vector<1x1x16xf32> to vector<16xf32>
      %swap3A_1404 = vector.shape_cast %add3A_1384 : vector<16xf32> to vector<1x1x16xf32>
      tpu.vector_store %arg14[%swap3A_1399, %swap3A_1400, %swap3A_1401], %swap3A_1404 {strides = array<i32>} : memref<64x8x32xf32, #tpu.memory_space<vmem>>, vector<1x1x16xf32>,
      scf.yield %add3A_1388, %add3A_1392 : vector<16xf32>, vector<16xf32>
    }
    %scan3A_106 = arith.constant 32 : i32
    %scan3A_107 = arith.constant 0 : i32
    %scan3A_108 = arith.constant 0 : i32
    %scan3A_109 = arith.constant 64 : i32
    %scan3A_110 = arith.addi %scan3A_108, %scan3A_109 : i32
    %scan3A_111 = arith.constant 1 : i32
    scf.for %scan3A_139 = %scan3A_108 to %scan3A_110 step %scan3A_111  : i32 {
      %mul3A_140 = arith.constant 8 : i32
      %mul3A_141 = arith.muli %mul3A_140, %scan3A_139 : i32
      %dma_start3A_142 = arith.constant 0 : i32
      %dma_start3A_143 = arith.constant 0 : i32
      %dma_start3A_144 = tpu.memref_slice %arg14[%scan3A_139, %dma_start3A_142, %dma_start3A_143] : memref<64x8x32xf32, #tpu.memory_space<vmem>> -> memref<1x8x32xf32, #tpu.memory_space<vmem>>
      %dma_start3A_145 = tpu.memref_squeeze %dma_start3A_144 : memref<1x8x32xf32, #tpu.memory_space<vmem>> -> memref<8x32xf32, #tpu.memory_space<vmem>>
      %dma_start3A_146 = tpu.memref_slice %arg9[%mul3A_141, %mul3A_2] : memref<513x1024xf32, #tpu.memory_space<hbm>> -> memref<8x32xf32, #tpu.memory_space<hbm>>
      %dma_start3A_147 = tpu.memref_slice %arg9[%mul3A_141, %mul3A_2] : memref<513x1024xf32, #tpu.memory_space<hbm>> -> memref<8x32xf32, #tpu.memory_space<hbm>>
      %dma_start3A_148 = arith.constant 0 : i32
      %dma_start3A_149 = arith.constant 0 : i32
      %dma_start3A_150 = tpu.memref_slice %arg14[%scan3A_139, %dma_start3A_148, %dma_start3A_149] : memref<64x8x32xf32, #tpu.memory_space<vmem>> -> memref<1x8x32xf32, #tpu.memory_space<vmem>>
      %dma_start3A_151 = tpu.memref_squeeze %dma_start3A_150 : memref<1x8x32xf32, #tpu.memory_space<vmem>> -> memref<8x32xf32, #tpu.memory_space<vmem>>
      tpu.enqueue_dma source(%dma_start3A_151 : memref<8x32xf32, #tpu.memory_space<vmem>>) target(%dma_start3A_147 : memref<8x32xf32, #tpu.memory_space<hbm>>) target_semaphore(%arg18 : memref<!tpu.dma_semaphore, #tpu.memory_space<semaphore_mem>>)
    }
    %scan3A_112 = arith.constant 64 : i32
    %dma_start3A_113 = arith.constant 512 : i32
    %dma_start3A_114 = arith.constant 0 : i32
    %dma_start3A_115 = tpu.memref_slice %arg16[%dma_start3A_113, %dma_start3A_114] : memref<513x32xf32, #tpu.memory_space<vmem>> -> memref<1x32xf32, #tpu.memory_space<vmem>>
    %dma_start3A_116 = arith.constant 512 : i32
    %dma_start3A_117 = tpu.memref_slice %arg9[%dma_start3A_116, %mul3A_2] : memref<513x1024xf32, #tpu.memory_space<hbm>> -> memref<1x32xf32, #tpu.memory_space<hbm>>
    %dma_start3A_118 = arith.constant 512 : i32
    %dma_start3A_119 = tpu.memref_slice %arg9[%dma_start3A_118, %mul3A_2] : memref<513x1024xf32, #tpu.memory_space<hbm>> -> memref<1x32xf32, #tpu.memory_space<hbm>>
    %dma_start3A_120 = arith.constant 512 : i32
    %dma_start3A_121 = arith.constant 0 : i32
    %dma_start3A_122 = tpu.memref_slice %arg16[%dma_start3A_120, %dma_start3A_121] : memref<513x32xf32, #tpu.memory_space<vmem>> -> memref<1x32xf32, #tpu.memory_space<vmem>>
    tpu.enqueue_dma source(%dma_start3A_122 : memref<1x32xf32, #tpu.memory_space<vmem>>) target(%dma_start3A_119 : memref<1x32xf32, #tpu.memory_space<hbm>>) target_semaphore(%arg18 : memref<!tpu.dma_semaphore, #tpu.memory_space<semaphore_mem>>)
    %scan3A_123 = arith.constant 0 : i32
    %scan3A_124 = arith.constant 0 : i32
    %scan3A_125 = arith.constant 64 : i32
    %scan3A_126 = arith.addi %scan3A_124, %scan3A_125 : i32
    %scan3A_127 = arith.constant 1 : i32
    scf.for %scan3A_139 = %scan3A_124 to %scan3A_126 step %scan3A_127  : i32 {
      %mul3A_140 = arith.constant 8 : i32
      %mul3A_141 = arith.muli %mul3A_140, %scan3A_139 : i32
      %dma_wait3A_142 = arith.constant 0 : i32
      %dma_wait3A_143 = arith.constant 0 : i32
      %dma_wait3A_144 = tpu.memref_slice %arg14[%scan3A_139, %dma_wait3A_142, %dma_wait3A_143] : memref<64x8x32xf32, #tpu.memory_space<vmem>> -> memref<1x8x32xf32, #tpu.memory_space<vmem>>
      %dma_wait3A_145 = tpu.memref_squeeze %dma_wait3A_144 : memref<1x8x32xf32, #tpu.memory_space<vmem>> -> memref<8x32xf32, #tpu.memory_space<vmem>>
      %dma_wait3A_146 = tpu.memref_slice %arg9[%mul3A_141, %mul3A_2] : memref<513x1024xf32, #tpu.memory_space<hbm>> -> memref<8x32xf32, #tpu.memory_space<hbm>>
      %dma_wait3A_147 = tpu.memref_slice %arg9[%mul3A_141, %mul3A_2] : memref<513x1024xf32, #tpu.memory_space<hbm>> -> memref<8x32xf32, #tpu.memory_space<hbm>>
      %dma_wait3A_148 = arith.constant 0 : i32
      %dma_wait3A_149 = arith.constant 0 : i32
      %dma_wait3A_150 = tpu.memref_slice %arg14[%scan3A_139, %dma_wait3A_148, %dma_wait3A_149] : memref<64x8x32xf32, #tpu.memory_space<vmem>> -> memref<1x8x32xf32, #tpu.memory_space<vmem>>
      %dma_wait3A_151 = tpu.memref_squeeze %dma_wait3A_150 : memref<1x8x32xf32, #tpu.memory_space<vmem>> -> memref<8x32xf32, #tpu.memory_space<vmem>>
      tpu.wait_dma2 semaphore(%arg18 : memref<!tpu.dma_semaphore, #tpu.memory_space<semaphore_mem>>) src(%dma_wait3A_151 : memref<8x32xf32, #tpu.memory_space<vmem>>) dst(%dma_wait3A_147 : memref<8x32xf32, #tpu.memory_space<hbm>>)
    }
    %scan3A_128 = arith.constant 64 : i32
    %dma_wait3A_129 = arith.constant 512 : i32
    %dma_wait3A_130 = arith.constant 0 : i32
    %dma_wait3A_131 = tpu.memref_slice %arg16[%dma_wait3A_129, %dma_wait3A_130] : memref<513x32xf32, #tpu.memory_space<vmem>> -> memref<1x32xf32, #tpu.memory_space<vmem>>
    %dma_wait3A_132 = arith.constant 512 : i32
    %dma_wait3A_133 = tpu.memref_slice %arg9[%dma_wait3A_132, %mul3A_2] : memref<513x1024xf32, #tpu.memory_space<hbm>> -> memref<1x32xf32, #tpu.memory_space<hbm>>
    %dma_wait3A_134 = arith.constant 512 : i32
    %dma_wait3A_135 = tpu.memref_slice %arg9[%dma_wait3A_134, %mul3A_2] : memref<513x1024xf32, #tpu.memory_space<hbm>> -> memref<1x32xf32, #tpu.memory_space<hbm>>
    %dma_wait3A_136 = arith.constant 512 : i32
    %dma_wait3A_137 = arith.constant 0 : i32
    %dma_wait3A_138 = tpu.memref_slice %arg16[%dma_wait3A_136, %dma_wait3A_137] : memref<513x32xf32, #tpu.memory_space<vmem>> -> memref<1x32xf32, #tpu.memory_space<vmem>>
    tpu.wait_dma2 semaphore(%arg18 : memref<!tpu.dma_semaphore, #tpu.memory_space<semaphore_mem>>) src(%dma_wait3A_138 : memref<1x32xf32, #tpu.memory_space<vmem>>) dst(%dma_wait3A_135 : memref<1x32xf32, #tpu.memory_space<hbm>>)
    return
  }
}

</mosaic_0001>

<sc_bundles>
// kernel: kernel.3.cloned.1.call-start
scs
__scs_entry_jumppad:
0x0: {  	(pc) =	sbr.rel $0x88, $3  }
0x1: {  	(tag) =	ssettag $0x0;
	lr =	simm.s32 $0x1  }
0x2: {  	[smem:$0x3F9A] =	sst lr;
	_ =	strace $0xD0000000  }
0x3: {  	_ = 	snop  }
0x4: {  	_ = 	snop  }
0x5: {  	_ = 	snop  }
0x6: {  	_ = 	snop  }
0x7: {  	_ = 	snop  }
__scs_overlays_trampoline_lowered:
0x8: {  	[smem:$0x3FA9] =	sst s0  }
0x9: {  	[smem:$0x3FAA] =	sst s1  }
0xa: {  	[smem:$0x3FAB] =	sst s2  }
0xb: {  	[smem:$0x3FAC] =	sst s3  }
0xc: {  	[smem:$0x3FAD] =	sst s4  }
0xd: {  	[smem:$0x3FAE] =	sst s5  }
0xe: {  	[smem:$0x3FAF] =	sst s6  }
0xf: {  	[smem:$0x3FB0] =	sst s7  }
0x10: {  	[smem:$0x3FB1] =	sst s8  }
0x11: {  	[smem:$0x3FB2] =	sst s9;
	s0 =	simm.s32 @!p0 $0x0  }
0x12: {  	s1 =	sld [smem:$0x3F98];
	s0 =	simm.s32 @p0 $0x1  }
0x13: {  	[smem:$0x3FB3] =	sst s0;
	s0 =	simm.s32 @!p1 $0x0  }
0x14: {  	s2 =	sld [smem:$0x3F97];
	s0 =	simm.s32 @p1 $0x1  }
0x15: {  	[smem:$0x3FB4] =	sst s0;
	s0 =	simm.s32 @!p2 $0x0  }
0x16: {  	s3 =	sld [smem:$0x3FDB];
	s0 =	simm.s32 @p2 $0x1  }
0x17: {  	s4 =	simm.s32 $0x1BF5;
	[smem:$0x3FB6] =	sst s0  }
0x18: {  	s0 =	sld [smem:$0x3F99];
	_ =	swait.ge [sflag:s4], $0x0  }
0x19: {  	s7 =	sld [smem:$0x3F9A]  }
0x1a: {  	s8 =	sadd.s32 $0xFFFFE003, lr  }
0x1b: {  	s9 =	sadd.s32 $0xFFFFFEF7, lr;
	s5 =	simm.s32 $0xFFFFFFFF;
	p2 =	slt.u32 s8, $0xFFFFF086  }
0x1c: {  	p1 =	slt.u32 s9, $0xF7A;
	s5 =	simm.s32 @!p2 $0x0  }
0x1d: {  	s5 =	simm.s32 @p1 $0x1;
	p0 =	seq.s32 s7, s2  }
0x1e: {  	s7 =	smul.u32 @!p0 $0xF7A, s2;
	p2 =	seq.s32 @!p0 s5, $0x0  }
0x1f: {  	s9 =	smul.u32 $0xF7A, s1;
	s8 =	simm.s32 @!p0 $0x1BF5;
	p2 =	por !p2, p0  }
0x20: {  	[sflag:s8] =	ssyncset.s32 @!p0 $0xFFFFF086;
	s6 =	sadd.s32 @!p0 s3, s7;
	s7 =	simm.s32 @!p0 $0x108  }
0x21: {  	s3 =	sadd.s32 s3, s9;
	s6 =	sadd.s32 @!p0 $0x88, s6;
	s7 =	simm.s32 @p2 $0x1082  }
0x22: {  	[simem:s7], [sflag:s8] =	dma.local @!p0 [hbm:s6], $0xF7A  }
0x23: {  	s9 =	sor.u32 $0xD0000000, s2;
	s6 =	simm.s32 $0x108;
	_ =	swait.ge @!p0 [sflag:s8], $0x0  }
0x24: {  	s3 =	sadd.s32 $0x88, s3;
	s6 =	simm.s32 @!p1 $0x1082;
	[sflag:s4] =	ssyncset.s32 $0xFFFFF086  }
0x25: {  	[simem:s6], [sflag:s4] =	dma.local [hbm:s3], $0xF7A  }
0x26: {  	[smem:$0x3F9A] =	sst s1;
	(tag) =	ssettag s2;
	_ =	strace s9  }
0x27: {  	s1 =	sld [smem:$0x3FAA]  }
0x28: {  	s2 =	sld [smem:$0x3FAB]  }
0x29: {  	s4 =	sld [smem:$0x3FAD]  }
0x2a: {  	p0 =	seq.s32 s5, $0x0;
	s5 =	sld [smem:$0x3FAE]  }
0x2b: {  	s6 =	sld [smem:$0x3FAF]  }
0x2c: {  	s7 =	sld [smem:$0x3FB0]  }
0x2d: {  	s3 =	simm.s32 $0x108;
	s8 =	sld [smem:$0x3FB1]  }
0x2e: {  	s3 =	simm.s32 @!p0 $0x1082;
	s9 =	sld [smem:$0x3FB2]  }
0x2f: {  	lr =	sadd.s32 s0, s3;
	s0 =	sld [smem:$0x3FA9]  }
0x30: {  	s3 =	sld [smem:$0x3FAC]  }
0x31: {  	[smem:$0x3FB5] =	sst s10  }
0x32: {  	s10 =	sld [smem:$0x3FB3];
	_ =	sdelay $0x3  }
0x33: {  	p0 =	seq.s32 s10, $0x1;
	s10 =	sld [smem:$0x3FB5];
	_ =	sdelay $0x3  }
0x34: {  	[smem:$0x3FB5] =	sst s10  }
0x35: {  	s10 =	sld [smem:$0x3FB4];
	_ =	sdelay $0x3  }
0x36: {  	p1 =	seq.s32 s10, $0x1;
	s10 =	sld [smem:$0x3FB5];
	_ =	sdelay $0x3  }
0x37: {  	[smem:$0x3FB5] =	sst s10  }
0x38: {  	s10 =	sld [smem:$0x3FB6]  }
0x39: {  	_ = 	snop;
	(pc) =	sbr.ind lr, $3  }
0x3a: {  	_ = 	snop  }
0x3b: {  	_ = 	snop  }
0x3c: {  	p2 =	seq.s32 s10, $0x1;
	s10 =	sld [smem:$0x3FB5]  }
0x3d: {  	_ =	shalt  }
0x3e: {  	_ =	shalt  }
0x3f: {  	_ =	shalt  }
0x40: {  	_ =	shalt  }
0x41: {  	_ =	shalt  }
0x42: {  	_ =	shalt  }
0x43: {  	_ =	shalt  }
0x44: {  	_ =	shalt  }
0x45: {  	_ =	shalt  }
0x46: {  	_ =	shalt  }
0x47: {  	_ =	shalt  }
0x48: {  	_ =	shalt  }
0x49: {  	_ =	shalt  }
0x4a: {  	_ =	shalt  }
0x4b: {  	_ =	shalt  }
0x4c: {  	_ =	shalt  }
0x4d: {  	_ =	shalt  }
0x4e: {  	_ =	shalt  }
0x4f: {  	_ =	shalt  }
0x50: {  	_ =	shalt  }
0x51: {  	_ =	shalt  }
0x52: {  	_ =	shalt  }
0x53: {  	_ =	shalt  }
0x54: {  	_ =	shalt  }
0x55: {  	_ =	shalt  }
0x56: {  	_ =	shalt  }
0x57: {  	_ =	shalt  }
0x58: {  	_ =	shalt  }
0x59: {  	_ =	shalt  }
0x5a: {  	_ =	shalt  }
0x5b: {  	_ =	shalt  }
0x5c: {  	_ =	shalt  }
0x5d: {  	_ =	shalt  }
0x5e: {  	_ =	shalt  }
0x5f: {  	_ =	shalt  }
0x60: {  	_ =	shalt  }
0x61: {  	_ =	shalt  }
0x62: {  	_ =	shalt  }
0x63: {  	_ =	shalt  }
0x64: {  	_ =	shalt  }
0x65: {  	_ =	shalt  }
0x66: {  	_ =	shalt  }
0x67: {  	_ =	shalt  }
0x68: {  	_ =	shalt  }
0x69: {  	_ =	shalt  }
0x6a: {  	_ =	shalt  }
0x6b: {  	_ =	shalt  }
0x6c: {  	_ =	shalt  }
0x6d: {  	_ =	shalt  }
0x6e: {  	_ =	shalt  }
0x6f: {  	_ =	shalt  }
0x70: {  	_ =	shalt  }
0x71: {  	_ =	shalt  }
0x72: {  	_ =	shalt  }
0x73: {  	_ =	shalt  }
0x74: {  	_ =	shalt  }
0x75: {  	_ =	shalt  }
0x76: {  	_ =	shalt  }
0x77: {  	_ =	shalt  }
0x78: {  	_ =	shalt  }
0x79: {  	_ =	shalt  }
0x7a: {  	_ =	shalt  }
0x7b: {  	_ =	shalt  }
0x7c: {  	_ =	shalt  }
0x7d: {  	_ =	shalt  }
0x7e: {  	_ =	shalt  }
0x7f: {  	_ =	shalt  }
0x80: {  	_ =	shalt  }
0x81: {  	_ =	shalt  }
0x82: {  	_ =	shalt  }
0x83: {  	_ =	shalt  }
0x84: {  	_ =	shalt  }
0x85: {  	_ =	shalt  }
0x86: {  	_ =	shalt  }
0x87: {  	_ =	shalt  }
.Lfunc_end0:
.L_simem_size_0:
called_computation_lowered:
.L_overlay_start_0:
0x88: {  	s2 =	sld [smem:$0x3FD9]  }
0x89: {  	s3 =	sld [smem:$0x3FFE];
	_ =	sdelay $0x1  }
0x8a: {  	s1 =	srdreg.scid  }
0x8b: {  	s0 =	sand.u32 $0x1, s1  }
0x8c: {  	s17 =	sshll.u32 s0, $0xA;
	s2 =	sadd.s32 s3, s2  }
0x8d: {  	s2 =	sadd.s32 s2, s17  }
0x8e: {  	[smem:$0x3FC1] =	sst s2  }
0x8f: {  	_ = 	snop  }
0x90: {  	s2 =	sld [smem:$0x3FC9]  }
0x91: {  	s18 =	sld [smem:$0x3FC8]  }
0x92: {  	s4 =	sld [smem:$0x3FC7]  }
0x93: {  	s5 =	sld [smem:$0x3FC6]  }
0x94: {  	s6 =	sld [smem:$0x3FC5]  }
0x95: {  	s7 =	sld [smem:$0x3FC4]  }
0x96: {  	s8 =	sld [smem:$0x3FD0];
	(tm) =	ssettm $0x1  }
0x97: {  	s9 =	sld [smem:$0x3FFB];
	_ =	sdelay $0x3  }
0x98: {  	_ =	strace s9  }
0x99: {  	s9 =	sld [smem:$0x3FFC];
	_ =	sdelay $0x3  }
0x9a: {  	_ =	strace s9  }
0x9b: {  	s9 =	sld [smem:$0x3FFD];
	_ =	sdelay $0x3  }
0x9c: {  	_ =	strace s9  }
0x9d: {  	_ =	strace $0x8FFFFFFF  }
0x9e: {  	s19 =	sld [smem:$0x3FDB];
	_ =	sdelay $0x1  }
0x9f: {  	s10 =	simm.s32 $_scs_section_size  }
0xa0: {  	s11 =	simm.s32 $_size__tile_overlayer_lowered;
	s12 =	simm.s32 $_tile_overlayer_lowered  }
0xa1: {  	s22 =	simm.s32 $0x1BFF;
	s21 =	sshll.u32 s12, $0x1;
	s9 =	sadd.s32 s10, s19  }
0xa2: {  	s13 =	simm.s32 $0x0;
	s20 =	sshll.u32 s11, $0x1;
	s11 =	sadd.s32 s21, s9  }
0xa3: {  	[timem:s13], [sflag:s22] =	dma.local [hbm:s11], s20  }
0xa4: {  	_ =	swait.ge [sflag:s22], s20  }
0xa5: {  	s10 =	ssub.s32 $0x0, s20;
	[sflag:s22] =	ssyncset.done $0x0  }
0xa6: {  	[sflag:s22] =	ssyncadd.s32 s10;
	_ =	sdelay $0x1  }
0xa7: {  	s23 =	simm.s32 $0x1B8B  }
0xa8: {  	_ =	swait.ge [sflag:s23], $0x1  }
0xa9: {  	[sflag:s23] =	ssyncset.done $0x0  }
0xaa: {  	s25 =	simm.s32 $0x1B8E;
	s24 =	sld [smem:$0x3FFE];
	[sflag:s23] =	ssyncadd.s32 $0xFFFFFFFF  }
0xab: {  	s26 =	simm.s32 $execute0_lowered;
	[smem:$0x3FD2] =	sst s25  }
0xac: {  	s11 =	sshll.u32 s26, $0x1;
	_ =	strace $0x80000046;
	[dreg:$0x1] =	wrdreg $0xFFFFFFFF  }
0xad: {  	s28 =	simm.s32 $_size_execute0_lowered;
	s9 =	sadd.s32 s9, s11;
	[dreg:$0x0] =	wrdreg $0x0  }
0xae: {  	s11 =	sshll.u32 s28, $0x1;
	[dreg:$0x2] =	wrdreg s9  }
0xaf: {  	[dreg:$0x3] =	wrdreg s11  }
0xb0: {  	[dreg:$0x4] =	wrdreg $0xC0  }
0xb1: {  	_ =	task [dreg:s13], $0x5FFFF  }
0xb2: {  	[dreg:$0x1] =	wrdreg $0xFFFFFFFF  }
0xb3: {  	[dreg:$0x0] =	wrdreg $0x60  }
0xb4: {  	[dreg:$0x2] =	wrdreg s2  }
0xb5: {  	[dreg:$0x3] =	wrdreg s7  }
0xb6: {  	[dreg:$0x4] =	wrdreg s5  }
0xb7: {  	[dreg:$0x5] =	wrdreg s4  }
0xb8: {  	[dreg:$0x6] =	wrdreg s6  }
0xb9: {  	[dreg:$0x7] =	wrdreg s18  }
0xba: {  	[dreg:$0x8] =	wrdreg s24  }
0xbb: {  	[dreg:$0x9] =	wrdreg s8  }
0xbc: {  	[dreg:$0xa] =	wrdreg $0x9  }
0xbd: {  	_ =	task.clear_ibuf [dreg:s13], $0xBFFFF;
	_ =	strace $0x90000046  }
0xbe: {  	s29 =	simm.s32 $0x9;
	_ =	strace $0x80000048  }
0xbf: {  	_ =	swait.ge [sflag:s29], $0x1  }
0xc0: {  	[sflag:s29] =	ssyncadd.s32 $0xFFFFFFFF  }
0xc1: {  	_ =	strace $0x90000048  }
0xc2: {  	_ =	sfence  }
0xc3: {  	s30 =	sld [smem:$0x0];
	_ =	sdelay $0x2  }
0xc4: {  	s31 =	sshll.u32 s1, $0xD;
	s1 =	sshrl.u32 s1, $0x2  }
0xc5: {  	s3 =	sand.u32 $0x4000, s31;
	s1 =	sadd.s32 s1, s30  }
0xc6: {  	s0 =	sor.u32 s3, s0;
	s1 =	sshll.u32 s1, $0x11  }
0xc7: {  	s0 =	sor.u32 s1, s0  }
0xc8: {  	s0 =	sadd.s32 $0x8F2B, s0  }
0xc9: {  	[sflag:s0] =	ssyncadd.remote.s32 $0x1  }
0xca: {  	_ =	sfence.sel $0xFFFF  }
0xcb: {  	[dreg:$0x0] =	wrdreg $0xFFFFFFFF;
	(pc) =	sbr.abs _section_cstart, $3  }
0xcc: {  	[dreg:$0x1] =	wrdreg $0xFFFFFFFF  }
0xcd: {  	_ =	task.clear_ibuf [dreg:s13], $0x2FFFF;
	_ =	strace $0x9FFFFFFF  }
0xce: {  	(tm) =	ssettm $0x7FFFFFFF  }
0xcf: {  	_ =	shalt  }
tec
execute0_lowered:
.L_overlay_start_1:
0x0: {  	(tag) =	ssettag $0x1  }
0x1: {  	s0 =	rddreg [dreg:$0x0]  }
0x2: {  	s1 =	rddreg [dreg:$0x1]  }
0x3: {  	s3 =	rddreg [dreg:$0x2]  }
0x4: {  	s2 =	rddreg [dreg:$0x3]  }
0x5: {  	s8 =	rddreg [dreg:$0x4]  }
0x6: {  	s9 =	rddreg [dreg:$0x5]  }
0x7: {  	s6 =	rddreg [dreg:$0x6]  }
0x8: {  	s13 =	rddreg [dreg:$0x7];
	s5 =	simm.s32 $0x0  }
0x9: {  	s7 =	srdreg.scid;
	s4 =	stileid.u32;
	s19 =	simm.s32 $0x200  }
0xa: {  	s20 =	simm.s32 $0x2;
	s21 =	simm.s32 $0x3;
	s22 =	simm.s32 $0x4  }
0xb: {  	s23 =	simm.s32 $0x1C000;
	s24 =	simm.s32 $0x1;
	s25 =	simm.s32 $0x0  }
0xc: {  	[smem:$0x7FF] =	sst s5;
	s7 =	sand.u32 $0x1, s7;
	s10 =	sshll.u32 s4, $0x1  }
0xd: {  	s6 =	sadd.s32 $0x400, s6;
	s12 =	sshll.u32 s4, $0x9;
	s16 =	sshll.u32 s4, $0x6  }
0xe: {  	_ =	strace $0x80000047;
	s10 =	sor.u32 s7, s10;
	s11 =	ssub.s32 $0x2, s7  }
0xf: {  	s7 =	sshll.u32 s7, $0x5;
	s14 =	sshll.u32 s10, $0x5;
	s17 =	sshrl.u32 s11, $0x1  }
0x10: {  	s16 =	sor.u32 s7, s16;
	s28 =	sshll.u32 s10, $0x2;
	s15 =	sor.u32 s12, s14  }
0x11: {  	v1 =	vlaneseq.u32;
	s11 =	ssub.s32 s11, s17;
	s12 =	sor.u32 s16, s12;
	s9 =	sadd.s32 s9, s28  }
0x12: {  	s29 =	sor.u32 $0x10, s14;
	s31 =	sshrl.u32 s16, $0x3;
	v0 =	vmov s14;
	v2 =	vor.u32 s14, v1;
	s14 =	simm.s32 $0x20  }
0x13: {  	s16 =	simm.s32 $0x400;
	s26 =	sand.u32 $0x1C60, s15;
	s30 =	sand.u32 $0x1C60, s12;
	v0 =	vshll.u32 v0, $0x3;
	v3 =	vmov s29  }
0x14: {  	s11 =	smax.u32 s11, $0x1;
	v1 =	vor.u32 s29, v1;
	v2 =	vand.u32 $0x6F, v2;
	s15 =	sshrl.u32 s26, $0x3;
	s12 =	sor.u32 $0x70000, s30;
	v3 =	vshll.u32 v3, $0x3  }
0x15: {  	v0 =	vand.u32 $0x7FFFFC00, v0;
	v1 =	vand.u32 $0x7F, v1;
	s7 =	sadd.s32 s2, s15;
	s8 =	sadd.s32 s8, s15;
	s2 =	sadd.s32 s28, s13;
	v3 =	vand.u32 $0x7FFFFC00, v3  }
0x16: {  	s13 =	sadd.s32 s31, s13;
	s15 =	simm.s32 $0x80;
	v0 =	vor.u32 v2, v0;
	s10 =	sadd.s32 $0x10000, s2;
	v1 =	vor.u32 v1, v3  }
.LBB2_1:
0x17: {  	s2 =	sshrl.u32 s12, $0x3  }
0x18: {  	s26 =	simm.s32 $0x3800;
	s4 =	simm.s32 $0x3900;
	s30 =	sadd.s32 s3, s2  }
0x19: {  	[tilespmem:s26], [sflag:$0x1] =	stream.strided.gather [hbm4b:s30+s14], $0x100, s15, s14, $0x38;
	[tilespmem:$0x1C030] =	vst v63  }
0x1a: {  	s18 =	simm.s32 $0x3A00;
	s28 =	sadd.s32 $0xFFFF0000, s12;
	s2 =	sadd.s32 $0x400, s30  }
0x1b: {  	[tilespmem:s4], [sflag:$0x1] =	stream.strided.gather [hbm4b:s2+s14], $0x100, s15, s14, $0x38;
	[tilespmem:$0x1C030] =	vst v63  }
0x1c: {  	s29 =	simm.s32 $0xFFFFC000;
	s31 =	simm.s32 $0x3F00;
	s17 =	sadd.s32 $0x800, s30  }
0x1d: {  	[tilespmem:s18], [sflag:$0x1] =	stream.strided.gather [hbm4b:s17+s14], $0x100, s15, s14, $0x38;
	[tilespmem:$0x1C030] =	vst v63  }
0x1e: {  	s26 =	sadd.s32 $0xC00, s30;
	s4 =	simm.s32 $0x3B00;
	s2 =	simm.s32 $0xFFFFF800  }
0x1f: {  	[tilespmem:s4], [sflag:$0x1] =	stream.strided.gather [hbm4b:s26+s14], $0x100, s15, s14, $0x38;
	[tilespmem:$0x1C030] =	vst v63  }
0x20: {  	s17 =	sadd.s32 $0x1000, s30;
	s18 =	simm.s32 $0x3C00;
	s26 =	sadd.s32 $0x1400, s30  }
0x21: {  	[tilespmem:s18], [sflag:$0x1] =	stream.strided.gather [hbm4b:s17+s14], $0x100, s15, s14, $0x38;
	[tilespmem:$0x1C030] =	vst v63  }
0x22: {  	s4 =	simm.s32 $0x3D00;
	s17 =	sadd.s32 $0x1800, s30;
	s18 =	simm.s32 $0x3E00  }
0x23: {  	[tilespmem:s4], [sflag:$0x1] =	stream.strided.gather [hbm4b:s26+s14], $0x100, s15, s14, $0x38;
	[tilespmem:$0x1C030] =	vst v63  }
0x24: {  	s30 =	sadd.s32 $0x1C00, s30;
	s26 =	sshrl.u32 s28, $0x3;
	s28 =	sadd.s32 $0xFFFF0000, s28  }
0x25: {  	[tilespmem:s18], [sflag:$0x1] =	stream.strided.gather [hbm4b:s17+s14], $0x100, s15, s14, $0x38;
	[tilespmem:$0x1C030] =	vst v63  }
.LBB2_2:
0x26: {  	[tilespmem:s31], [sflag:$0x1] =	stream.strided.gather [hbm4b:s30+s14], $0x100, s15, s14, $0x38;
	[tilespmem:$0x1C030] =	vst v63  }
0x27: {  	s31 =	smov.u32 s2;
	s2 =	smov.u32 s29  }
0x28: {  	s30 =	sadd.s32 s3, s26;
	s26 =	sshrl.u32 s28, $0x3;
	s2 =	sadd.s32 $0x3800, s31  }
0x29: {  	[tilespmem:s2], [sflag:$0x1] =	stream.strided.gather [hbm4b:s30+s14], $0x100, s15, s14, $0x38;
	[tilespmem:$0x1C030] =	vst v63  }
0x2a: {  	s4 =	sadd.s32 $0x400, s30;
	s17 =	sadd.s32 $0x3900, s31;
	s2 =	sshra.s32 s29, $0x2  }
0x2b: {  	[tilespmem:s17], [sflag:$0x1] =	stream.strided.gather [hbm4b:s4+s14], $0x100, s15, s14, $0x38;
	[tilespmem:$0x1C030] =	vst v63  }
0x2c: {  	s18 =	sadd.s32 $0x3A00, s31;
	s4 =	sadd.s32 $0xFFFFE000, s29;
	s17 =	sadd.s32 $0x800, s30  }
0x2d: {  	[tilespmem:s18], [sflag:$0x1] =	stream.strided.gather [hbm4b:s17+s14], $0x100, s15, s14, $0x38;
	[tilespmem:$0x1C030] =	vst v63  }
0x2e: {  	p0 =	sne.s32 s29, $0xFFFF2000;
	s17 =	sadd.s32 $0xC00, s30;
	s18 =	sadd.s32 $0x3B00, s31  }
0x2f: {  	[tilespmem:s18], [sflag:$0x1] =	stream.strided.gather [hbm4b:s17+s14], $0x100, s15, s14, $0x38;
	[tilespmem:$0x1C030] =	vst v63  }
0x30: {  	s17 =	sadd.s32 $0x1000, s30;
	s18 =	sadd.s32 $0x3C00, s31  }
0x31: {  	[tilespmem:s18], [sflag:$0x1] =	stream.strided.gather [hbm4b:s17+s14], $0x100, s15, s14, $0x38;
	[tilespmem:$0x1C030] =	vst v63  }
.Ltmp0:
0x32: {  	s17 =	sadd.s32 $0x1400, s30;
	s18 =	sadd.s32 $0x3D00, s31;
	(pc) =	sbr.rel @p0 .LBB2_2-.Ltmp0, $4  }
0x33: {  	[tilespmem:s18], [sflag:$0x1] =	stream.strided.gather [hbm4b:s17+s14], $0x100, s15, s14, $0x38;
	[tilespmem:$0x1C030] =	vst v63  }
0x34: {  	s28 =	sadd.s32 $0xFFFF0000, s28;
	s17 =	sadd.s32 $0x1800, s30;
	s18 =	sadd.s32 $0x3E00, s31  }
0x35: {  	[tilespmem:s18], [sflag:$0x1] =	stream.strided.gather [hbm4b:s17+s14], $0x100, s15, s14, $0x38;
	[tilespmem:$0x1C030] =	vst v63  }
0x36: {  	s29 =	smov.u32 s4;
	s30 =	sadd.s32 $0x1C00, s30;
	s31 =	sadd.s32 $0x3F00, s31  }
0x37: {  	[tilespmem:s31], [sflag:$0x1] =	stream.strided.gather [hbm4b:s30+s14], $0x100, s15, s14, $0x38;
	[tilespmem:$0x1C030] =	vst v63  }
0x38: {  	s4 =	sadd.s32 $0x3800, s2;
	s17 =	sadd.s32 s3, s26  }
0x39: {  	[tilespmem:s4], [sflag:$0x1] =	stream.strided.gather [hbm4b:s17+s14], $0x100, s15, s14, $0x38;
	[tilespmem:$0x1C030] =	vst v63  }
0x3a: {  	s18 =	sadd.s32 $0x3900, s2;
	s31 =	sadd.s32 $0x400, s17  }
0x3b: {  	[tilespmem:s18], [sflag:$0x1] =	stream.strided.gather [hbm4b:s31+s14], $0x100, s15, s14, $0x38;
	[tilespmem:$0x1C030] =	vst v63  }
0x3c: {  	s29 =	sadd.s32 $0x3A00, s2;
	s26 =	sadd.s32 $0x800, s17  }
0x3d: {  	[tilespmem:s29], [sflag:$0x1] =	stream.strided.gather [hbm4b:s26+s14], $0x100, s15, s14, $0x38;
	[tilespmem:$0x1C030] =	vst v63  }
0x3e: {  	s30 =	sadd.s32 $0xC00, s17;
	s31 =	sadd.s32 $0x3B00, s2  }
0x3f: {  	[tilespmem:s31], [sflag:$0x1] =	stream.strided.gather [hbm4b:s30+s14], $0x100, s15, s14, $0x38;
	[tilespmem:$0x1C030] =	vst v63  }
0x40: {  	s26 =	sadd.s32 $0x1000, s17;
	s29 =	sadd.s32 $0x3C00, s2  }
0x41: {  	[tilespmem:s29], [sflag:$0x1] =	stream.strided.gather [hbm4b:s26+s14], $0x100, s15, s14, $0x38;
	[tilespmem:$0x1C030] =	vst v63  }
0x42: {  	s28 =	simm.s32 $0x10000;
	s30 =	sadd.s32 $0x1400, s17;
	s31 =	sadd.s32 $0x3D00, s2  }
0x43: {  	[tilespmem:s31], [sflag:$0x1] =	stream.strided.gather [hbm4b:s30+s14], $0x100, s15, s14, $0x38;
	[tilespmem:$0x1C030] =	vst v63  }
0x44: {  	s26 =	sadd.s32 $0x1800, s17;
	s29 =	sadd.s32 $0x3E00, s2;
	s30 =	sadd.s32 $0x1C00, s17  }
0x45: {  	[tilespmem:s29], [sflag:$0x1] =	stream.strided.gather [hbm4b:s26+s14], $0x100, s15, s14, $0x38;
	[tilespmem:$0x1C030] =	vst v63  }
0x46: {  	s31 =	sadd.s32 $0x3F00, s2;
	s2 =	simm.s32 $0x400;
	s26 =	sadd.s32 $0x0, s7  }
0x47: {  	[tilespmem:s31], [sflag:$0x1] =	stream.strided.gather [hbm4b:s30+s14], $0x100, s15, s14, $0x38;
	[tilespmem:$0x1C030] =	vst v63  }
.LBB2_4:
0x48: {  	[tilespmem:s28], [sflag:$0x2] =	stream.strided.gather [hbm4b:s26+s14], $0x100, s15, s14, $0x38;
	[tilespmem:$0x1C030] =	vst v63  }
0x49: {  	s4 =	smov.u32 s2;
	p0 =	sne.s32 s2, $0xFC00  }
.Ltmp1:
0x4a: {  	s2 =	sadd.s32 $0x400, s2;
	(pc) =	sbr.rel @p0 .LBB2_4-.Ltmp1, $3  }
0x4b: {  	_ =	sdelay $0x1  }
0x4c: {  	s17 =	sshra.s32 s4, $0x2  }
0x4d: {  	s26 =	sadd.s32 s4, s7;
	s28 =	sadd.s32 $0x10000, s17  }
0x4e: {  	[tilespmem:s28], [sflag:$0x2] =	stream.strided.gather [hbm4b:s26+s14], $0x100, s15, s14, $0x38;
	[tilespmem:$0x1C030] =	vst v63  }
0x4f: {  	s2 =	simm.s32 $0x400;
	s26 =	sadd.s32 $0x0, s8;
	s28 =	simm.s32 $0x14000  }
.LBB2_6:
0x50: {  	[tilespmem:s28], [sflag:$0x2] =	stream.strided.gather [hbm4b:s26+s14], $0x100, s15, s14, $0x38;
	[tilespmem:$0x1C030] =	vst v63  }
0x51: {  	s4 =	smov.u32 s2;
	p0 =	sne.s32 s2, $0xFC00  }
.Ltmp2:
0x52: {  	s2 =	sadd.s32 $0x400, s2;
	(pc) =	sbr.rel @p0 .LBB2_6-.Ltmp2, $3  }
0x53: {  	_ =	sdelay $0x1  }
0x54: {  	s17 =	sshra.s32 s4, $0x2  }
0x55: {  	s26 =	sadd.s32 s4, s8;
	s28 =	sadd.s32 $0x14000, s17  }
0x56: {  	[tilespmem:s28], [sflag:$0x2] =	stream.strided.gather [hbm4b:s26+s14], $0x100, s15, s14, $0x38;
	[tilespmem:$0x1C030] =	vst v63  }
0x57: {  	s2 =	simm.s32 $0x18000;
	s26 =	simm.s32 $0x1C020  }
0x58: {  	[tilespmem:s2], [sflag:$0x2] =	stream.strided.gather [hbm4b:s9+s14], $0x4020, s16, s14, $0x38;
	[tilespmem:$0x1C030] =	vst v63  }
0x59: {  	s28 =	simm.s32 $0xFE00;
	s29 =	simm.s32 $0xBE00;
	s30 =	simm.s32 $0x1F  }
0x5a: {  	[tilespmem:s26], [sflag:$0x2] =	stream.linear.gather [hbm4b:s6+s5], $0x10, $0x38;
	[tilespmem:$0x1C030] =	vst v63  }
0x5b: {  	s31 =	simm.s32 $0x3FF0;
	s2 =	simm.s32 $0x7E00;
	s26 =	simm.s32 $0x1F00000  }
.LBB2_8:
0x5c: {  	s4 =	sand.u32 $0x3, s30  }
0x5d: {  	p0 =	sne.s32 s4, $0x3  }
0x5e: {  	s4 =	simm.s32 @!p0 $0x1  }
0x5f: {  	_ =	swait.ge @!p0 [sflag:s4], $0x800  }
0x60: {  	[sflag:s4] =	ssyncset.done @!p0 $0x0  }
0x61: {  	[sflag:s4] =	ssyncadd.s32 @!p0 $0xFFFFF800  }
0x62: {  	v2 =	vld [tilespmem:s31+$0xFFFFFE10]  }
0x63: {  	v3 =	vld [tilespmem:s31+$0xFFFFFE20];
	_ =	sdelay $0x2  }
0x64: {  	v5 =	vadd.s32 s26, v0  }
0x65: {  	v6 =	vadd.s32 s26, v1;
	v4 =	vshll.u32 v2, $0xA;
	v2 =	vshll.u32 v2, $0x7  }
0x66: {  	v43 =	vshll.u32 v3, $0xA;
	v3 =	vshll.u32 v3, $0x7;
	v4 =	vand.u32 $0xFFFFE000, v4  }
0x67: {  	v2 =	vand.u32 $0x380, v2;
	v4 =	vadd.s32 v4, v5;
	v5 =	vand.u32 $0xFFFFE000, v43  }
0x68: {  	v3 =	vand.u32 $0x380, v3;
	v2 =	vor.u32 v2, v4;
	v44 =	vadd.s32 v5, v6  }
0x69: {  	v3 =	vor.u32 v3, v44;
	[tilespmem:s2+$0x0] =	vst v2  }
0x6a: {  	[tilespmem:s2+$0x10] =	vst v3  }
0x6b: {  	v2 =	vld [tilespmem:s31+$0xFFFFFE30]  }
0x6c: {  	v3 =	vld [tilespmem:s31+$0xFFFFFE40];
	_ =	sdelay $0x1  }
0x6d: {  	s18 =	sadd.s32 $0x10000, s26  }
0x6e: {  	v46 =	vadd.s32 s18, v0  }
0x6f: {  	v48 =	vadd.s32 s18, v1;
	v45 =	vshll.u32 v2, $0xA;
	v2 =	vshll.u32 v2, $0x7  }
0x70: {  	v47 =	vshll.u32 v3, $0xA;
	v3 =	vshll.u32 v3, $0x7;
	v4 =	vand.u32 $0xFFFFE000, v45  }
0x71: {  	v2 =	vand.u32 $0x380, v2;
	v5 =	vand.u32 $0xFFFFE000, v47;
	v4 =	vadd.s32 v4, v46  }
0x72: {  	v3 =	vand.u32 $0x380, v3;
	v49 =	vadd.s32 v5, v48;
	v2 =	vor.u32 v2, v4  }
0x73: {  	v3 =	vor.u32 v3, v49;
	[tilespmem:s2+$0x20] =	vst v2  }
0x74: {  	[tilespmem:s2+$0x30] =	vst v3  }
0x75: {  	v2 =	vld [tilespmem:s31+$0xFFFFFE50]  }
0x76: {  	v3 =	vld [tilespmem:s31+$0xFFFFFE60];
	_ =	sdelay $0x1  }
0x77: {  	s17 =	sadd.s32 $0x20000, s26  }
0x78: {  	v51 =	vadd.s32 s17, v0  }
0x79: {  	v53 =	vadd.s32 s17, v1;
	v50 =	vshll.u32 v2, $0xA;
	v2 =	vshll.u32 v2, $0x7  }
0x7a: {  	v52 =	vshll.u32 v3, $0xA;
	v3 =	vshll.u32 v3, $0x7;
	v4 =	vand.u32 $0xFFFFE000, v50  }
0x7b: {  	v2 =	vand.u32 $0x380, v2;
	v5 =	vand.u32 $0xFFFFE000, v52;
	v4 =	vadd.s32 v4, v51  }
0x7c: {  	v3 =	vand.u32 $0x380, v3;
	v54 =	vadd.s32 v5, v53;
	v2 =	vor.u32 v2, v4  }
0x7d: {  	v3 =	vor.u32 v3, v54;
	[tilespmem:s2+$0x40] =	vst v2  }
0x7e: {  	[tilespmem:s2+$0x50] =	vst v3  }
0x7f: {  	v2 =	vld [tilespmem:s31+$0xFFFFFE70]  }
0x80: {  	v3 =	vld [tilespmem:s31+$0xFFFFFE80];
	_ =	sdelay $0x1  }
0x81: {  	s18 =	sadd.s32 $0x30000, s26  }
0x82: {  	v56 =	vadd.s32 s18, v0  }
0x83: {  	v58 =	vadd.s32 s18, v1;
	v55 =	vshll.u32 v2, $0xA;
	v2 =	vshll.u32 v2, $0x7  }
0x84: {  	v57 =	vshll.u32 v3, $0xA;
	v3 =	vshll.u32 v3, $0x7;
	v4 =	vand.u32 $0xFFFFE000, v55  }
0x85: {  	v2 =	vand.u32 $0x380, v2;
	v5 =	vand.u32 $0xFFFFE000, v57;
	v4 =	vadd.s32 v4, v56  }
0x86: {  	v3 =	vand.u32 $0x380, v3;
	v59 =	vadd.s32 v5, v58;
	v2 =	vor.u32 v2, v4  }
0x87: {  	v3 =	vor.u32 v3, v59;
	[tilespmem:s2+$0x60] =	vst v2  }
0x88: {  	[tilespmem:s2+$0x70] =	vst v3  }
0x89: {  	v2 =	vld [tilespmem:s31+$0xFFFFFE90]  }
0x8a: {  	v3 =	vld [tilespmem:s31+$0xFFFFFEA0];
	_ =	sdelay $0x1  }
0x8b: {  	s17 =	sadd.s32 $0x40000, s26  }
0x8c: {  	v61 =	vadd.s32 s17, v0  }
0x8d: {  	v63 =	vadd.s32 s17, v1;
	v60 =	vshll.u32 v2, $0xA;
	v2 =	vshll.u32 v2, $0x7  }
0x8e: {  	v62 =	vshll.u32 v3, $0xA;
	v3 =	vshll.u32 v3, $0x7;
	v4 =	vand.u32 $0xFFFFE000, v60  }
0x8f: {  	v2 =	vand.u32 $0x380, v2;
	v5 =	vand.u32 $0xFFFFE000, v62;
	v4 =	vadd.s32 v4, v61  }
0x90: {  	v3 =	vand.u32 $0x380, v3;
	v8 =	vadd.s32 v5, v63;
	v2 =	vor.u32 v2, v4  }
0x91: {  	v3 =	vor.u32 v3, v8;
	[tilespmem:s2+$0x80] =	vst v2  }
0x92: {  	[tilespmem:s2+$0x90] =	vst v3  }
0x93: {  	v2 =	vld [tilespmem:s31+$0xFFFFFEB0]  }
0x94: {  	v3 =	vld [tilespmem:s31+$0xFFFFFEC0];
	_ =	sdelay $0x1  }
0x95: {  	s18 =	sadd.s32 $0x50000, s26  }
0x96: {  	v10 =	vadd.s32 s18, v0  }
0x97: {  	v12 =	vadd.s32 s18, v1;
	v9 =	vshll.u32 v2, $0xA;
	v2 =	vshll.u32 v2, $0x7  }
0x98: {  	v11 =	vshll.u32 v3, $0xA;
	v3 =	vshll.u32 v3, $0x7;
	v4 =	vand.u32 $0xFFFFE000, v9  }
0x99: {  	v2 =	vand.u32 $0x380, v2;
	v5 =	vand.u32 $0xFFFFE000, v11;
	v4 =	vadd.s32 v4, v10  }
0x9a: {  	v3 =	vand.u32 $0x380, v3;
	v13 =	vadd.s32 v5, v12;
	v2 =	vor.u32 v2, v4  }
0x9b: {  	v3 =	vor.u32 v3, v13;
	[tilespmem:s2+$0xA0] =	vst v2  }
0x9c: {  	[tilespmem:s2+$0xB0] =	vst v3  }
0x9d: {  	v2 =	vld [tilespmem:s31+$0xFFFFFED0]  }
0x9e: {  	v3 =	vld [tilespmem:s31+$0xFFFFFEE0];
	_ =	sdelay $0x1  }
0x9f: {  	s17 =	sadd.s32 $0x60000, s26  }
0xa0: {  	v15 =	vadd.s32 s17, v0  }
0xa1: {  	v17 =	vadd.s32 s17, v1;
	v14 =	vshll.u32 v2, $0xA;
	v2 =	vshll.u32 v2, $0x7  }
0xa2: {  	v16 =	vshll.u32 v3, $0xA;
	v3 =	vshll.u32 v3, $0x7;
	v4 =	vand.u32 $0xFFFFE000, v14  }
0xa3: {  	v2 =	vand.u32 $0x380, v2;
	v5 =	vand.u32 $0xFFFFE000, v16;
	v4 =	vadd.s32 v4, v15  }
0xa4: {  	v3 =	vand.u32 $0x380, v3;
	v18 =	vadd.s32 v5, v17;
	v2 =	vor.u32 v2, v4  }
0xa5: {  	v3 =	vor.u32 v3, v18;
	[tilespmem:s2+$0xC0] =	vst v2  }
0xa6: {  	[tilespmem:s2+$0xD0] =	vst v3  }
0xa7: {  	v2 =	vld [tilespmem:s31+$0xFFFFFEF0]  }
0xa8: {  	v3 =	vld [tilespmem:s31+$0xFFFFFF00];
	_ =	sdelay $0x1  }
0xa9: {  	s18 =	sadd.s32 $0x70000, s26  }
0xaa: {  	v20 =	vadd.s32 s18, v0  }
0xab: {  	v22 =	vadd.s32 s18, v1;
	v19 =	vshll.u32 v2, $0xA;
	v2 =	vshll.u32 v2, $0x7  }
0xac: {  	v21 =	vshll.u32 v3, $0xA;
	v3 =	vshll.u32 v3, $0x7;
	v4 =	vand.u32 $0xFFFFE000, v19  }
0xad: {  	v2 =	vand.u32 $0x380, v2;
	v5 =	vand.u32 $0xFFFFE000, v21;
	v4 =	vadd.s32 v4, v20  }
0xae: {  	v3 =	vand.u32 $0x380, v3;
	v23 =	vadd.s32 v5, v22;
	v2 =	vor.u32 v2, v4  }
0xaf: {  	v3 =	vor.u32 v3, v23;
	[tilespmem:s2+$0xE0] =	vst v2  }
0xb0: {  	[tilespmem:s2+$0xF0] =	vst v3  }
0xb1: {  	v2 =	vld [tilespmem:s31+$0xFFFFFF10]  }
0xb2: {  	v3 =	vld [tilespmem:s31+$0xFFFFFF20];
	_ =	sdelay $0x1  }
0xb3: {  	s17 =	sadd.s32 $0x80000, s26  }
0xb4: {  	v25 =	vadd.s32 s17, v0  }
0xb5: {  	v27 =	vadd.s32 s17, v1;
	v24 =	vshll.u32 v2, $0xA;
	v2 =	vshll.u32 v2, $0x7  }
0xb6: {  	v26 =	vshll.u32 v3, $0xA;
	v3 =	vshll.u32 v3, $0x7;
	v4 =	vand.u32 $0xFFFFE000, v24  }
0xb7: {  	v2 =	vand.u32 $0x380, v2;
	v5 =	vand.u32 $0xFFFFE000, v26;
	v4 =	vadd.s32 v4, v25  }
0xb8: {  	v3 =	vand.u32 $0x380, v3;
	v28 =	vadd.s32 v5, v27;
	v2 =	vor.u32 v2, v4  }
0xb9: {  	v3 =	vor.u32 v3, v28;
	[tilespmem:s2+$0x100] =	vst v2  }
0xba: {  	[tilespmem:s2+$0x110] =	vst v3  }
0xbb: {  	v2 =	vld [tilespmem:s31+$0xFFFFFF30]  }
0xbc: {  	v3 =	vld [tilespmem:s31+$0xFFFFFF40];
	_ =	sdelay $0x1  }
0xbd: {  	s18 =	sadd.s32 $0x90000, s26  }
0xbe: {  	v30 =	vadd.s32 s18, v0  }
0xbf: {  	v32 =	vadd.s32 s18, v1;
	v29 =	vshll.u32 v2, $0xA;
	v2 =	vshll.u32 v2, $0x7  }
0xc0: {  	v31 =	vshll.u32 v3, $0xA;
	v3 =	vshll.u32 v3, $0x7;
	v4 =	vand.u32 $0xFFFFE000, v29  }
0xc1: {  	v2 =	vand.u32 $0x380, v2;
	v5 =	vand.u32 $0xFFFFE000, v31;
	v4 =	vadd.s32 v4, v30  }
0xc2: {  	v3 =	vand.u32 $0x380, v3;
	v33 =	vadd.s32 v5, v32;
	v2 =	vor.u32 v2, v4  }
0xc3: {  	v3 =	vor.u32 v3, v33;
	[tilespmem:s2+$0x120] =	vst v2  }
0xc4: {  	[tilespmem:s2+$0x130] =	vst v3  }
0xc5: {  	v2 =	vld [tilespmem:s31+$0xFFFFFF50]  }
0xc6: {  	v3 =	vld [tilespmem:s31+$0xFFFFFF60];
	_ =	sdelay $0x1  }
0xc7: {  	s17 =	sadd.s32 $0xA0000, s26  }
0xc8: {  	v35 =	vadd.s32 s17, v0  }
0xc9: {  	v37 =	vadd.s32 s17, v1;
	v34 =	vshll.u32 v2, $0xA;
	v2 =	vshll.u32 v2, $0x7  }
0xca: {  	v36 =	vshll.u32 v3, $0xA;
	v3 =	vshll.u32 v3, $0x7;
	v4 =	vand.u32 $0xFFFFE000, v34  }
0xcb: {  	v2 =	vand.u32 $0x380, v2;
	v5 =	vand.u32 $0xFFFFE000, v36;
	v4 =	vadd.s32 v4, v35  }
0xcc: {  	v3 =	vand.u32 $0x380, v3;
	v38 =	vadd.s32 v5, v37;
	v2 =	vor.u32 v2, v4  }
0xcd: {  	v3 =	vor.u32 v3, v38;
	[tilespmem:s2+$0x140] =	vst v2  }
0xce: {  	[tilespmem:s2+$0x150] =	vst v3  }
0xcf: {  	v2 =	vld [tilespmem:s31+$0xFFFFFF70]  }
0xd0: {  	v3 =	vld [tilespmem:s31+$0xFFFFFF80];
	_ =	sdelay $0x1  }
0xd1: {  	s18 =	sadd.s32 $0xB0000, s26  }
0xd2: {  	v40 =	vadd.s32 s18, v0  }
0xd3: {  	v42 =	vadd.s32 s18, v1;
	v39 =	vshll.u32 v2, $0xA;
	v2 =	vshll.u32 v2, $0x7  }
0xd4: {  	v41 =	vshll.u32 v3, $0xA;
	v3 =	vshll.u32 v3, $0x7;
	v4 =	vand.u32 $0xFFFFE000, v39  }
0xd5: {  	v2 =	vand.u32 $0x380, v2;
	v5 =	vand.u32 $0xFFFFE000, v41;
	v4 =	vadd.s32 v4, v40  }
0xd6: {  	v3 =	vand.u32 $0x380, v3;
	v43 =	vadd.s32 v5, v42;
	v2 =	vor.u32 v2, v4  }
0xd7: {  	v3 =	vor.u32 v3, v43;
	[tilespmem:s2+$0x160] =	vst v2  }
0xd8: {  	[tilespmem:s2+$0x170] =	vst v3  }
0xd9: {  	v2 =	vld [tilespmem:s31+$0xFFFFFF90]  }
0xda: {  	v3 =	vld [tilespmem:s31+$0xFFFFFFA0];
	_ =	sdelay $0x1  }
0xdb: {  	s17 =	sadd.s32 $0xC0000, s26  }
0xdc: {  	v45 =	vadd.s32 s17, v0  }
0xdd: {  	v47 =	vadd.s32 s17, v1;
	v44 =	vshll.u32 v2, $0xA;
	v2 =	vshll.u32 v2, $0x7  }
0xde: {  	v46 =	vshll.u32 v3, $0xA;
	v3 =	vshll.u32 v3, $0x7;
	v4 =	vand.u32 $0xFFFFE000, v44  }
0xdf: {  	v2 =	vand.u32 $0x380, v2;
	v5 =	vand.u32 $0xFFFFE000, v46;
	v4 =	vadd.s32 v4, v45  }
0xe0: {  	v3 =	vand.u32 $0x380, v3;
	v48 =	vadd.s32 v5, v47;
	v2 =	vor.u32 v2, v4  }
0xe1: {  	v3 =	vor.u32 v3, v48;
	[tilespmem:s2+$0x180] =	vst v2  }
0xe2: {  	[tilespmem:s2+$0x190] =	vst v3  }
0xe3: {  	v2 =	vld [tilespmem:s31+$0xFFFFFFB0]  }
0xe4: {  	v3 =	vld [tilespmem:s31+$0xFFFFFFC0];
	_ =	sdelay $0x1  }
0xe5: {  	s18 =	sadd.s32 $0xD0000, s26  }
0xe6: {  	v50 =	vadd.s32 s18, v0  }
0xe7: {  	v52 =	vadd.s32 s18, v1;
	v49 =	vshll.u32 v2, $0xA;
	v2 =	vshll.u32 v2, $0x7  }
0xe8: {  	v51 =	vshll.u32 v3, $0xA;
	v3 =	vshll.u32 v3, $0x7;
	v4 =	vand.u32 $0xFFFFE000, v49  }
0xe9: {  	v2 =	vand.u32 $0x380, v2;
	v5 =	vand.u32 $0xFFFFE000, v51;
	v4 =	vadd.s32 v4, v50  }
0xea: {  	v3 =	vand.u32 $0x380, v3;
	v53 =	vadd.s32 v5, v52;
	v2 =	vor.u32 v2, v4  }
0xeb: {  	v3 =	vor.u32 v3, v53;
	[tilespmem:s2+$0x1A0] =	vst v2  }
0xec: {  	[tilespmem:s2+$0x1B0] =	vst v3  }
0xed: {  	v2 =	vld [tilespmem:s31+$0xFFFFFFD0]  }
0xee: {  	v3 =	vld [tilespmem:s31+$0xFFFFFFE0];
	_ =	sdelay $0x1  }
0xef: {  	s17 =	sadd.s32 $0xE0000, s26  }
0xf0: {  	v55 =	vadd.s32 s17, v0  }
0xf1: {  	v57 =	vadd.s32 s17, v1;
	v54 =	vshll.u32 v2, $0xA;
	v2 =	vshll.u32 v2, $0x7  }
0xf2: {  	v56 =	vshll.u32 v3, $0xA;
	v3 =	vshll.u32 v3, $0x7;
	v4 =	vand.u32 $0xFFFFE000, v54  }
0xf3: {  	v2 =	vand.u32 $0x380, v2;
	v5 =	vand.u32 $0xFFFFE000, v56;
	v4 =	vadd.s32 v4, v55  }
0xf4: {  	v3 =	vand.u32 $0x380, v3;
	v58 =	vadd.s32 v5, v57;
	v2 =	vor.u32 v2, v4  }
0xf5: {  	v3 =	vor.u32 v3, v58;
	[tilespmem:s2+$0x1C0] =	vst v2  }
0xf6: {  	[tilespmem:s2+$0x1D0] =	vst v3  }
0xf7: {  	v2 =	vld [tilespmem:s31+$0xFFFFFFF0]  }
0xf8: {  	v3 =	vld [tilespmem:s31+$0x0];
	_ =	sdelay $0x1  }
0xf9: {  	s18 =	sadd.s32 $0xF0000, s26  }
0xfa: {  	v60 =	vadd.s32 s18, v0  }
0xfb: {  	v62 =	vadd.s32 s18, v1;
	v59 =	vshll.u32 v2, $0xA;
	v2 =	vshll.u32 v2, $0x7  }
0xfc: {  	v61 =	vshll.u32 v3, $0xA;
	v3 =	vshll.u32 v3, $0x7;
	v4 =	vand.u32 $0xFFFFE000, v59  }
0xfd: {  	v2 =	vand.u32 $0x380, v2;
	v5 =	vand.u32 $0xFFFFE000, v61;
	v4 =	vadd.s32 v4, v60  }
0xfe: {  	s26 =	sadd.s32 $0xFFF00000, s26;
	v3 =	vand.u32 $0x380, v3;
	v63 =	vadd.s32 v5, v62;
	v2 =	vor.u32 v2, v4  }
0xff: {  	p0 =	sne.s32 s26, $0xFFF00000;
	v3 =	vor.u32 v3, v63;
	[tilespmem:s2+$0x1E0] =	vst v2  }
.Ltmp3:
0x100: {  	[tilespmem:s2+$0x1F0] =	vst v3;
	(pc) =	sbr.rel @p0 .LBB2_8-.Ltmp3, $4  }
0x101: {  	[tilespmem:s29], [sflag:$0x3] =	stream.indirect.gather [hbm4b:s0+s19], $0x1, s2, s19, $0xb8;
	[tilespmem:$0x1C030] =	vst v63  }
0x102: {  	s30 =	sadd.s32 $0xFFFFFFFF, s30;
	s31 =	sadd.s32 $0xFFFFFE00, s31  }
0x103: {  	[tilespmem:s28], [sflag:$0x4] =	stream.indirect.gather [hbm4b:s1+s19], $0x1, s2, s19, $0xb8;
	[tilespmem:$0x1C030] =	vst v63  }
0x104: {  	s29 =	sadd.s32 $0xFFFFFE00, s29;
	s28 =	sadd.s32 $0xFFFFFE00, s28;
	s2 =	sadd.s32 $0xFFFFFE00, s2  }
0x105: {  	_ =	swait.ge [sflag:s20], $0x4000  }
0x106: {  	[sflag:s20] =	ssyncset.done $0x0  }
0x107: {  	[sflag:s20] =	ssyncadd.s32 $0xFFFFC000  }
0x108: {  	_ =	swait.ge [sflag:s20], $0x4000  }
0x109: {  	[sflag:s20] =	ssyncset.done $0x0  }
0x10a: {  	[sflag:s20] =	ssyncadd.s32 $0xFFFFC000  }
0x10b: {  	_ =	swait.ge [sflag:s20], $0x4020  }
0x10c: {  	[sflag:s20] =	ssyncset.done $0x0  }
0x10d: {  	[sflag:s20] =	ssyncadd.s32 $0xFFFFBFE0  }
0x10e: {  	_ =	swait.ge [sflag:s20], $0x10  }
0x10f: {  	[sflag:s20] =	ssyncset.done $0x0  }
0x110: {  	[sflag:s20] =	ssyncadd.s32 $0xFFFFFFF0  }
0x111: {  	v2 =	vld [tilespmem:$0x1C020]  }
0x112: {  	v3 =	vld [tilespmem:$0x1C000]  }
0x113: {  	v4 =	vld [tilespmem:$0x1C010];
	_ =	swait.ge [sflag:s21], $0x200  }
0x114: {  	[sflag:s21] =	ssyncset.done $0x0  }
0x115: {  	[sflag:s21] =	ssyncadd.s32 $0xFFFFFE00  }
0x116: {  	_ =	swait.ge [sflag:s22], $0x200  }
0x117: {  	[sflag:s22] =	ssyncset.done $0x0  }
0x118: {  	s28 =	simm.s32 $0x0;
	[sflag:s22] =	ssyncadd.s32 $0xFFFFFE00  }
0x119: {  	v5 =	vld [tilespmem:s28+$0x17FE0];
	_ =	sdelay $0x1  }
0x11a: {  	v6 =	vld [tilespmem:s28+$0x17FF0]  }
0x11b: {  	v7 =	vld [tilespmem:s28+$0x13FE0]  }
0x11c: {  	v8 =	vld [tilespmem:s28+$0x13FF0]  }
0x11d: {  	v9 =	vld [tilespmem:s28+$0xBFE0];
	v5 =	vmul.f32 v5, v2  }
0x11e: {  	v10 =	vld [tilespmem:s28+$0xBFF0]  }
0x11f: {  	v11 =	vld [tilespmem:s28+$0xFFE0];
	v6 =	vmul.f32 v6, v2;
	v3 =	vmul.f32 v5, v3  }
0x120: {  	v12 =	vld [tilespmem:s28+$0x1BFE0]  }
0x121: {  	v5 =	vld [tilespmem:s28+$0xFFF0];
	v4 =	vmul.f32 v6, v4;
	v3 =	vadd.f32 v3, v7  }
0x122: {  	v6 =	vld [tilespmem:s28+$0x17FC0]  }
0x123: {  	v28 =	vld [tilespmem:s28+$0x17FD0];
	v4 =	vadd.f32 v4, v8;
	v8 =	vsub.f32 v3, v9  }
0x124: {  	v11 =	vmin.f32 v11, $1.000000000e+00;
	v7 =	vld [tilespmem:s28+$0x1BFF0]  }
0x125: {  	v13 =	vld [tilespmem:s28+$0x13FC0];
	v10 =	vsub.f32 v4, v10;
	v8 =	vmul.f32 v8, v11  }
0x126: {  	v29 =	vld [tilespmem:s28+$0x13FD0];
	v5 =	vmin.f32 v5, $1.000000000e+00  }
0x127: {  	v30 =	vld [tilespmem:s28+$0xBFC0];
	v6 =	vmul.f32 v6, v2;
	v5 =	vmul.f32 v10, v5;
	v8 =	vadd.f32 v12, v8  }
0x128: {  	v31 =	vld [tilespmem:s28+$0xBFD0]  }
0x129: {  	v9 =	vmul.f32 v28, v2;
	v5 =	vadd.f32 v7, v5;
	v7 =	vld [tilespmem:s28+$0xFFC0];
	v6 =	vmul.f32 v6, v8  }
0x12a: {  	v14 =	vld [tilespmem:s28+$0x1BFC0]  }
0x12b: {  	v8 =	vld [tilespmem:s28+$0xFFD0];
	v9 =	vmul.f32 v9, v5;
	v5 =	vadd.f32 v6, v13  }
0x12c: {  	v32 =	vld [tilespmem:s28+$0x17FA0]  }
0x12d: {  	v15 =	vld [tilespmem:s28+$0x1BFD0];
	v6 =	vadd.f32 v9, v29;
	v33 =	vsub.f32 v5, v30  }
0x12e: {  	v34 =	vld [tilespmem:s28+$0x17FB0];
	v7 =	vmin.f32 v7, $1.000000000e+00  }
0x12f: {  	v35 =	vld [tilespmem:s28+$0x13FA0];
	v11 =	vsub.f32 v6, v31;
	v7 =	vmul.f32 v33, v7  }
0x130: {  	v36 =	vld [tilespmem:s28+$0x13FB0];
	v8 =	vmin.f32 v8, $1.000000000e+00  }
0x131: {  	v37 =	vld [tilespmem:s28+$0xBFB0];
	v13 =	vmul.f32 v32, v2;
	v8 =	vmul.f32 v11, v8;
	v7 =	vadd.f32 v14, v7  }
0x132: {  	v38 =	vld [tilespmem:s28+$0xBFA0]  }
0x133: {  	v16 =	vld [tilespmem:s28+$0xFFA0];
	v10 =	vmul.f32 v34, v2;
	v8 =	vadd.f32 v15, v8;
	v7 =	vmul.f32 v13, v7  }
0x134: {  	v39 =	vld [tilespmem:s28+$0xFFB0]  }
0x135: {  	v40 =	vld [tilespmem:s28+$0x17F80];
	v8 =	vmul.f32 v10, v8;
	v7 =	vadd.f32 v7, v35  }
0x136: {  	v41 =	vld [tilespmem:s28+$0x1BFA0]  }
0x137: {  	v42 =	vld [tilespmem:s28+$0x1BFB0];
	v8 =	vadd.f32 v8, v36;
	v43 =	vsub.f32 v7, v38  }
0x138: {  	v44 =	vld [tilespmem:s28+$0x17F90];
	v16 =	vmin.f32 v16, $1.000000000e+00  }
0x139: {  	v17 =	vld [tilespmem:s28+$0x13F80];
	v11 =	vsub.f32 v8, v37;
	v9 =	vmul.f32 v43, v16  }
0x13a: {  	v45 =	vld [tilespmem:s28+$0xBF80];
	v13 =	vmin.f32 v39, $1.000000000e+00  }
0x13b: {  	v46 =	vld [tilespmem:s28+$0xFF80];
	v10 =	vmul.f32 v40, v2;
	v11 =	vmul.f32 v11, v13;
	v9 =	vadd.f32 v41, v9  }
0x13c: {  	v47 =	vld [tilespmem:s28+$0x13F90]  }
0x13d: {  	v48 =	vld [tilespmem:s28+$0xBF90];
	v14 =	vmul.f32 v44, v2;
	v11 =	vadd.f32 v42, v11;
	v9 =	vmul.f32 v10, v9  }
0x13e: {  	v18 =	vld [tilespmem:s28+$0xFF90]  }
0x13f: {  	v19 =	vld [tilespmem:s28+$0x1BF80];
	v49 =	vmul.f32 v14, v11;
	v9 =	vadd.f32 v9, v17  }
0x140: {  	v50 =	vld [tilespmem:s28+$0x17F60]  }
0x141: {  	v51 =	vld [tilespmem:s28+$0x1BF90];
	v10 =	vadd.f32 v49, v47;
	v52 =	vsub.f32 v9, v45  }
0x142: {  	v53 =	vld [tilespmem:s28+$0x17F70];
	v13 =	vmin.f32 v46, $1.000000000e+00  }
0x143: {  	v54 =	vld [tilespmem:s28+$0x13F60];
	v15 =	vsub.f32 v10, v48;
	v12 =	vmul.f32 v52, v13  }
0x144: {  	v56 =	vld [tilespmem:s28+$0xFF60];
	v55 =	vmin.f32 v18, $1.000000000e+00  }
0x145: {  	v57 =	vld [tilespmem:s28+$0x13F70];
	v11 =	vmul.f32 v50, v2;
	v13 =	vmul.f32 v15, v55;
	v12 =	vadd.f32 v19, v12  }
0x146: {  	v58 =	vld [tilespmem:s28+$0xBF60]  }
0x147: {  	v20 =	vld [tilespmem:s28+$0xFF70];
	v59 =	vmul.f32 v53, v2;
	v13 =	vadd.f32 v51, v13;
	v11 =	vmul.f32 v11, v12  }
0x148: {  	v60 =	vld [tilespmem:s28+$0xBF70]  }
0x149: {  	v21 =	vld [tilespmem:s28+$0x1BF60];
	v61 =	vmul.f32 v59, v13;
	v11 =	vadd.f32 v11, v54  }
0x14a: {  	v62 =	vld [tilespmem:s28+$0x17F40]  }
0x14b: {  	v63 =	vld [tilespmem:s28+$0x1BF70];
	v12 =	vadd.f32 v61, v57;
	v23 =	vsub.f32 v11, v58  }
0x14c: {  	v24 =	vld [tilespmem:s28+$0x17F50];
	v18 =	vmin.f32 v56, $1.000000000e+00  }
0x14d: {  	v25 =	vld [tilespmem:s28+$0x13F50];
	v16 =	vsub.f32 v12, v60;
	v15 =	vmul.f32 v23, v18  }
0x14e: {  	v27 =	vld [tilespmem:s28+$0x13F40];
	v26 =	vmin.f32 v20, $1.000000000e+00  }
0x14f: {  	v22 =	vld [tilespmem:s28+$0x1BF40];
	v13 =	vmul.f32 v62, v2;
	v16 =	vmul.f32 v16, v26;
	v15 =	vadd.f32 v21, v15  }
0x150: {  	v28 =	vld [tilespmem:s28+$0xBF40]  }
0x151: {  	v29 =	vld [tilespmem:s28+$0xFF40];
	v17 =	vmul.f32 v24, v2;
	v14 =	vadd.f32 v63, v16;
	v13 =	vmul.f32 v13, v15  }
0x152: {  	v30 =	vld [tilespmem:s28+$0xBF50]  }
0x153: {  	v31 =	vld [tilespmem:s28+$0xFF50];
	v14 =	vmul.f32 v17, v14;
	v13 =	vadd.f32 v13, v27  }
0x154: {  	v32 =	vld [tilespmem:s28+$0x17F20]  }
0x155: {  	v34 =	vld [tilespmem:s28+$0x17F30];
	v14 =	vadd.f32 v14, v25;
	v18 =	vsub.f32 v13, v28  }
0x156: {  	v33 =	vld [tilespmem:s28+$0x1BF50];
	v21 =	vmin.f32 v29, $1.000000000e+00  }
0x157: {  	v39 =	vld [tilespmem:s28+$0xFF30];
	v16 =	vsub.f32 v14, v30;
	v18 =	vmul.f32 v18, v21  }
0x158: {  	v23 =	vld [tilespmem:s28+$0x13F20];
	v15 =	vmin.f32 v31, $1.000000000e+00  }
0x159: {  	v35 =	vld [tilespmem:s28+$0x13F30];
	v17 =	vmul.f32 v32, v2;
	v15 =	vmul.f32 v16, v15;
	v36 =	vadd.f32 v22, v18  }
0x15a: {  	v24 =	vld [tilespmem:s28+$0xBF20]  }
0x15b: {  	v38 =	vld [tilespmem:s28+$0xFF20];
	v19 =	vmul.f32 v34, v2;
	v15 =	vadd.f32 v33, v15;
	v16 =	vmul.f32 v17, v36  }
0x15c: {  	v37 =	vld [tilespmem:s28+$0xBF30]  }
0x15d: {  	v40 =	vld [tilespmem:s28+$0x17F00];
	v19 =	vmul.f32 v19, v15;
	v15 =	vadd.f32 v16, v23  }
0x15e: {  	v41 =	vld [tilespmem:s28+$0x1BF20]  }
0x15f: {  	v43 =	vld [tilespmem:s28+$0x17F10];
	v16 =	vadd.f32 v19, v35;
	v42 =	vsub.f32 v15, v24  }
0x160: {  	v20 =	vmin.f32 v38, $1.000000000e+00;
	v25 =	vld [tilespmem:s28+$0x1BF30]  }
0x161: {  	v44 =	vld [tilespmem:s28+$0x13F00];
	v18 =	vsub.f32 v16, v37;
	v19 =	vmul.f32 v42, v20  }
0x162: {  	v50 =	vld [tilespmem:s28+$0xFF10];
	v17 =	vmin.f32 v39, $1.000000000e+00  }
0x163: {  	v47 =	vmul.f32 v40, v2;
	v45 =	vld [tilespmem:s28+$0x13F10];
	v17 =	vmul.f32 v18, v17;
	v46 =	vadd.f32 v41, v19  }
0x164: {  	v26 =	vld [tilespmem:s28+$0xBF00]  }
0x165: {  	v48 =	vld [tilespmem:s28+$0xFF00];
	v21 =	vmul.f32 v43, v2;
	v17 =	vadd.f32 v25, v17;
	v18 =	vmul.f32 v47, v46  }
0x166: {  	v49 =	vld [tilespmem:s28+$0xBF10]  }
0x167: {  	v52 =	vld [tilespmem:s28+$0x17EE0];
	v21 =	vmul.f32 v21, v17;
	v17 =	vadd.f32 v18, v44  }
0x168: {  	v51 =	vld [tilespmem:s28+$0x1BF00]  }
0x169: {  	v54 =	vld [tilespmem:s28+$0x17EF0];
	v18 =	vadd.f32 v21, v45;
	v53 =	vsub.f32 v17, v26  }
0x16a: {  	v27 =	vld [tilespmem:s28+$0x1BF10];
	v22 =	vmin.f32 v48, $1.000000000e+00  }
0x16b: {  	v56 =	vld [tilespmem:s28+$0x13EF0];
	v23 =	vsub.f32 v18, v49;
	v20 =	vmul.f32 v53, v22  }
0x16c: {  	v55 =	vld [tilespmem:s28+$0x13EE0];
	v19 =	vmin.f32 v50, $1.000000000e+00  }
0x16d: {  	v59 =	vld [tilespmem:s28+$0xBEF0];
	v24 =	vmul.f32 v52, v2;
	v19 =	vmul.f32 v23, v19;
	v20 =	vadd.f32 v51, v20  }
0x16e: {  	v57 =	vld [tilespmem:s28+$0xBEE0]  }
0x16f: {  	v58 =	vld [tilespmem:s28+$0xFEE0];
	v21 =	vmul.f32 v54, v2;
	v19 =	vadd.f32 v27, v19;
	v20 =	vmul.f32 v24, v20  }
0x170: {  	v61 =	vld [tilespmem:s28+$0x17EC0]  }
0x171: {  	v60 =	vld [tilespmem:s28+$0xFEF0];
	v21 =	vmul.f32 v21, v19;
	v19 =	vadd.f32 v20, v55  }
0x172: {  	v28 =	vld [tilespmem:s28+$0x1BEE0]  }
0x173: {  	v29 =	vld [tilespmem:s28+$0x1BEF0];
	v20 =	vadd.f32 v21, v56;
	v62 =	vsub.f32 v19, v57  }
0x174: {  	v63 =	vld [tilespmem:s28+$0x17ED0];
	v32 =	vmin.f32 v58, $1.000000000e+00  }
0x175: {  	v38 =	vld [tilespmem:s28+$0xFEC0];
	v33 =	vsub.f32 v20, v59;
	v21 =	vmul.f32 v62, v32  }
0x176: {  	v34 =	vld [tilespmem:s28+$0x13EC0];
	v35 =	vmin.f32 v60, $1.000000000e+00  }
0x177: {  	v36 =	vld [tilespmem:s28+$0x13ED0];
	v26 =	vmul.f32 v61, v2;
	v23 =	vmul.f32 v33, v35;
	v21 =	vadd.f32 v28, v21  }
0x178: {  	v37 =	vld [tilespmem:s28+$0xBEC0]  }
0x179: {  	v40 =	vld [tilespmem:s28+$0xFED0];
	v22 =	vmul.f32 v63, v2;
	v23 =	vadd.f32 v29, v23;
	v21 =	vmul.f32 v26, v21  }
0x17a: {  	v39 =	vld [tilespmem:s28+$0xBED0]  }
0x17b: {  	v30 =	vld [tilespmem:s28+$0x1BEC0];
	v22 =	vmul.f32 v22, v23;
	v21 =	vadd.f32 v21, v34  }
0x17c: {  	v41 =	vld [tilespmem:s28+$0x17EA0]  }
0x17d: {  	v42 =	vld [tilespmem:s28+$0x1BED0];
	v22 =	vadd.f32 v22, v36;
	v43 =	vsub.f32 v21, v37  }
0x17e: {  	v44 =	vld [tilespmem:s28+$0x17EB0];
	v28 =	vmin.f32 v38, $1.000000000e+00  }
0x17f: {  	v31 =	vld [tilespmem:s28+$0x13EA0];
	v29 =	vsub.f32 v22, v39;
	v24 =	vmul.f32 v43, v28  }
0x180: {  	v48 =	vld [tilespmem:s28+$0xBEB0];
	v26 =	vmin.f32 v40, $1.000000000e+00  }
0x181: {  	v46 =	vld [tilespmem:s28+$0xBEA0];
	v23 =	vmul.f32 v41, v2;
	v26 =	vmul.f32 v29, v26;
	v24 =	vadd.f32 v30, v24  }
0x182: {  	v45 =	vld [tilespmem:s28+$0x13EB0]  }
0x183: {  	v47 =	vld [tilespmem:s28+$0xFEA0];
	v25 =	vmul.f32 v44, v2;
	v26 =	vadd.f32 v42, v26;
	v23 =	vmul.f32 v23, v24  }
0x184: {  	v50 =	vld [tilespmem:s28+$0x17E80]  }
0x185: {  	v49 =	vld [tilespmem:s28+$0xFEB0];
	v25 =	vmul.f32 v25, v26;
	v23 =	vadd.f32 v23, v31  }
0x186: {  	v32 =	vld [tilespmem:s28+$0x1BEA0]  }
0x187: {  	v53 =	vld [tilespmem:s28+$0x17E90];
	v25 =	vadd.f32 v25, v45;
	v52 =	vsub.f32 v23, v46  }
0x188: {  	v51 =	vld [tilespmem:s28+$0x1BEB0];
	v30 =	vmin.f32 v47, $1.000000000e+00  }
0x189: {  	v58 =	vld [tilespmem:s28+$0xFE90];
	v27 =	vsub.f32 v25, v48;
	v28 =	vmul.f32 v52, v30  }
0x18a: {  	v33 =	vld [tilespmem:s28+$0x13E80];
	v24 =	vmin.f32 v49, $1.000000000e+00  }
0x18b: {  	v54 =	vld [tilespmem:s28+$0x13E90];
	v26 =	vmul.f32 v50, v2;
	v24 =	vmul.f32 v27, v24;
	v28 =	vadd.f32 v32, v28  }
0x18c: {  	v55 =	vld [tilespmem:s28+$0xBE80]  }
0x18d: {  	v56 =	vld [tilespmem:s28+$0xFE80];
	v29 =	vmul.f32 v53, v2;
	v24 =	vadd.f32 v51, v24;
	v26 =	vmul.f32 v26, v28  }
0x18e: {  	v57 =	vld [tilespmem:s28+$0xBE90]  }
0x18f: {  	v59 =	vld [tilespmem:s28+$0x17E60];
	v24 =	vmul.f32 v29, v24;
	v26 =	vadd.f32 v26, v33  }
0x190: {  	v34 =	vld [tilespmem:s28+$0x1BE80]  }
0x191: {  	v60 =	vld [tilespmem:s28+$0x1BE90];
	v24 =	vadd.f32 v24, v54;
	v27 =	vsub.f32 v26, v55  }
0x192: {  	v61 =	vld [tilespmem:s28+$0x17E70];
	v32 =	vmin.f32 v56, $1.000000000e+00  }
0x193: {  	v63 =	vld [tilespmem:s28+$0xBE60];
	v31 =	vsub.f32 v24, v57;
	v27 =	vmul.f32 v27, v32  }
0x194: {  	v35 =	vld [tilespmem:s28+$0x13E60];
	v28 =	vmin.f32 v58, $1.000000000e+00  }
0x195: {  	v62 =	vld [tilespmem:s28+$0x13E70];
	v29 =	vmul.f32 v59, v2;
	v28 =	vmul.f32 v31, v28;
	v27 =	vadd.f32 v34, v27  }
0x196: {  	v38 =	vld [tilespmem:s28+$0xFE70]  }
0x197: {  	v36 =	vld [tilespmem:s28+$0xFE60];
	v30 =	vmul.f32 v61, v2;
	v28 =	vadd.f32 v60, v28;
	v27 =	vmul.f32 v29, v27  }
0x198: {  	v37 =	vld [tilespmem:s28+$0xBE70]  }
0x199: {  	v40 =	vld [tilespmem:s28+$0x17E40];
	v28 =	vmul.f32 v30, v28;
	v27 =	vadd.f32 v27, v35  }
0x19a: {  	v39 =	vld [tilespmem:s28+$0x1BE60]  }
0x19b: {  	[tilespmem:s28+$0x13FE0] =	vst v3;
	v3 =	vld [tilespmem:s28+$0x17E50];
	v28 =	vadd.f32 v28, v62;
	v31 =	vsub.f32 v27, v63  }
0x19c: {  	[tilespmem:s28+$0x13FF0] =	vst v4;
	v41 =	vld [tilespmem:s28+$0x1BE70];
	v34 =	vmin.f32 v36, $1.000000000e+00  }
0x19d: {  	[tilespmem:s28+$0x13FD0] =	vst v6;
	v6 =	vld [tilespmem:s28+$0xBE40];
	v4 =	vsub.f32 v28, v37;
	v31 =	vmul.f32 v31, v34  }
0x19e: {  	[tilespmem:s28+$0x13FC0] =	vst v5;
	v5 =	vmin.f32 v38, $1.000000000e+00;
	v42 =	vld [tilespmem:s28+$0x13E40]  }
0x19f: {  	[tilespmem:s28+$0x13FA0] =	vst v7;
	v7 =	vld [tilespmem:s28+$0xFE40];
	v44 =	vmul.f32 v40, v2;
	v4 =	vmul.f32 v4, v5;
	v5 =	vadd.f32 v39, v31  }
0x1a0: {  	v43 =	vld [tilespmem:s28+$0x13E50]  }
0x1a1: {  	v3 =	vmul.f32 v3, v2;
	[tilespmem:s28+$0x13FB0] =	vst v8;
	v8 =	vld [tilespmem:s28+$0xBE50];
	v4 =	vadd.f32 v41, v4;
	v5 =	vmul.f32 v44, v5  }
0x1a2: {  	[tilespmem:s28+$0x13F80] =	vst v9;
	v45 =	vld [tilespmem:s28+$0xFE50]  }
0x1a3: {  	[tilespmem:s28+$0x13F90] =	vst v10;
	v46 =	vld [tilespmem:s28+$0x17E20];
	v3 =	vmul.f32 v3, v4;
	v4 =	vadd.f32 v5, v42  }
0x1a4: {  	[tilespmem:s28+$0x13F60] =	vst v11;
	v5 =	vld [tilespmem:s28+$0x1BE40]  }
0x1a5: {  	[tilespmem:s28+$0x13F70] =	vst v12;
	v47 =	vld [tilespmem:s28+$0x1BE50];
	v3 =	vadd.f32 v3, v43;
	v6 =	vsub.f32 v4, v6  }
0x1a6: {  	v7 =	vmin.f32 v7, $1.000000000e+00;
	[tilespmem:s28+$0x13F40] =	vst v13;
	v48 =	vld [tilespmem:s28+$0x17E30]  }
0x1a7: {  	[tilespmem:s28+$0x13F50] =	vst v14;
	v49 =	vld [tilespmem:s28+$0x13E30];
	v8 =	vsub.f32 v3, v8;
	v6 =	vmul.f32 v6, v7  }
0x1a8: {  	[tilespmem:s28+$0x13F20] =	vst v15;
	v9 =	vmin.f32 v45, $1.000000000e+00;
	v7 =	vld [tilespmem:s28+$0x13E20]  }
0x1a9: {  	[tilespmem:s28+$0x13F30] =	vst v16;
	v52 =	vld [tilespmem:s28+$0xBE30];
	v50 =	vmul.f32 v46, v2;
	v8 =	vmul.f32 v8, v9;
	v5 =	vadd.f32 v5, v6  }
0x1aa: {  	[tilespmem:s28+$0x13F00] =	vst v17;
	v6 =	vld [tilespmem:s28+$0xBE20]  }
0x1ab: {  	[tilespmem:s28+$0x13F10] =	vst v18;
	v51 =	vld [tilespmem:s28+$0xFE20];
	v53 =	vmul.f32 v48, v2;
	v8 =	vadd.f32 v47, v8;
	v5 =	vmul.f32 v50, v5  }
0x1ac: {  	[tilespmem:s28+$0x13EE0] =	vst v19;
	v54 =	vld [tilespmem:s28+$0xFE30]  }
0x1ad: {  	[tilespmem:s28+$0x13EF0] =	vst v20;
	v55 =	vld [tilespmem:s28+$0x17E00];
	v8 =	vmul.f32 v53, v8;
	v5 =	vadd.f32 v5, v7  }
0x1ae: {  	[tilespmem:s28+$0x13EC0] =	vst v21;
	v7 =	vld [tilespmem:s28+$0x1BE20]  }
0x1af: {  	[tilespmem:s28+$0x13ED0] =	vst v22;
	v56 =	vld [tilespmem:s28+$0x1BE30];
	v8 =	vadd.f32 v8, v49;
	v6 =	vsub.f32 v5, v6  }
0x1b0: {  	[tilespmem:s28+$0x13EA0] =	vst v23;
	v10 =	vmin.f32 v51, $1.000000000e+00;
	v57 =	vld [tilespmem:s28+$0x17E10]  }
0x1b1: {  	[tilespmem:s28+$0x13EB0] =	vst v25;
	v61 =	vld [tilespmem:s28+$0xBE10];
	v9 =	vsub.f32 v8, v52;
	v6 =	vmul.f32 v6, v10  }
0x1b2: {  	v58 =	vld [tilespmem:s28+$0x13E00];
	[tilespmem:s28+$0x13E80] =	vst v26;
	v12 =	vmin.f32 v54, $1.000000000e+00  }
0x1b3: {  	v59 =	vld [tilespmem:s28+$0x13E10];
	[tilespmem:s28+$0x13E90] =	vst v24;
	v11 =	vmul.f32 v55, v2;
	v9 =	vmul.f32 v9, v12;
	v6 =	vadd.f32 v7, v6  }
0x1b4: {  	[tilespmem:s28+$0x13E60] =	vst v27;
	v7 =	vld [tilespmem:s28+$0xBE00]  }
0x1b5: {  	v60 =	vld [tilespmem:s28+$0xFE00];
	v62 =	vmul.f32 v57, v2;
	[tilespmem:s28+$0x13E70] =	vst v28;
	v9 =	vadd.f32 v56, v9;
	v6 =	vmul.f32 v11, v6  }
0x1b6: {  	v63 =	vld [tilespmem:s28+$0xFE10];
	[tilespmem:s28+$0x13E40] =	vst v4  }
0x1b7: {  	[tilespmem:s28+$0x13E50] =	vst v3;
	v3 =	vmul.f32 v62, v9;
	v4 =	vadd.f32 v6, v58  }
0x1b8: {  	[tilespmem:s28+$0x13E20] =	vst v5  }
0x1b9: {  	[tilespmem:s28+$0x13E30] =	vst v8;
	v6 =	vadd.f32 v3, v59;
	v3 =	vld [tilespmem:s28+$0x1BE00];
	v7 =	vsub.f32 v4, v7  }
0x1ba: {  	v8 =	vmin.f32 v60, $1.000000000e+00;
	[tilespmem:s28+$0x13E00] =	vst v4;
	v4 =	vld [tilespmem:s28+$0x1BE10]  }
0x1bb: {  	s26 =	simm.s32 $0xFFFFF800;
	v5 =	vsub.f32 v6, v61;
	[tilespmem:s28+$0x13E10] =	vst v6;
	v6 =	vmul.f32 v7, v8;
	v7 =	vmin.f32 v63, $1.000000000e+00  }
.LBB2_10:
0x1bc: {  	_ =	swait.ge [sflag:s21], $0x200  }
0x1bd: {  	p0 =	sne.s32 s26, $0xFFFF0800;
	v5 =	vmul.f32 v5, v7;
	s2 =	smov.u32 s26;
	s26 =	sadd.s32 $0xFFFFF800, s26  }
0x1be: {  	[sflag:s21] =	ssyncset.done $0x0;
	v3 =	vadd.f32 v3, v6  }
0x1bf: {  	[sflag:s21] =	ssyncadd.s32 $0xFFFFFE00;
	v4 =	vadd.f32 v4, v5  }
0x1c0: {  	_ =	swait.ge [sflag:s22], $0x200  }
0x1c1: {  	[sflag:s22] =	ssyncset.done $0x0  }
0x1c2: {  	s28 =	sshra.s32 s2, $0x2;
	[sflag:s22] =	ssyncadd.s32 $0xFFFFFE00  }
0x1c3: {  	v5 =	vld [tilespmem:s28+$0x17FE0]  }
0x1c4: {  	v6 =	vld [tilespmem:s28+$0x17FF0]  }
0x1c5: {  	v7 =	vld [tilespmem:s28+$0x13FE0]  }
0x1c6: {  	v8 =	vld [tilespmem:s28+$0x13FF0]  }
0x1c7: {  	v9 =	vld [tilespmem:s28+$0xBFE0]  }
0x1c8: {  	v10 =	vld [tilespmem:s28+$0xBFF0];
	v5 =	vmul.f32 v5, v2  }
0x1c9: {  	v11 =	vld [tilespmem:s28+$0xFFF0];
	v6 =	vmul.f32 v6, v2  }
0x1ca: {  	v12 =	vld [tilespmem:s28+$0xFFE0];
	v3 =	vmul.f32 v5, v3  }
0x1cb: {  	v5 =	vld [tilespmem:s28+$0x1BFE0];
	v4 =	vmul.f32 v6, v4  }
0x1cc: {  	v6 =	vld [tilespmem:s28+$0x1BFF0];
	v3 =	vadd.f32 v3, v7  }
0x1cd: {  	v4 =	vadd.f32 v4, v8;
	v7 =	vld [tilespmem:s28+$0x17FC0]  }
0x1ce: {  	v8 =	vsub.f32 v3, v9;
	[tilespmem:s28+$0x13FE0] =	vst v3;
	v3 =	vld [tilespmem:s28+$0x17FD0]  }
0x1cf: {  	v9 =	vmin.f32 v12, $1.000000000e+00;
	v10 =	vsub.f32 v4, v10;
	[tilespmem:s28+$0x13FF0] =	vst v4;
	v4 =	vld [tilespmem:s28+$0x13FC0]  }
0x1d0: {  	v8 =	vmul.f32 v8, v9;
	v9 =	vmin.f32 v11, $1.000000000e+00;
	v11 =	vld [tilespmem:s28+$0x13FD0]  }
0x1d1: {  	v9 =	vmul.f32 v10, v9;
	v10 =	vld [tilespmem:s28+$0xBFC0]  }
0x1d2: {  	v5 =	vadd.f32 v5, v8;
	v8 =	vld [tilespmem:s28+$0xBFD0];
	v7 =	vmul.f32 v7, v2  }
0x1d3: {  	v6 =	vadd.f32 v6, v9;
	v9 =	vld [tilespmem:s28+$0xFFC0];
	v3 =	vmul.f32 v3, v2  }
0x1d4: {  	v12 =	vld [tilespmem:s28+$0xFFD0];
	v5 =	vmul.f32 v7, v5  }
0x1d5: {  	v7 =	vld [tilespmem:s28+$0x1BFC0];
	v3 =	vmul.f32 v3, v6  }
0x1d6: {  	v4 =	vadd.f32 v5, v4;
	v5 =	vld [tilespmem:s28+$0x17FA0]  }
0x1d7: {  	v6 =	vld [tilespmem:s28+$0x1BFD0];
	v3 =	vadd.f32 v3, v11  }
0x1d8: {  	v9 =	vmin.f32 v9, $1.000000000e+00;
	v10 =	vsub.f32 v4, v10;
	[tilespmem:s28+$0x13FC0] =	vst v4;
	v4 =	vld [tilespmem:s28+$0x17FB0]  }
0x1d9: {  	v11 =	vmin.f32 v12, $1.000000000e+00;
	v8 =	vsub.f32 v3, v8;
	[tilespmem:s28+$0x13FD0] =	vst v3;
	v3 =	vld [tilespmem:s28+$0x13FA0]  }
0x1da: {  	v9 =	vmul.f32 v10, v9;
	v10 =	vld [tilespmem:s28+$0x13FB0]  }
0x1db: {  	v8 =	vmul.f32 v8, v11;
	v11 =	vld [tilespmem:s28+$0xBFB0];
	v5 =	vmul.f32 v5, v2  }
0x1dc: {  	v7 =	vadd.f32 v7, v9;
	v9 =	vld [tilespmem:s28+$0xFFA0]  }
0x1dd: {  	v6 =	vadd.f32 v6, v8;
	v8 =	vld [tilespmem:s28+$0xBFA0];
	v4 =	vmul.f32 v4, v2  }
0x1de: {  	v12 =	vld [tilespmem:s28+$0xFFB0];
	v5 =	vmul.f32 v5, v7  }
0x1df: {  	v4 =	vmul.f32 v4, v6;
	v6 =	vld [tilespmem:s28+$0x17F80]  }
0x1e0: {  	v7 =	vld [tilespmem:s28+$0x1BFB0];
	v3 =	vadd.f32 v5, v3  }
0x1e1: {  	v5 =	vld [tilespmem:s28+$0x1BFA0];
	v4 =	vadd.f32 v4, v10  }
0x1e2: {  	v8 =	vsub.f32 v3, v8;
	[tilespmem:s28+$0x13FA0] =	vst v3;
	v3 =	vld [tilespmem:s28+$0x17F90]  }
0x1e3: {  	v9 =	vmin.f32 v9, $1.000000000e+00;
	v10 =	vsub.f32 v4, v11;
	[tilespmem:s28+$0x13FB0] =	vst v4;
	v4 =	vld [tilespmem:s28+$0x13F80]  }
0x1e4: {  	v8 =	vmul.f32 v8, v9;
	v9 =	vmin.f32 v12, $1.000000000e+00;
	v11 =	vld [tilespmem:s28+$0xBF80];
	v6 =	vmul.f32 v6, v2  }
0x1e5: {  	v9 =	vmul.f32 v10, v9;
	v10 =	vld [tilespmem:s28+$0xFF80]  }
0x1e6: {  	v5 =	vadd.f32 v5, v8;
	v8 =	vld [tilespmem:s28+$0x13F90]  }
0x1e7: {  	v7 =	vadd.f32 v7, v9;
	v9 =	vld [tilespmem:s28+$0xBF90];
	v3 =	vmul.f32 v3, v2  }
0x1e8: {  	v12 =	vld [tilespmem:s28+$0xFF90];
	v5 =	vmul.f32 v6, v5  }
0x1e9: {  	v6 =	vld [tilespmem:s28+$0x1BF80];
	v3 =	vmul.f32 v3, v7  }
0x1ea: {  	v4 =	vadd.f32 v5, v4;
	v5 =	vmin.f32 v10, $1.000000000e+00;
	v7 =	vld [tilespmem:s28+$0x17F60]  }
0x1eb: {  	v10 =	vld [tilespmem:s28+$0x1BF90];
	v3 =	vadd.f32 v3, v8  }
0x1ec: {  	v8 =	vsub.f32 v4, v11;
	[tilespmem:s28+$0x13F80] =	vst v4;
	v4 =	vld [tilespmem:s28+$0x17F70]  }
0x1ed: {  	v9 =	vsub.f32 v3, v9;
	[tilespmem:s28+$0x13F90] =	vst v3;
	v3 =	vld [tilespmem:s28+$0x13F60]  }
0x1ee: {  	v5 =	vmul.f32 v8, v5;
	v8 =	vmin.f32 v12, $1.000000000e+00;
	v11 =	vld [tilespmem:s28+$0xFF60]  }
0x1ef: {  	v8 =	vmul.f32 v9, v8;
	v9 =	vld [tilespmem:s28+$0xFF70]  }
0x1f0: {  	v7 =	vmul.f32 v7, v2;
	v5 =	vadd.f32 v6, v5;
	v6 =	vld [tilespmem:s28+$0x13F70]  }
0x1f1: {  	v8 =	vadd.f32 v10, v8;
	v10 =	vld [tilespmem:s28+$0xBF60];
	v4 =	vmul.f32 v4, v2  }
0x1f2: {  	v12 =	vld [tilespmem:s28+$0xBF70];
	v5 =	vmul.f32 v7, v5  }
0x1f3: {  	v7 =	vld [tilespmem:s28+$0x1BF60];
	v4 =	vmul.f32 v4, v8  }
0x1f4: {  	v3 =	vadd.f32 v5, v3;
	v5 =	vld [tilespmem:s28+$0x17F40]  }
0x1f5: {  	v8 =	vld [tilespmem:s28+$0x1BF70];
	v4 =	vadd.f32 v4, v6  }
0x1f6: {  	v6 =	vsub.f32 v3, v10;
	[tilespmem:s28+$0x13F60] =	vst v3;
	v3 =	vld [tilespmem:s28+$0x17F50]  }
0x1f7: {  	v10 =	vmin.f32 v11, $1.000000000e+00;
	v11 =	vsub.f32 v4, v12;
	[tilespmem:s28+$0x13F70] =	vst v4;
	v4 =	vld [tilespmem:s28+$0x13F50]  }
0x1f8: {  	v9 =	vmin.f32 v9, $1.000000000e+00;
	v6 =	vmul.f32 v6, v10;
	v10 =	vld [tilespmem:s28+$0x13F40]  }
0x1f9: {  	v9 =	vmul.f32 v11, v9;
	v11 =	vld [tilespmem:s28+$0xBF40]  }
0x1fa: {  	v5 =	vmul.f32 v5, v2;
	v6 =	vadd.f32 v7, v6;
	v7 =	vld [tilespmem:s28+$0xFF40]  }
0x1fb: {  	v8 =	vadd.f32 v8, v9;
	v9 =	vld [tilespmem:s28+$0xBF50];
	v3 =	vmul.f32 v3, v2  }
0x1fc: {  	v12 =	vld [tilespmem:s28+$0xFF50];
	v5 =	vmul.f32 v5, v6  }
0x1fd: {  	v6 =	vld [tilespmem:s28+$0x1BF40];
	v3 =	vmul.f32 v3, v8  }
0x1fe: {  	v5 =	vadd.f32 v5, v10;
	v8 =	vld [tilespmem:s28+$0x17F20]  }
0x1ff: {  	v10 =	vld [tilespmem:s28+$0x1BF50];
	v3 =	vadd.f32 v3, v4  }
0x200: {  	v4 =	vsub.f32 v5, v11;
	[tilespmem:s28+$0x13F40] =	vst v5;
	v5 =	vld [tilespmem:s28+$0x17F30]  }
0x201: {  	v7 =	vmin.f32 v7, $1.000000000e+00;
	v9 =	vsub.f32 v3, v9;
	[tilespmem:s28+$0x13F50] =	vst v3;
	v3 =	vld [tilespmem:s28+$0x13F20]  }
0x202: {  	v4 =	vmul.f32 v4, v7;
	v7 =	vmin.f32 v12, $1.000000000e+00;
	v11 =	vld [tilespmem:s28+$0x13F30]  }
0x203: {  	v7 =	vmul.f32 v9, v7;
	v9 =	vld [tilespmem:s28+$0xBF20]  }
0x204: {  	v8 =	vmul.f32 v8, v2;
	v4 =	vadd.f32 v6, v4;
	v6 =	vld [tilespmem:s28+$0xBF30]  }
0x205: {  	v7 =	vadd.f32 v10, v7;
	v10 =	vld [tilespmem:s28+$0xFF20];
	v5 =	vmul.f32 v5, v2  }
0x206: {  	v12 =	vld [tilespmem:s28+$0xFF30];
	v4 =	vmul.f32 v8, v4  }
0x207: {  	v5 =	vmul.f32 v5, v7;
	v7 =	vld [tilespmem:s28+$0x17F00]  }
0x208: {  	v8 =	vld [tilespmem:s28+$0x1BF30];
	v3 =	vadd.f32 v4, v3  }
0x209: {  	v4 =	vld [tilespmem:s28+$0x1BF20];
	v5 =	vadd.f32 v5, v11  }
0x20a: {  	v9 =	vsub.f32 v3, v9;
	[tilespmem:s28+$0x13F20] =	vst v3;
	v3 =	vld [tilespmem:s28+$0x17F10]  }
0x20b: {  	v10 =	vmin.f32 v10, $1.000000000e+00;
	v6 =	vsub.f32 v5, v6;
	[tilespmem:s28+$0x13F30] =	vst v5;
	v5 =	vld [tilespmem:s28+$0x13F00]  }
0x20c: {  	v9 =	vmul.f32 v9, v10;
	v10 =	vmin.f32 v12, $1.000000000e+00;
	v11 =	vld [tilespmem:s28+$0x13F10]  }
0x20d: {  	v6 =	vmul.f32 v6, v10;
	v10 =	vld [tilespmem:s28+$0xBF00]  }
0x20e: {  	v7 =	vmul.f32 v7, v2;
	v4 =	vadd.f32 v4, v9;
	v9 =	vld [tilespmem:s28+$0xFF00]  }
0x20f: {  	v6 =	vadd.f32 v8, v6;
	v8 =	vld [tilespmem:s28+$0xBF10];
	v3 =	vmul.f32 v3, v2  }
0x210: {  	v12 =	vld [tilespmem:s28+$0xFF10];
	v4 =	vmul.f32 v7, v4  }
0x211: {  	v7 =	vld [tilespmem:s28+$0x1BF00];
	v3 =	vmul.f32 v3, v6  }
0x212: {  	v4 =	vadd.f32 v4, v5;
	v5 =	vld [tilespmem:s28+$0x17EE0]  }
0x213: {  	v6 =	vld [tilespmem:s28+$0x1BF10];
	v3 =	vadd.f32 v3, v11  }
0x214: {  	v10 =	vsub.f32 v4, v10;
	[tilespmem:s28+$0x13F00] =	vst v4;
	v4 =	vld [tilespmem:s28+$0x17EF0]  }
0x215: {  	v9 =	vmin.f32 v9, $1.000000000e+00;
	v8 =	vsub.f32 v3, v8;
	[tilespmem:s28+$0x13F10] =	vst v3;
	v3 =	vld [tilespmem:s28+$0x13EE0]  }
0x216: {  	v9 =	vmul.f32 v10, v9;
	v10 =	vmin.f32 v12, $1.000000000e+00;
	v11 =	vld [tilespmem:s28+$0x13EF0]  }
0x217: {  	v8 =	vmul.f32 v8, v10;
	v10 =	vld [tilespmem:s28+$0xBEE0]  }
0x218: {  	v5 =	vmul.f32 v5, v2;
	v7 =	vadd.f32 v7, v9;
	v9 =	vld [tilespmem:s28+$0xFEE0]  }
0x219: {  	v6 =	vadd.f32 v6, v8;
	v8 =	vld [tilespmem:s28+$0xBEF0];
	v4 =	vmul.f32 v4, v2  }
0x21a: {  	v12 =	vld [tilespmem:s28+$0xFEF0];
	v5 =	vmul.f32 v5, v7  }
0x21b: {  	v7 =	vld [tilespmem:s28+$0x1BEE0];
	v4 =	vmul.f32 v4, v6  }
0x21c: {  	v3 =	vadd.f32 v5, v3;
	v5 =	vld [tilespmem:s28+$0x17EC0]  }
0x21d: {  	v6 =	vld [tilespmem:s28+$0x1BEF0];
	v4 =	vadd.f32 v4, v11  }
0x21e: {  	v10 =	vsub.f32 v3, v10;
	[tilespmem:s28+$0x13EE0] =	vst v3;
	v3 =	vld [tilespmem:s28+$0x17ED0]  }
0x21f: {  	v9 =	vmin.f32 v9, $1.000000000e+00;
	v8 =	vsub.f32 v4, v8;
	[tilespmem:s28+$0x13EF0] =	vst v4;
	v4 =	vld [tilespmem:s28+$0x13EC0]  }
0x220: {  	v9 =	vmul.f32 v10, v9;
	v10 =	vmin.f32 v12, $1.000000000e+00;
	v11 =	vld [tilespmem:s28+$0x13ED0]  }
0x221: {  	v8 =	vmul.f32 v8, v10;
	v10 =	vld [tilespmem:s28+$0xBEC0]  }
0x222: {  	v5 =	vmul.f32 v5, v2;
	v7 =	vadd.f32 v7, v9;
	v9 =	vld [tilespmem:s28+$0xFEC0]  }
0x223: {  	v6 =	vadd.f32 v6, v8;
	v8 =	vld [tilespmem:s28+$0xBED0];
	v3 =	vmul.f32 v3, v2  }
0x224: {  	v12 =	vld [tilespmem:s28+$0xFED0];
	v5 =	vmul.f32 v5, v7  }
0x225: {  	v7 =	vld [tilespmem:s28+$0x1BEC0];
	v3 =	vmul.f32 v3, v6  }
0x226: {  	v4 =	vadd.f32 v5, v4;
	v5 =	vld [tilespmem:s28+$0x17EA0]  }
0x227: {  	v6 =	vld [tilespmem:s28+$0x1BED0];
	v3 =	vadd.f32 v3, v11  }
0x228: {  	v10 =	vsub.f32 v4, v10;
	[tilespmem:s28+$0x13EC0] =	vst v4;
	v4 =	vld [tilespmem:s28+$0x17EB0]  }
0x229: {  	v9 =	vmin.f32 v9, $1.000000000e+00;
	v8 =	vsub.f32 v3, v8;
	[tilespmem:s28+$0x13ED0] =	vst v3;
	v3 =	vld [tilespmem:s28+$0x13EA0]  }
0x22a: {  	v9 =	vmul.f32 v10, v9;
	v10 =	vmin.f32 v12, $1.000000000e+00;
	v11 =	vld [tilespmem:s28+$0x13EB0]  }
0x22b: {  	v8 =	vmul.f32 v8, v10;
	v10 =	vld [tilespmem:s28+$0xBEA0]  }
0x22c: {  	v5 =	vmul.f32 v5, v2;
	v7 =	vadd.f32 v7, v9;
	v9 =	vld [tilespmem:s28+$0xFEA0]  }
0x22d: {  	v6 =	vadd.f32 v6, v8;
	v8 =	vld [tilespmem:s28+$0xBEB0];
	v4 =	vmul.f32 v4, v2  }
0x22e: {  	v12 =	vld [tilespmem:s28+$0xFEB0];
	v5 =	vmul.f32 v5, v7  }
0x22f: {  	v7 =	vld [tilespmem:s28+$0x1BEA0];
	v4 =	vmul.f32 v4, v6  }
0x230: {  	v3 =	vadd.f32 v5, v3;
	v5 =	vld [tilespmem:s28+$0x17E80]  }
0x231: {  	v6 =	vld [tilespmem:s28+$0x1BEB0];
	v4 =	vadd.f32 v4, v11  }
0x232: {  	v10 =	vsub.f32 v3, v10;
	[tilespmem:s28+$0x13EA0] =	vst v3;
	v3 =	vld [tilespmem:s28+$0x17E90]  }
0x233: {  	v9 =	vmin.f32 v9, $1.000000000e+00;
	v8 =	vsub.f32 v4, v8;
	[tilespmem:s28+$0x13EB0] =	vst v4;
	v4 =	vld [tilespmem:s28+$0x13E80]  }
0x234: {  	v9 =	vmul.f32 v10, v9;
	v10 =	vmin.f32 v12, $1.000000000e+00;
	v11 =	vld [tilespmem:s28+$0x13E90]  }
0x235: {  	v8 =	vmul.f32 v8, v10;
	v10 =	vld [tilespmem:s28+$0xBE80]  }
0x236: {  	v5 =	vmul.f32 v5, v2;
	v7 =	vadd.f32 v7, v9;
	v9 =	vld [tilespmem:s28+$0xFE80]  }
0x237: {  	v6 =	vadd.f32 v6, v8;
	v8 =	vld [tilespmem:s28+$0xBE90];
	v3 =	vmul.f32 v3, v2  }
0x238: {  	v12 =	vld [tilespmem:s28+$0xFE90];
	v5 =	vmul.f32 v5, v7  }
0x239: {  	v7 =	vld [tilespmem:s28+$0x1BE80];
	v3 =	vmul.f32 v3, v6  }
0x23a: {  	v4 =	vadd.f32 v5, v4;
	v5 =	vld [tilespmem:s28+$0x17E60]  }
0x23b: {  	v6 =	vld [tilespmem:s28+$0x1BE90];
	v3 =	vadd.f32 v3, v11  }
0x23c: {  	v10 =	vsub.f32 v4, v10;
	[tilespmem:s28+$0x13E80] =	vst v4;
	v4 =	vld [tilespmem:s28+$0x17E70]  }
0x23d: {  	v9 =	vmin.f32 v9, $1.000000000e+00;
	v8 =	vsub.f32 v3, v8;
	[tilespmem:s28+$0x13E90] =	vst v3;
	v3 =	vld [tilespmem:s28+$0x13E60]  }
0x23e: {  	v9 =	vmul.f32 v10, v9;
	v10 =	vmin.f32 v12, $1.000000000e+00;
	v11 =	vld [tilespmem:s28+$0x13E70]  }
0x23f: {  	v8 =	vmul.f32 v8, v10;
	v10 =	vld [tilespmem:s28+$0xBE60]  }
0x240: {  	v5 =	vmul.f32 v5, v2;
	v7 =	vadd.f32 v7, v9;
	v9 =	vld [tilespmem:s28+$0xFE60]  }
0x241: {  	v6 =	vadd.f32 v6, v8;
	v8 =	vld [tilespmem:s28+$0xBE70];
	v4 =	vmul.f32 v4, v2  }
0x242: {  	v12 =	vld [tilespmem:s28+$0xFE70];
	v5 =	vmul.f32 v5, v7  }
0x243: {  	v7 =	vld [tilespmem:s28+$0x1BE60];
	v4 =	vmul.f32 v4, v6  }
0x244: {  	v3 =	vadd.f32 v5, v3;
	v5 =	vld [tilespmem:s28+$0x17E40]  }
0x245: {  	v6 =	vld [tilespmem:s28+$0x1BE70];
	v4 =	vadd.f32 v4, v11  }
0x246: {  	v10 =	vsub.f32 v3, v10;
	[tilespmem:s28+$0x13E60] =	vst v3;
	v3 =	vld [tilespmem:s28+$0x17E50]  }
0x247: {  	v9 =	vmin.f32 v9, $1.000000000e+00;
	v8 =	vsub.f32 v4, v8;
	[tilespmem:s28+$0x13E70] =	vst v4;
	v4 =	vld [tilespmem:s28+$0x13E40]  }
0x248: {  	v9 =	vmul.f32 v10, v9;
	v10 =	vmin.f32 v12, $1.000000000e+00;
	v11 =	vld [tilespmem:s28+$0x13E50]  }
0x249: {  	v8 =	vmul.f32 v8, v10;
	v10 =	vld [tilespmem:s28+$0xBE40]  }
0x24a: {  	v5 =	vmul.f32 v5, v2;
	v7 =	vadd.f32 v7, v9;
	v9 =	vld [tilespmem:s28+$0xFE40]  }
0x24b: {  	v6 =	vadd.f32 v6, v8;
	v8 =	vld [tilespmem:s28+$0xBE50];
	v3 =	vmul.f32 v3, v2  }
0x24c: {  	v12 =	vld [tilespmem:s28+$0xFE50];
	v5 =	vmul.f32 v5, v7  }
0x24d: {  	v7 =	vld [tilespmem:s28+$0x1BE40];
	v3 =	vmul.f32 v3, v6  }
0x24e: {  	v4 =	vadd.f32 v5, v4;
	v5 =	vld [tilespmem:s28+$0x17E20]  }
0x24f: {  	v6 =	vld [tilespmem:s28+$0x1BE50];
	v3 =	vadd.f32 v3, v11  }
0x250: {  	v10 =	vsub.f32 v4, v10;
	[tilespmem:s28+$0x13E40] =	vst v4;
	v4 =	vld [tilespmem:s28+$0x17E30]  }
0x251: {  	v9 =	vmin.f32 v9, $1.000000000e+00;
	v8 =	vsub.f32 v3, v8;
	[tilespmem:s28+$0x13E50] =	vst v3;
	v3 =	vld [tilespmem:s28+$0x13E20]  }
0x252: {  	v9 =	vmul.f32 v10, v9;
	v10 =	vmin.f32 v12, $1.000000000e+00;
	v11 =	vld [tilespmem:s28+$0x13E30]  }
0x253: {  	v8 =	vmul.f32 v8, v10;
	v10 =	vld [tilespmem:s28+$0xBE20]  }
0x254: {  	v5 =	vmul.f32 v5, v2;
	v7 =	vadd.f32 v7, v9;
	v9 =	vld [tilespmem:s28+$0xFE20]  }
0x255: {  	v6 =	vadd.f32 v6, v8;
	v8 =	vld [tilespmem:s28+$0xBE30];
	v4 =	vmul.f32 v4, v2  }
0x256: {  	v12 =	vld [tilespmem:s28+$0xFE30];
	v5 =	vmul.f32 v5, v7  }
0x257: {  	v7 =	vld [tilespmem:s28+$0x1BE20];
	v4 =	vmul.f32 v4, v6  }
0x258: {  	v3 =	vadd.f32 v5, v3;
	v5 =	vld [tilespmem:s28+$0x17E00]  }
0x259: {  	v6 =	vld [tilespmem:s28+$0x1BE30];
	v4 =	vadd.f32 v4, v11  }
0x25a: {  	v10 =	vsub.f32 v3, v10;
	[tilespmem:s28+$0x13E20] =	vst v3;
	v3 =	vld [tilespmem:s28+$0x17E10]  }
0x25b: {  	v9 =	vmin.f32 v9, $1.000000000e+00;
	v8 =	vsub.f32 v4, v8;
	[tilespmem:s28+$0x13E30] =	vst v4;
	v11 =	vld [tilespmem:s28+$0x13E00]  }
0x25c: {  	v4 =	vmul.f32 v10, v9;
	v9 =	vmin.f32 v12, $1.000000000e+00;
	v10 =	vld [tilespmem:s28+$0x13E10]  }
0x25d: {  	v8 =	vmul.f32 v8, v9;
	v9 =	vld [tilespmem:s28+$0xBE00]  }
0x25e: {  	v5 =	vmul.f32 v5, v2;
	v4 =	vadd.f32 v7, v4;
	v7 =	vld [tilespmem:s28+$0xFE00]  }
0x25f: {  	v6 =	vadd.f32 v6, v8;
	v8 =	vld [tilespmem:s28+$0xBE10];
	v12 =	vmul.f32 v3, v2  }
0x260: {  	v13 =	vld [tilespmem:s28+$0xFE10];
	v5 =	vmul.f32 v5, v4  }
0x261: {  	v3 =	vld [tilespmem:s28+$0x1BE00];
	v6 =	vmul.f32 v12, v6  }
.Ltmp4:
0x262: {  	v4 =	vld [tilespmem:s28+$0x1BE10];
	v5 =	vadd.f32 v5, v11;
	(pc) =	sbr.rel @p0 .LBB2_10-.Ltmp4, $4  }
0x263: {  	v6 =	vadd.f32 v6, v10  }
0x264: {  	v9 =	vsub.f32 v5, v9;
	[tilespmem:s28+$0x13E00] =	vst v5  }
0x265: {  	v7 =	vmin.f32 v7, $1.000000000e+00;
	v5 =	vsub.f32 v6, v8;
	[tilespmem:s28+$0x13E10] =	vst v6  }
0x266: {  	v6 =	vmul.f32 v9, v7;
	v7 =	vmin.f32 v13, $1.000000000e+00  }
0x267: {  	s2 =	simm.s32 $0x400;
	s26 =	sadd.s32 $0x0, s13;
	s28 =	simm.s32 $0x10000  }
.LBB2_12:
0x268: {  	[hbm4b:s26+s14] =	stream.strided.scatter [tilespmem:s28], [sflag:$0x1], $0x100, s16, s14, $0x38;
	[tilespmem:$0x1C030] =	vst v63  }
0x269: {  	s4 =	smov.u32 s2;
	p0 =	sne.s32 s2, $0xFC00  }
.Ltmp5:
0x26a: {  	s2 =	sadd.s32 $0x400, s2;
	(pc) =	sbr.rel @p0 .LBB2_12-.Ltmp5, $3  }
0x26b: {  	_ =	sdelay $0x1  }
0x26c: {  	s17 =	sshra.s32 s4, $0x2  }
0x26d: {  	s26 =	sadd.s32 s4, s13;
	s28 =	sadd.s32 $0x10000, s17  }
0x26e: {  	[hbm4b:s26+s14] =	stream.strided.scatter [tilespmem:s28], [sflag:$0x1], $0x100, s16, s14, $0x38;
	[tilespmem:$0x1C030] =	vst v63  }
0x26f: {  	_ = 	snop  }
0x270: {  	[hbm4b:s10+s5] =	stream.linear.scatter [tilespmem:s23], [sflag:$0x1], $0x20, $0x38;
	[tilespmem:$0x1C030] =	vst v63  }
0x271: {  	_ =	swait.ge [sflag:s24], $0x100  }
0x272: {  	s2 =	simm.s32 $0x3F;
	[sflag:s24] =	ssyncset.done $0x0  }
.LBB2_14:
0x273: {  	p0 =	sne.s32 s2, $0x1;
	s2 =	sadd.s32 $0xFFFFFFFF, s2;
	[sflag:s24] =	ssyncadd.s32 $0xFFFFFF00  }
.Ltmp6:
0x274: {  	(pc) =	sbr.rel @p0 .LBB2_14-.Ltmp6, $3  }
0x275: {  	_ =	sdelay $0x1  }
0x276: {  	_ =	swait.ge [sflag:s24], $0x100  }
0x277: {  	[sflag:s24] =	ssyncset.done $0x0  }
0x278: {  	s25 =	sadd.s32 $0x1, s25  }
0x279: {  	p0 =	sne.s32 s25, s11  }
.Ltmp7:
0x27a: {  	_ = 	snop;
	(pc) =	sbr.rel @p0 .LBB2_1-.Ltmp7, $4  }
0x27b: {  	[sflag:s24] =	ssyncadd.s32 $0xFFFFFF00  }
0x27c: {  	_ =	swait.ge [sflag:s24], $0x20  }
0x27d: {  	[sflag:s24] =	ssyncset.done $0x0  }
0x27e: {  	[sflag:s24] =	ssyncadd.s32 $0xFFFFFFE0  }
0x27f: {  	_ =	sfence.sel $0x180000  }
0x280: {  	[bflag:$0x0] =	sbarrier.arrive $0xFFFF  }
0x281: {  	_ =	strace $0x90000047  }
0x282: {  	s0 =	stileid.u32;
	[bflag:$0x2] =	sbarrier.arrive $0xFFFF  }
0x283: {  	p0 =	sne.s32 s0, $0x0;
	s0 =	rddreg [dreg:$0x8]  }
0x284: {  	s0 =	sadd.s32 @!p0 $0x100000, s0  }
0x285: {  	[sflag:s0] =	ssyncadd.tile.s32 @!p0 $0x1;
	_ =	shalt  }
.Lfunc_end2:
_tile_overlayer_lowered:
.L_overlay_start_2:
0x286: {  	(tag) =	ssettag $0x2  }
0x287: {  	s0 =	rddreg [dreg:$0x0];
	s2 =	stileid.u32  }
0x288: {  	s1 =	rddreg [dreg:$0x1];
	p0 =	sne.s32 s2, $0x0  }
0x289: {  	s3 =	rddreg [dreg:$0x2];
	[bflag:$0x3] =	sbarrier.arrive $0xFFFF;
	s2 =	simm.s32 @!p0 $0x1C05  }
0x28a: {  	[timem:s3], [sflag:s2] =	dma.local @!p0 [hbm:s0], s1  }
0x28b: {  	s0 =	simm.s32 @!p0 $0x5  }
0x28c: {  	_ =	swait.ge @!p0 [sflag:s0], s1  }
0x28d: {  	s1 =	ssub.s32 @!p0 $0x0, s1;
	[sflag:s0] =	ssyncset.done @!p0 $0x0  }
0x28e: {  	[sflag:s0] =	ssyncadd.s32 @!p0 s1  }
0x28f: {  	[bflag:$0x3] =	sbarrier.arrive $0xFFFF  }
0x290: {  	_ =	shalt  }

</sc_bundles>
